<compile_context>
chip_gen: v7x
topology: tpu7x:2x2x1
jax: 0.10.2.dev20260603
libtpu: 0.0.44.dev20260713+nightly
codegen_flags: <defaults>
</compile_context>

<pallas_src>
import functools

import jax
import jax.numpy as jnp
from jax import lax
from jax.experimental import pallas as pl
from jax.experimental.pallas import tpu as pltpu
from jax.experimental.pallas import tpu_sc as plsc

_N_EMBD = 64
_CHUNK = 200
_BATCH = 1024

_NC = 2
_NS = 16
_NW = _NC * _NS
_ROWS = _BATCH * _CHUNK
_ROWS_PER_W = _ROWS // _NW
_K = _CHUNK
_NCHUNK = _ROWS_PER_W // _K
_NBUF = 4
_LANES = 16
_NSL = _N_EMBD // _LANES


@functools.partial(
    pl.kernel,
    mesh=plsc.VectorSubcoreMesh(core_axis_name="c", subcore_axis_name="s"),
    out_type=jax.ShapeDtypeStruct((_ROWS, _N_EMBD), jnp.float32),
    scratch_types=[
        pltpu.VMEM((_ROWS_PER_W,), jnp.int32),
        [pltpu.VMEM((_K, _N_EMBD), jnp.float32) for _ in range(_NBUF)],
        pltpu.VMEM((_CHUNK, _N_EMBD), jnp.float32),
        [pltpu.SemaphoreType.DMA for _ in range(_NBUF)],
        [pltpu.SemaphoreType.DMA for _ in range(_NBUF)],
    ],
    compiler_params=pltpu.CompilerParams(use_tc_tiling_on_sc=False),
)
def _emb_lookup(ids_hbm, wte_hbm, wpe_hbm, out_hbm, idx_v, rows, wpe_v,
                sem_g, sem_o):
    wid = lax.axis_index("s") * _NC + lax.axis_index("c")
    base = wid * _ROWS_PER_W
    pltpu.sync_copy(ids_hbm.at[pl.ds(base, _ROWS_PER_W)], idx_v)
    pltpu.sync_copy(wpe_hbm, wpe_v)

    def start_gather(g, b):
        pltpu.async_copy(wte_hbm.at[idx_v.at[pl.ds(g * _K, _K)]], rows[b],
                         sem_g[b])

    def wait_gather(b):
        pltpu.make_async_copy(wte_hbm.at[pl.ds(0, _K)], rows[b],
                              sem_g[b]).wait()

    def wait_out(b):
        pltpu.make_async_copy(rows[b], out_hbm.at[pl.ds(0, _K)],
                              sem_o[b]).wait()

    def add_and_store(g, b):
        @plsc.parallel_loop(0, _K, unroll=8)
        def _(r):
            for c in range(_NSL):
                sl = pl.ds(c * _LANES, _LANES)
                rows[b][r, sl] = rows[b][r, sl] + wpe_v[r, sl]

        pltpu.async_copy(rows[b], out_hbm.at[pl.ds(base + g * _K, _K)],
                         sem_o[b])

    start_gather(0, 0)
    start_gather(1, 1)
    start_gather(2, 2)
    wait_gather(0)
    add_and_store(0, 0)
    start_gather(3, 3)
    wait_gather(1)
    add_and_store(1, 1)

    def steady(g, b):
        nb = (b + 2) % _NBUF
        wait_out(nb)
        start_gather(g + 2, nb)
        wait_gather(b)
        add_and_store(g, b)

    def quad_body(i, carry):
        g = _NBUF * i + 2
        for b in range(_NBUF):
            steady(g + b, (2 + b) % _NBUF)
        return carry

    lax.fori_loop(0, (_NCHUNK - 4) // _NBUF, quad_body, 0)

    wait_out(0)
    wait_gather(2)
    add_and_store(_NCHUNK - 2, 2)
    wait_out(1)
    wait_gather(3)
    add_and_store(_NCHUNK - 1, 3)
    wait_out(2)
    wait_out(3)


def kernel(input_ids, wte, wpe):
    ids_flat = input_ids.reshape(-1).astype(jnp.int32)
    out = _emb_lookup(ids_flat, wte, wpe)
    return out.reshape(_BATCH, _CHUNK, _N_EMBD)

# --- scband reference (transcript-rebuilt; emitter-appended) ---
"""Pipeline reference for scband-t0-807453852300 (READ-ONLY COPY).

The authoritative reference and input builder live on the scoring server;
editing this copy changes nothing except your own understanding.
"""

import jax, jax.numpy as jnp
import numpy as np

VOCAB = 1000000
N_EMBD = 64
CHUNK = 200
BATCH = 1024

def setup_inputs(seed: int = 0) -> dict:
    key = jax.random.key(seed)
    k1, k2, k3 = jax.random.split(key, 3)
    input_ids = jax.random.randint(k1, (BATCH, CHUNK), 0, VOCAB, dtype=jnp.int64 if jax.config.jax_enable_x64 else jnp.int32)
    wte = jax.random.normal(k2, (VOCAB, N_EMBD), dtype=jnp.float32) * 0.02
    wpe = jax.random.normal(k3, (CHUNK, N_EMBD), dtype=jnp.float32) * 0.02
    return {"input_ids": input_ids, "wte": wte, "wpe": wpe}

def reference(input_ids, wte, wpe):
    # token embedding: gather rows of wte
    token_emb = jnp.take(wte, input_ids, axis=0)  # [B, CHUNK, N_EMBD]
    # positional embedding: gather rows 0..CHUNK-1 of wpe, broadcast over batch
    positions = jnp.arange(CHUNK)
    pos_emb = jnp.take(wpe, positions, axis=0)[None, :, :]  # [1, CHUNK, N_EMBD]
    return token_emb + pos_emb

if __name__ == "__main__":
    import jax
    _d = setup_inputs()
    print(jax.jit(kernel)(*tuple(_d.values())))

</pallas_src>

<mosaic_0001>
#map = affine_map<(d0, d1) -> (0)>
#map1 = affine_map<(d0, d1) -> (0, 0)>
module attributes {stable_mosaic.version = 14 : i64} {
  func.func @_emb_lookup(%arg0: i32, %arg1: i32, %arg2: memref<204800xi32, #tpu.memory_space<hbm>>, %arg3: memref<1000000x64xf32, #tpu.memory_space<hbm>>, %arg4: memref<200x64xf32, #tpu.memory_space<hbm>>, %arg5: memref<204800x64xf32, #tpu.memory_space<hbm>>, %arg6: memref<6400xi32, #tpu.memory_space<vmem>>, %arg7: memref<200x64xf32, #tpu.memory_space<vmem>>, %arg8: memref<200x64xf32, #tpu.memory_space<vmem>>, %arg9: memref<200x64xf32, #tpu.memory_space<vmem>>, %arg10: memref<200x64xf32, #tpu.memory_space<vmem>>, %arg11: memref<200x64xf32, #tpu.memory_space<vmem>>, %arg12: memref<!tpu.dma_semaphore, #tpu.memory_space<semaphore_mem>>, %arg13: memref<!tpu.dma_semaphore, #tpu.memory_space<semaphore_mem>>, %arg14: memref<!tpu.dma_semaphore, #tpu.memory_space<semaphore_mem>>, %arg15: memref<!tpu.dma_semaphore, #tpu.memory_space<semaphore_mem>>, %arg16: memref<!tpu.dma_semaphore, #tpu.memory_space<semaphore_mem>>, %arg17: memref<!tpu.dma_semaphore, #tpu.memory_space<semaphore_mem>>, %arg18: memref<!tpu.dma_semaphore, #tpu.memory_space<semaphore_mem>>, %arg19: memref<!tpu.dma_semaphore, #tpu.memory_space<semaphore_mem>>) attributes {dimension_semantics = [#tpu.dimension_semantics<core_parallel>, #tpu.dimension_semantics<subcore_parallel>], iteration_bounds = array<i64: 2, 16>, scalar_prefetch = 0 : i64, scratch_operands = 14 : i64, tpu.core_type = #tpu.core_type<sc_vector_subcore>, window_params = [{transform_indices = #map}, {transform_indices = #map1}, {transform_indices = #map1}, {transform_indices = #map1}]} {
    %mul3A = arith.constant 2 : i32
    %mul3A_0 = arith.muli %arg1, %mul3A : i32
    %add3A = arith.addi %mul3A_0, %arg0 : i32
    %mul3A_1 = arith.constant 6400 : i32
    %mul3A_2 = arith.muli %add3A, %mul3A_1 : i32
    "tpu.region"() ({
      %run_scoped3A = tpu.sem_alloc : memref<!tpu.dma_semaphore, #tpu.memory_space<semaphore_mem>>
      %dma_start3A_109 = tpu.memref_slice %arg2[%mul3A_2] : memref<204800xi32, #tpu.memory_space<hbm>> -> memref<6400xi32, #tpu.memory_space<hbm>>
      %dma_start3A_110 = tpu.memref_slice %arg2[%mul3A_2] : memref<204800xi32, #tpu.memory_space<hbm>> -> memref<6400xi32, #tpu.memory_space<hbm>>
      tpu.enqueue_dma source(%dma_start3A_110 : memref<6400xi32, #tpu.memory_space<hbm>>) target(%arg6 : memref<6400xi32, #tpu.memory_space<vmem>>) target_semaphore(%run_scoped3A : memref<!tpu.dma_semaphore, #tpu.memory_space<semaphore_mem>>)
      %dma_wait3A_111 = tpu.memref_slice %arg2[%mul3A_2] : memref<204800xi32, #tpu.memory_space<hbm>> -> memref<6400xi32, #tpu.memory_space<hbm>>
      %dma_wait3A_112 = tpu.memref_slice %arg2[%mul3A_2] : memref<204800xi32, #tpu.memory_space<hbm>> -> memref<6400xi32, #tpu.memory_space<hbm>>
      tpu.wait_dma2 semaphore(%run_scoped3A : memref<!tpu.dma_semaphore, #tpu.memory_space<semaphore_mem>>) src(%dma_wait3A_112 : memref<6400xi32, #tpu.memory_space<hbm>>) dst(%arg6 : memref<6400xi32, #tpu.memory_space<vmem>>)
      tpu.yield
    }) : () -> ()
    "tpu.region"() ({
      %run_scoped3A = tpu.sem_alloc : memref<!tpu.dma_semaphore, #tpu.memory_space<semaphore_mem>>
      tpu.enqueue_dma source(%arg4 : memref<200x64xf32, #tpu.memory_space<hbm>>) target(%arg11 : memref<200x64xf32, #tpu.memory_space<vmem>>) target_semaphore(%run_scoped3A : memref<!tpu.dma_semaphore, #tpu.memory_space<semaphore_mem>>)
      tpu.wait_dma2 semaphore(%run_scoped3A : memref<!tpu.dma_semaphore, #tpu.memory_space<semaphore_mem>>) src(%arg4 : memref<200x64xf32, #tpu.memory_space<hbm>>) dst(%arg11 : memref<200x64xf32, #tpu.memory_space<vmem>>)
      tpu.yield
    }) : () -> ()
    %dma_start3A = arith.constant 0 : i32
    %dma_start3A_3 = tpu.memref_slice %arg6[%dma_start3A] : memref<6400xi32, #tpu.memory_space<vmem>> -> memref<200xi32, #tpu.memory_space<vmem>>
    %dma_start3A_4 = arith.constant 0 : i32
    %dma_start3A_5 = arith.constant 0 : i32
    %dma_start3A_6 = tpu.memref_slice %arg3[%dma_start3A_4, %dma_start3A_5] : memref<1000000x64xf32, #tpu.memory_space<hbm>> -> memref<1000000x64xf32, #tpu.memory_space<hbm>>
    tpu.enqueue_indirect_dma source(%dma_start3A_6 : memref<1000000x64xf32, #tpu.memory_space<hbm>>) target(%arg7 : memref<200x64xf32, #tpu.memory_space<vmem>>) offsets(%dma_start3A_3 : memref<200xi32, #tpu.memory_space<vmem>>) semaphore(%arg12 : memref<!tpu.dma_semaphore, #tpu.memory_space<semaphore_mem>>)
    %dma_start3A_7 = arith.constant 200 : i32
    %dma_start3A_8 = tpu.memref_slice %arg6[%dma_start3A_7] : memref<6400xi32, #tpu.memory_space<vmem>> -> memref<200xi32, #tpu.memory_space<vmem>>
    %dma_start3A_9 = arith.constant 0 : i32
    %dma_start3A_10 = arith.constant 0 : i32
    %dma_start3A_11 = tpu.memref_slice %arg3[%dma_start3A_9, %dma_start3A_10] : memref<1000000x64xf32, #tpu.memory_space<hbm>> -> memref<1000000x64xf32, #tpu.memory_space<hbm>>
    tpu.enqueue_indirect_dma source(%dma_start3A_11 : memref<1000000x64xf32, #tpu.memory_space<hbm>>) target(%arg8 : memref<200x64xf32, #tpu.memory_space<vmem>>) offsets(%dma_start3A_8 : memref<200xi32, #tpu.memory_space<vmem>>) semaphore(%arg13 : memref<!tpu.dma_semaphore, #tpu.memory_space<semaphore_mem>>)
    %dma_start3A_12 = arith.constant 400 : i32
    %dma_start3A_13 = tpu.memref_slice %arg6[%dma_start3A_12] : memref<6400xi32, #tpu.memory_space<vmem>> -> memref<200xi32, #tpu.memory_space<vmem>>
    %dma_start3A_14 = arith.constant 0 : i32
    %dma_start3A_15 = arith.constant 0 : i32
    %dma_start3A_16 = tpu.memref_slice %arg3[%dma_start3A_14, %dma_start3A_15] : memref<1000000x64xf32, #tpu.memory_space<hbm>> -> memref<1000000x64xf32, #tpu.memory_space<hbm>>
    tpu.enqueue_indirect_dma source(%dma_start3A_16 : memref<1000000x64xf32, #tpu.memory_space<hbm>>) target(%arg9 : memref<200x64xf32, #tpu.memory_space<vmem>>) offsets(%dma_start3A_13 : memref<200xi32, #tpu.memory_space<vmem>>) semaphore(%arg14 : memref<!tpu.dma_semaphore, #tpu.memory_space<semaphore_mem>>)
    %dma_wait3A = arith.constant 0 : i32
    %dma_wait3A_17 = arith.constant 0 : i32
    %dma_wait3A_18 = tpu.memref_slice %arg3[%dma_wait3A, %dma_wait3A_17] : memref<1000000x64xf32, #tpu.memory_space<hbm>> -> memref<200x64xf32, #tpu.memory_space<hbm>>
    %dma_wait3A_19 = arith.constant 0 : i32
    %dma_wait3A_20 = arith.constant 0 : i32
    %dma_wait3A_21 = tpu.memref_slice %arg3[%dma_wait3A_19, %dma_wait3A_20] : memref<1000000x64xf32, #tpu.memory_space<hbm>> -> memref<200x64xf32, #tpu.memory_space<hbm>>
    tpu.wait_dma2 semaphore(%arg12 : memref<!tpu.dma_semaphore, #tpu.memory_space<semaphore_mem>>) src(%dma_wait3A_21 : memref<200x64xf32, #tpu.memory_space<hbm>>) dst(%arg7 : memref<200x64xf32, #tpu.memory_space<vmem>>)
    %parallel_loop3A = arith.constant 0 : i32
    %parallel_loop3A_22 = arith.constant 200 : i32
    %parallel_loop3A_23 = arith.constant 1 : i32
    scf.for %parallel_loop3A_109 = %parallel_loop3A to %parallel_loop3A_22 step %parallel_loop3A_23  : i32 {
      %parallel_loop3A_110 = arith.index_cast %parallel_loop3A_109 : i32 to index
      %parallel_loop3A_111 = arith.constant 0 : index
      %parallel_loop3A_112 = tpu.vector_load %arg7[%parallel_loop3A_110, %parallel_loop3A_111] {strides = array<i32>} : memref<200x64xf32, #tpu.memory_space<vmem>>, vector<1x16xf32>,
      %parallel_loop3A_113 = vector.shape_cast %parallel_loop3A_112 : vector<1x16xf32> to vector<16xf32>
      %parallel_loop3A_114 = arith.index_cast %parallel_loop3A_109 : i32 to index
      %parallel_loop3A_115 = arith.constant 0 : index
      %parallel_loop3A_116 = tpu.vector_load %arg11[%parallel_loop3A_114, %parallel_loop3A_115] {strides = array<i32>} : memref<200x64xf32, #tpu.memory_space<vmem>>, vector<1x16xf32>,
      %parallel_loop3A_117 = vector.shape_cast %parallel_loop3A_116 : vector<1x16xf32> to vector<16xf32>
      %parallel_loop3A_118 = arith.addf %parallel_loop3A_113, %parallel_loop3A_117 : vector<16xf32>
      %parallel_loop3A_119 = arith.index_cast %parallel_loop3A_109 : i32 to index
      %parallel_loop3A_120 = arith.constant 0 : index
      %parallel_loop3A_121 = tpu.vector_load %arg7[%parallel_loop3A_119, %parallel_loop3A_120] {strides = array<i32>} : memref<200x64xf32, #tpu.memory_space<vmem>>, vector<1x16xf32>,
      %parallel_loop3A_122 = vector.shape_cast %parallel_loop3A_121 : vector<1x16xf32> to vector<16xf32>
      %parallel_loop3A_123 = vector.shape_cast %parallel_loop3A_118 : vector<16xf32> to vector<1x16xf32>
      tpu.vector_store %arg7[%parallel_loop3A_119, %parallel_loop3A_120], %parallel_loop3A_123 {strides = array<i32>} : memref<200x64xf32, #tpu.memory_space<vmem>>, vector<1x16xf32>,
      %parallel_loop3A_124 = arith.index_cast %parallel_loop3A_109 : i32 to index
      %parallel_loop3A_125 = arith.constant 16 : index
      %parallel_loop3A_126 = tpu.vector_load %arg7[%parallel_loop3A_124, %parallel_loop3A_125] {strides = array<i32>} : memref<200x64xf32, #tpu.memory_space<vmem>>, vector<1x16xf32>,
      %parallel_loop3A_127 = vector.shape_cast %parallel_loop3A_126 : vector<1x16xf32> to vector<16xf32>
      %parallel_loop3A_128 = arith.index_cast %parallel_loop3A_109 : i32 to index
      %parallel_loop3A_129 = arith.constant 16 : index
      %parallel_loop3A_130 = tpu.vector_load %arg11[%parallel_loop3A_128, %parallel_loop3A_129] {strides = array<i32>} : memref<200x64xf32, #tpu.memory_space<vmem>>, vector<1x16xf32>,
      %parallel_loop3A_131 = vector.shape_cast %parallel_loop3A_130 : vector<1x16xf32> to vector<16xf32>
      %parallel_loop3A_132 = arith.addf %parallel_loop3A_127, %parallel_loop3A_131 : vector<16xf32>
      %parallel_loop3A_133 = arith.index_cast %parallel_loop3A_109 : i32 to index
      %parallel_loop3A_134 = arith.constant 16 : index
      %parallel_loop3A_135 = tpu.vector_load %arg7[%parallel_loop3A_133, %parallel_loop3A_134] {strides = array<i32>} : memref<200x64xf32, #tpu.memory_space<vmem>>, vector<1x16xf32>,
      %parallel_loop3A_136 = vector.shape_cast %parallel_loop3A_135 : vector<1x16xf32> to vector<16xf32>
      %parallel_loop3A_137 = vector.shape_cast %parallel_loop3A_132 : vector<16xf32> to vector<1x16xf32>
      tpu.vector_store %arg7[%parallel_loop3A_133, %parallel_loop3A_134], %parallel_loop3A_137 {strides = array<i32>} : memref<200x64xf32, #tpu.memory_space<vmem>>, vector<1x16xf32>,
      %parallel_loop3A_138 = arith.index_cast %parallel_loop3A_109 : i32 to index
      %parallel_loop3A_139 = arith.constant 32 : index
      %parallel_loop3A_140 = tpu.vector_load %arg7[%parallel_loop3A_138, %parallel_loop3A_139] {strides = array<i32>} : memref<200x64xf32, #tpu.memory_space<vmem>>, vector<1x16xf32>,
      %parallel_loop3A_141 = vector.shape_cast %parallel_loop3A_140 : vector<1x16xf32> to vector<16xf32>
      %parallel_loop3A_142 = arith.index_cast %parallel_loop3A_109 : i32 to index
      %parallel_loop3A_143 = arith.constant 32 : index
      %parallel_loop3A_144 = tpu.vector_load %arg11[%parallel_loop3A_142, %parallel_loop3A_143] {strides = array<i32>} : memref<200x64xf32, #tpu.memory_space<vmem>>, vector<1x16xf32>,
      %parallel_loop3A_145 = vector.shape_cast %parallel_loop3A_144 : vector<1x16xf32> to vector<16xf32>
      %parallel_loop3A_146 = arith.addf %parallel_loop3A_141, %parallel_loop3A_145 : vector<16xf32>
      %parallel_loop3A_147 = arith.index_cast %parallel_loop3A_109 : i32 to index
      %parallel_loop3A_148 = arith.constant 32 : index
      %parallel_loop3A_149 = tpu.vector_load %arg7[%parallel_loop3A_147, %parallel_loop3A_148] {strides = array<i32>} : memref<200x64xf32, #tpu.memory_space<vmem>>, vector<1x16xf32>,
      %parallel_loop3A_150 = vector.shape_cast %parallel_loop3A_149 : vector<1x16xf32> to vector<16xf32>
      %parallel_loop3A_151 = vector.shape_cast %parallel_loop3A_146 : vector<16xf32> to vector<1x16xf32>
      tpu.vector_store %arg7[%parallel_loop3A_147, %parallel_loop3A_148], %parallel_loop3A_151 {strides = array<i32>} : memref<200x64xf32, #tpu.memory_space<vmem>>, vector<1x16xf32>,
      %parallel_loop3A_152 = arith.index_cast %parallel_loop3A_109 : i32 to index
      %parallel_loop3A_153 = arith.constant 48 : index
      %parallel_loop3A_154 = tpu.vector_load %arg7[%parallel_loop3A_152, %parallel_loop3A_153] {strides = array<i32>} : memref<200x64xf32, #tpu.memory_space<vmem>>, vector<1x16xf32>,
      %parallel_loop3A_155 = vector.shape_cast %parallel_loop3A_154 : vector<1x16xf32> to vector<16xf32>
      %parallel_loop3A_156 = arith.index_cast %parallel_loop3A_109 : i32 to index
      %parallel_loop3A_157 = arith.constant 48 : index
      %parallel_loop3A_158 = tpu.vector_load %arg11[%parallel_loop3A_156, %parallel_loop3A_157] {strides = array<i32>} : memref<200x64xf32, #tpu.memory_space<vmem>>, vector<1x16xf32>,
      %parallel_loop3A_159 = vector.shape_cast %parallel_loop3A_158 : vector<1x16xf32> to vector<16xf32>
      %parallel_loop3A_160 = arith.addf %parallel_loop3A_155, %parallel_loop3A_159 : vector<16xf32>
      %parallel_loop3A_161 = arith.index_cast %parallel_loop3A_109 : i32 to index
      %parallel_loop3A_162 = arith.constant 48 : index
      %parallel_loop3A_163 = tpu.vector_load %arg7[%parallel_loop3A_161, %parallel_loop3A_162] {strides = array<i32>} : memref<200x64xf32, #tpu.memory_space<vmem>>, vector<1x16xf32>,
      %parallel_loop3A_164 = vector.shape_cast %parallel_loop3A_163 : vector<1x16xf32> to vector<16xf32>
      %parallel_loop3A_165 = vector.shape_cast %parallel_loop3A_160 : vector<16xf32> to vector<1x16xf32>
      tpu.vector_store %arg7[%parallel_loop3A_161, %parallel_loop3A_162], %parallel_loop3A_165 {strides = array<i32>} : memref<200x64xf32, #tpu.memory_space<vmem>>, vector<1x16xf32>,
    } {sc.loop_unroll_factor = 8 : i64, sc.parallel_access}
    %add3A_24 = arith.constant 0 : i32
    %add3A_25 = arith.addi %mul3A_2, %add3A_24 : i32
    %dma_start3A_26 = arith.constant 0 : i32
    %dma_start3A_27 = tpu.memref_slice %arg5[%add3A_25, %dma_start3A_26] : memref<204800x64xf32, #tpu.memory_space<hbm>> -> memref<200x64xf32, #tpu.memory_space<hbm>>
    %dma_start3A_28 = arith.constant 0 : i32
    %dma_start3A_29 = tpu.memref_slice %arg5[%add3A_25, %dma_start3A_28] : memref<204800x64xf32, #tpu.memory_space<hbm>> -> memref<200x64xf32, #tpu.memory_space<hbm>>
    tpu.enqueue_dma source(%arg7 : memref<200x64xf32, #tpu.memory_space<vmem>>) target(%dma_start3A_29 : memref<200x64xf32, #tpu.memory_space<hbm>>) target_semaphore(%arg16 : memref<!tpu.dma_semaphore, #tpu.memory_space<semaphore_mem>>)
    %dma_start3A_30 = arith.constant 600 : i32
    %dma_start3A_31 = tpu.memref_slice %arg6[%dma_start3A_30] : memref<6400xi32, #tpu.memory_space<vmem>> -> memref<200xi32, #tpu.memory_space<vmem>>
    %dma_start3A_32 = arith.constant 0 : i32
    %dma_start3A_33 = arith.constant 0 : i32
    %dma_start3A_34 = tpu.memref_slice %arg3[%dma_start3A_32, %dma_start3A_33] : memref<1000000x64xf32, #tpu.memory_space<hbm>> -> memref<1000000x64xf32, #tpu.memory_space<hbm>>
    tpu.enqueue_indirect_dma source(%dma_start3A_34 : memref<1000000x64xf32, #tpu.memory_space<hbm>>) target(%arg10 : memref<200x64xf32, #tpu.memory_space<vmem>>) offsets(%dma_start3A_31 : memref<200xi32, #tpu.memory_space<vmem>>) semaphore(%arg15 : memref<!tpu.dma_semaphore, #tpu.memory_space<semaphore_mem>>)
    %dma_wait3A_35 = arith.constant 0 : i32
    %dma_wait3A_36 = arith.constant 0 : i32
    %dma_wait3A_37 = tpu.memref_slice %arg3[%dma_wait3A_35, %dma_wait3A_36] : memref<1000000x64xf32, #tpu.memory_space<hbm>> -> memref<200x64xf32, #tpu.memory_space<hbm>>
    %dma_wait3A_38 = arith.constant 0 : i32
    %dma_wait3A_39 = arith.constant 0 : i32
    %dma_wait3A_40 = tpu.memref_slice %arg3[%dma_wait3A_38, %dma_wait3A_39] : memref<1000000x64xf32, #tpu.memory_space<hbm>> -> memref<200x64xf32, #tpu.memory_space<hbm>>
    tpu.wait_dma2 semaphore(%arg13 : memref<!tpu.dma_semaphore, #tpu.memory_space<semaphore_mem>>) src(%dma_wait3A_40 : memref<200x64xf32, #tpu.memory_space<hbm>>) dst(%arg8 : memref<200x64xf32, #tpu.memory_space<vmem>>)
    %parallel_loop3A_41 = arith.constant 0 : i32
    %parallel_loop3A_42 = arith.constant 200 : i32
    %parallel_loop3A_43 = arith.constant 1 : i32
    scf.for %parallel_loop3A_109 = %parallel_loop3A_41 to %parallel_loop3A_42 step %parallel_loop3A_43  : i32 {
      %parallel_loop3A_110 = arith.index_cast %parallel_loop3A_109 : i32 to index
      %parallel_loop3A_111 = arith.constant 0 : index
      %parallel_loop3A_112 = tpu.vector_load %arg8[%parallel_loop3A_110, %parallel_loop3A_111] {strides = array<i32>} : memref<200x64xf32, #tpu.memory_space<vmem>>, vector<1x16xf32>,
      %parallel_loop3A_113 = vector.shape_cast %parallel_loop3A_112 : vector<1x16xf32> to vector<16xf32>
      %parallel_loop3A_114 = arith.index_cast %parallel_loop3A_109 : i32 to index
      %parallel_loop3A_115 = arith.constant 0 : index
      %parallel_loop3A_116 = tpu.vector_load %arg11[%parallel_loop3A_114, %parallel_loop3A_115] {strides = array<i32>} : memref<200x64xf32, #tpu.memory_space<vmem>>, vector<1x16xf32>,
      %parallel_loop3A_117 = vector.shape_cast %parallel_loop3A_116 : vector<1x16xf32> to vector<16xf32>
      %parallel_loop3A_118 = arith.addf %parallel_loop3A_113, %parallel_loop3A_117 : vector<16xf32>
      %parallel_loop3A_119 = arith.index_cast %parallel_loop3A_109 : i32 to index
      %parallel_loop3A_120 = arith.constant 0 : index
      %parallel_loop3A_121 = tpu.vector_load %arg8[%parallel_loop3A_119, %parallel_loop3A_120] {strides = array<i32>} : memref<200x64xf32, #tpu.memory_space<vmem>>, vector<1x16xf32>,
      %parallel_loop3A_122 = vector.shape_cast %parallel_loop3A_121 : vector<1x16xf32> to vector<16xf32>
      %parallel_loop3A_123 = vector.shape_cast %parallel_loop3A_118 : vector<16xf32> to vector<1x16xf32>
      tpu.vector_store %arg8[%parallel_loop3A_119, %parallel_loop3A_120], %parallel_loop3A_123 {strides = array<i32>} : memref<200x64xf32, #tpu.memory_space<vmem>>, vector<1x16xf32>,
      %parallel_loop3A_124 = arith.index_cast %parallel_loop3A_109 : i32 to index
      %parallel_loop3A_125 = arith.constant 16 : index
      %parallel_loop3A_126 = tpu.vector_load %arg8[%parallel_loop3A_124, %parallel_loop3A_125] {strides = array<i32>} : memref<200x64xf32, #tpu.memory_space<vmem>>, vector<1x16xf32>,
      %parallel_loop3A_127 = vector.shape_cast %parallel_loop3A_126 : vector<1x16xf32> to vector<16xf32>
      %parallel_loop3A_128 = arith.index_cast %parallel_loop3A_109 : i32 to index
      %parallel_loop3A_129 = arith.constant 16 : index
      %parallel_loop3A_130 = tpu.vector_load %arg11[%parallel_loop3A_128, %parallel_loop3A_129] {strides = array<i32>} : memref<200x64xf32, #tpu.memory_space<vmem>>, vector<1x16xf32>,
      %parallel_loop3A_131 = vector.shape_cast %parallel_loop3A_130 : vector<1x16xf32> to vector<16xf32>
      %parallel_loop3A_132 = arith.addf %parallel_loop3A_127, %parallel_loop3A_131 : vector<16xf32>
      %parallel_loop3A_133 = arith.index_cast %parallel_loop3A_109 : i32 to index
      %parallel_loop3A_134 = arith.constant 16 : index
      %parallel_loop3A_135 = tpu.vector_load %arg8[%parallel_loop3A_133, %parallel_loop3A_134] {strides = array<i32>} : memref<200x64xf32, #tpu.memory_space<vmem>>, vector<1x16xf32>,
      %parallel_loop3A_136 = vector.shape_cast %parallel_loop3A_135 : vector<1x16xf32> to vector<16xf32>
      %parallel_loop3A_137 = vector.shape_cast %parallel_loop3A_132 : vector<16xf32> to vector<1x16xf32>
      tpu.vector_store %arg8[%parallel_loop3A_133, %parallel_loop3A_134], %parallel_loop3A_137 {strides = array<i32>} : memref<200x64xf32, #tpu.memory_space<vmem>>, vector<1x16xf32>,
      %parallel_loop3A_138 = arith.index_cast %parallel_loop3A_109 : i32 to index
      %parallel_loop3A_139 = arith.constant 32 : index
      %parallel_loop3A_140 = tpu.vector_load %arg8[%parallel_loop3A_138, %parallel_loop3A_139] {strides = array<i32>} : memref<200x64xf32, #tpu.memory_space<vmem>>, vector<1x16xf32>,
      %parallel_loop3A_141 = vector.shape_cast %parallel_loop3A_140 : vector<1x16xf32> to vector<16xf32>
      %parallel_loop3A_142 = arith.index_cast %parallel_loop3A_109 : i32 to index
      %parallel_loop3A_143 = arith.constant 32 : index
      %parallel_loop3A_144 = tpu.vector_load %arg11[%parallel_loop3A_142, %parallel_loop3A_143] {strides = array<i32>} : memref<200x64xf32, #tpu.memory_space<vmem>>, vector<1x16xf32>,
      %parallel_loop3A_145 = vector.shape_cast %parallel_loop3A_144 : vector<1x16xf32> to vector<16xf32>
      %parallel_loop3A_146 = arith.addf %parallel_loop3A_141, %parallel_loop3A_145 : vector<16xf32>
      %parallel_loop3A_147 = arith.index_cast %parallel_loop3A_109 : i32 to index
      %parallel_loop3A_148 = arith.constant 32 : index
      %parallel_loop3A_149 = tpu.vector_load %arg8[%parallel_loop3A_147, %parallel_loop3A_148] {strides = array<i32>} : memref<200x64xf32, #tpu.memory_space<vmem>>, vector<1x16xf32>,
      %parallel_loop3A_150 = vector.shape_cast %parallel_loop3A_149 : vector<1x16xf32> to vector<16xf32>
      %parallel_loop3A_151 = vector.shape_cast %parallel_loop3A_146 : vector<16xf32> to vector<1x16xf32>
      tpu.vector_store %arg8[%parallel_loop3A_147, %parallel_loop3A_148], %parallel_loop3A_151 {strides = array<i32>} : memref<200x64xf32, #tpu.memory_space<vmem>>, vector<1x16xf32>,
      %parallel_loop3A_152 = arith.index_cast %parallel_loop3A_109 : i32 to index
      %parallel_loop3A_153 = arith.constant 48 : index
      %parallel_loop3A_154 = tpu.vector_load %arg8[%parallel_loop3A_152, %parallel_loop3A_153] {strides = array<i32>} : memref<200x64xf32, #tpu.memory_space<vmem>>, vector<1x16xf32>,
      %parallel_loop3A_155 = vector.shape_cast %parallel_loop3A_154 : vector<1x16xf32> to vector<16xf32>
      %parallel_loop3A_156 = arith.index_cast %parallel_loop3A_109 : i32 to index
      %parallel_loop3A_157 = arith.constant 48 : index
      %parallel_loop3A_158 = tpu.vector_load %arg11[%parallel_loop3A_156, %parallel_loop3A_157] {strides = array<i32>} : memref<200x64xf32, #tpu.memory_space<vmem>>, vector<1x16xf32>,
      %parallel_loop3A_159 = vector.shape_cast %parallel_loop3A_158 : vector<1x16xf32> to vector<16xf32>
      %parallel_loop3A_160 = arith.addf %parallel_loop3A_155, %parallel_loop3A_159 : vector<16xf32>
      %parallel_loop3A_161 = arith.index_cast %parallel_loop3A_109 : i32 to index
      %parallel_loop3A_162 = arith.constant 48 : index
      %parallel_loop3A_163 = tpu.vector_load %arg8[%parallel_loop3A_161, %parallel_loop3A_162] {strides = array<i32>} : memref<200x64xf32, #tpu.memory_space<vmem>>, vector<1x16xf32>,
      %parallel_loop3A_164 = vector.shape_cast %parallel_loop3A_163 : vector<1x16xf32> to vector<16xf32>
      %parallel_loop3A_165 = vector.shape_cast %parallel_loop3A_160 : vector<16xf32> to vector<1x16xf32>
      tpu.vector_store %arg8[%parallel_loop3A_161, %parallel_loop3A_162], %parallel_loop3A_165 {strides = array<i32>} : memref<200x64xf32, #tpu.memory_space<vmem>>, vector<1x16xf32>,
    } {sc.loop_unroll_factor = 8 : i64, sc.parallel_access}
    %add3A_44 = arith.constant 200 : i32
    %add3A_45 = arith.addi %mul3A_2, %add3A_44 : i32
    %dma_start3A_46 = arith.constant 0 : i32
    %dma_start3A_47 = tpu.memref_slice %arg5[%add3A_45, %dma_start3A_46] : memref<204800x64xf32, #tpu.memory_space<hbm>> -> memref<200x64xf32, #tpu.memory_space<hbm>>
    %dma_start3A_48 = arith.constant 0 : i32
    %dma_start3A_49 = tpu.memref_slice %arg5[%add3A_45, %dma_start3A_48] : memref<204800x64xf32, #tpu.memory_space<hbm>> -> memref<200x64xf32, #tpu.memory_space<hbm>>
    tpu.enqueue_dma source(%arg8 : memref<200x64xf32, #tpu.memory_space<vmem>>) target(%dma_start3A_49 : memref<200x64xf32, #tpu.memory_space<hbm>>) target_semaphore(%arg17 : memref<!tpu.dma_semaphore, #tpu.memory_space<semaphore_mem>>)
    %scan3A = arith.constant 0 : i32
    %scan3A_50 = arith.constant 0 : i32
    %scan3A_51 = arith.constant 7 : i32
    %scan3A_52 = arith.addi %scan3A_50, %scan3A_51 : i32
    %scan3A_53 = arith.constant 1 : i32
    scf.for %scan3A_109 = %scan3A_50 to %scan3A_52 step %scan3A_53  : i32 {
      %mul3A_110 = arith.constant 4 : i32
      %mul3A_111 = arith.muli %mul3A_110, %scan3A_109 : i32
      %add3A_112 = arith.constant 2 : i32
      %add3A_113 = arith.addi %mul3A_111, %add3A_112 : i32
      %add3A_114 = arith.constant 0 : i32
      %add3A_115 = arith.addi %add3A_113, %add3A_114 : i32
      %dma_wait3A_116 = arith.constant 0 : i32
      %dma_wait3A_117 = arith.constant 0 : i32
      %dma_wait3A_118 = tpu.memref_slice %arg5[%dma_wait3A_116, %dma_wait3A_117] : memref<204800x64xf32, #tpu.memory_space<hbm>> -> memref<200x64xf32, #tpu.memory_space<hbm>>
      %dma_wait3A_119 = arith.constant 0 : i32
      %dma_wait3A_120 = arith.constant 0 : i32
      %dma_wait3A_121 = tpu.memref_slice %arg5[%dma_wait3A_119, %dma_wait3A_120] : memref<204800x64xf32, #tpu.memory_space<hbm>> -> memref<200x64xf32, #tpu.memory_space<hbm>>
      tpu.wait_dma2 semaphore(%arg16 : memref<!tpu.dma_semaphore, #tpu.memory_space<semaphore_mem>>) src(%arg7 : memref<200x64xf32, #tpu.memory_space<vmem>>) dst(%dma_wait3A_121 : memref<200x64xf32, #tpu.memory_space<hbm>>)
      %add3A_122 = arith.constant 2 : i32
      %add3A_123 = arith.addi %add3A_115, %add3A_122 : i32
      %mul3A_124 = arith.constant 200 : i32
      %mul3A_125 = arith.muli %add3A_123, %mul3A_124 : i32
      %dma_start3A_126 = tpu.memref_slice %arg6[%mul3A_125] : memref<6400xi32, #tpu.memory_space<vmem>> -> memref<200xi32, #tpu.memory_space<vmem>>
      %dma_start3A_127 = arith.constant 0 : i32
      %dma_start3A_128 = arith.constant 0 : i32
      %dma_start3A_129 = tpu.memref_slice %arg3[%dma_start3A_127, %dma_start3A_128] : memref<1000000x64xf32, #tpu.memory_space<hbm>> -> memref<1000000x64xf32, #tpu.memory_space<hbm>>
      tpu.enqueue_indirect_dma source(%dma_start3A_129 : memref<1000000x64xf32, #tpu.memory_space<hbm>>) target(%arg7 : memref<200x64xf32, #tpu.memory_space<vmem>>) offsets(%dma_start3A_126 : memref<200xi32, #tpu.memory_space<vmem>>) semaphore(%arg12 : memref<!tpu.dma_semaphore, #tpu.memory_space<semaphore_mem>>)
      %dma_wait3A_130 = arith.constant 0 : i32
      %dma_wait3A_131 = arith.constant 0 : i32
      %dma_wait3A_132 = tpu.memref_slice %arg3[%dma_wait3A_130, %dma_wait3A_131] : memref<1000000x64xf32, #tpu.memory_space<hbm>> -> memref<200x64xf32, #tpu.memory_space<hbm>>
      %dma_wait3A_133 = arith.constant 0 : i32
      %dma_wait3A_134 = arith.constant 0 : i32
      %dma_wait3A_135 = tpu.memref_slice %arg3[%dma_wait3A_133, %dma_wait3A_134] : memref<1000000x64xf32, #tpu.memory_space<hbm>> -> memref<200x64xf32, #tpu.memory_space<hbm>>
      tpu.wait_dma2 semaphore(%arg14 : memref<!tpu.dma_semaphore, #tpu.memory_space<semaphore_mem>>) src(%dma_wait3A_135 : memref<200x64xf32, #tpu.memory_space<hbm>>) dst(%arg9 : memref<200x64xf32, #tpu.memory_space<vmem>>)
      %parallel_loop3A_136 = arith.constant 0 : i32
      %parallel_loop3A_137 = arith.constant 200 : i32
      %parallel_loop3A_138 = arith.constant 1 : i32
      scf.for %parallel_loop3A_242 = %parallel_loop3A_136 to %parallel_loop3A_137 step %parallel_loop3A_138  : i32 {
        %parallel_loop3A_243 = arith.index_cast %parallel_loop3A_242 : i32 to index
        %parallel_loop3A_244 = arith.constant 0 : index
        %parallel_loop3A_245 = tpu.vector_load %arg9[%parallel_loop3A_243, %parallel_loop3A_244] {strides = array<i32>} : memref<200x64xf32, #tpu.memory_space<vmem>>, vector<1x16xf32>,
        %parallel_loop3A_246 = vector.shape_cast %parallel_loop3A_245 : vector<1x16xf32> to vector<16xf32>
        %parallel_loop3A_247 = arith.index_cast %parallel_loop3A_242 : i32 to index
        %parallel_loop3A_248 = arith.constant 0 : index
        %parallel_loop3A_249 = tpu.vector_load %arg11[%parallel_loop3A_247, %parallel_loop3A_248] {strides = array<i32>} : memref<200x64xf32, #tpu.memory_space<vmem>>, vector<1x16xf32>,
        %parallel_loop3A_250 = vector.shape_cast %parallel_loop3A_249 : vector<1x16xf32> to vector<16xf32>
        %parallel_loop3A_251 = arith.addf %parallel_loop3A_246, %parallel_loop3A_250 : vector<16xf32>
        %parallel_loop3A_252 = arith.index_cast %parallel_loop3A_242 : i32 to index
        %parallel_loop3A_253 = arith.constant 0 : index
        %parallel_loop3A_254 = tpu.vector_load %arg9[%parallel_loop3A_252, %parallel_loop3A_253] {strides = array<i32>} : memref<200x64xf32, #tpu.memory_space<vmem>>, vector<1x16xf32>,
        %parallel_loop3A_255 = vector.shape_cast %parallel_loop3A_254 : vector<1x16xf32> to vector<16xf32>
        %parallel_loop3A_256 = vector.shape_cast %parallel_loop3A_251 : vector<16xf32> to vector<1x16xf32>
        tpu.vector_store %arg9[%parallel_loop3A_252, %parallel_loop3A_253], %parallel_loop3A_256 {strides = array<i32>} : memref<200x64xf32, #tpu.memory_space<vmem>>, vector<1x16xf32>,
        %parallel_loop3A_257 = arith.index_cast %parallel_loop3A_242 : i32 to index
        %parallel_loop3A_258 = arith.constant 16 : index
        %parallel_loop3A_259 = tpu.vector_load %arg9[%parallel_loop3A_257, %parallel_loop3A_258] {strides = array<i32>} : memref<200x64xf32, #tpu.memory_space<vmem>>, vector<1x16xf32>,
        %parallel_loop3A_260 = vector.shape_cast %parallel_loop3A_259 : vector<1x16xf32> to vector<16xf32>
        %parallel_loop3A_261 = arith.index_cast %parallel_loop3A_242 : i32 to index
        %parallel_loop3A_262 = arith.constant 16 : index
        %parallel_loop3A_263 = tpu.vector_load %arg11[%parallel_loop3A_261, %parallel_loop3A_262] {strides = array<i32>} : memref<200x64xf32, #tpu.memory_space<vmem>>, vector<1x16xf32>,
        %parallel_loop3A_264 = vector.shape_cast %parallel_loop3A_263 : vector<1x16xf32> to vector<16xf32>
        %parallel_loop3A_265 = arith.addf %parallel_loop3A_260, %parallel_loop3A_264 : vector<16xf32>
        %parallel_loop3A_266 = arith.index_cast %parallel_loop3A_242 : i32 to index
        %parallel_loop3A_267 = arith.constant 16 : index
        %parallel_loop3A_268 = tpu.vector_load %arg9[%parallel_loop3A_266, %parallel_loop3A_267] {strides = array<i32>} : memref<200x64xf32, #tpu.memory_space<vmem>>, vector<1x16xf32>,
        %parallel_loop3A_269 = vector.shape_cast %parallel_loop3A_268 : vector<1x16xf32> to vector<16xf32>
        %parallel_loop3A_270 = vector.shape_cast %parallel_loop3A_265 : vector<16xf32> to vector<1x16xf32>
        tpu.vector_store %arg9[%parallel_loop3A_266, %parallel_loop3A_267], %parallel_loop3A_270 {strides = array<i32>} : memref<200x64xf32, #tpu.memory_space<vmem>>, vector<1x16xf32>,
        %parallel_loop3A_271 = arith.index_cast %parallel_loop3A_242 : i32 to index
        %parallel_loop3A_272 = arith.constant 32 : index
        %parallel_loop3A_273 = tpu.vector_load %arg9[%parallel_loop3A_271, %parallel_loop3A_272] {strides = array<i32>} : memref<200x64xf32, #tpu.memory_space<vmem>>, vector<1x16xf32>,
        %parallel_loop3A_274 = vector.shape_cast %parallel_loop3A_273 : vector<1x16xf32> to vector<16xf32>
        %parallel_loop3A_275 = arith.index_cast %parallel_loop3A_242 : i32 to index
        %parallel_loop3A_276 = arith.constant 32 : index
        %parallel_loop3A_277 = tpu.vector_load %arg11[%parallel_loop3A_275, %parallel_loop3A_276] {strides = array<i32>} : memref<200x64xf32, #tpu.memory_space<vmem>>, vector<1x16xf32>,
        %parallel_loop3A_278 = vector.shape_cast %parallel_loop3A_277 : vector<1x16xf32> to vector<16xf32>
        %parallel_loop3A_279 = arith.addf %parallel_loop3A_274, %parallel_loop3A_278 : vector<16xf32>
        %parallel_loop3A_280 = arith.index_cast %parallel_loop3A_242 : i32 to index
        %parallel_loop3A_281 = arith.constant 32 : index
        %parallel_loop3A_282 = tpu.vector_load %arg9[%parallel_loop3A_280, %parallel_loop3A_281] {strides = array<i32>} : memref<200x64xf32, #tpu.memory_space<vmem>>, vector<1x16xf32>,
        %parallel_loop3A_283 = vector.shape_cast %parallel_loop3A_282 : vector<1x16xf32> to vector<16xf32>
        %parallel_loop3A_284 = vector.shape_cast %parallel_loop3A_279 : vector<16xf32> to vector<1x16xf32>
        tpu.vector_store %arg9[%parallel_loop3A_280, %parallel_loop3A_281], %parallel_loop3A_284 {strides = array<i32>} : memref<200x64xf32, #tpu.memory_space<vmem>>, vector<1x16xf32>,
        %parallel_loop3A_285 = arith.index_cast %parallel_loop3A_242 : i32 to index
        %parallel_loop3A_286 = arith.constant 48 : index
        %parallel_loop3A_287 = tpu.vector_load %arg9[%parallel_loop3A_285, %parallel_loop3A_286] {strides = array<i32>} : memref<200x64xf32, #tpu.memory_space<vmem>>, vector<1x16xf32>,
        %parallel_loop3A_288 = vector.shape_cast %parallel_loop3A_287 : vector<1x16xf32> to vector<16xf32>
        %parallel_loop3A_289 = arith.index_cast %parallel_loop3A_242 : i32 to index
        %parallel_loop3A_290 = arith.constant 48 : index
        %parallel_loop3A_291 = tpu.vector_load %arg11[%parallel_loop3A_289, %parallel_loop3A_290] {strides = array<i32>} : memref<200x64xf32, #tpu.memory_space<vmem>>, vector<1x16xf32>,
        %parallel_loop3A_292 = vector.shape_cast %parallel_loop3A_291 : vector<1x16xf32> to vector<16xf32>
        %parallel_loop3A_293 = arith.addf %parallel_loop3A_288, %parallel_loop3A_292 : vector<16xf32>
        %parallel_loop3A_294 = arith.index_cast %parallel_loop3A_242 : i32 to index
        %parallel_loop3A_295 = arith.constant 48 : index
        %parallel_loop3A_296 = tpu.vector_load %arg9[%parallel_loop3A_294, %parallel_loop3A_295] {strides = array<i32>} : memref<200x64xf32, #tpu.memory_space<vmem>>, vector<1x16xf32>,
        %parallel_loop3A_297 = vector.shape_cast %parallel_loop3A_296 : vector<1x16xf32> to vector<16xf32>
        %parallel_loop3A_298 = vector.shape_cast %parallel_loop3A_293 : vector<16xf32> to vector<1x16xf32>
        tpu.vector_store %arg9[%parallel_loop3A_294, %parallel_loop3A_295], %parallel_loop3A_298 {strides = array<i32>} : memref<200x64xf32, #tpu.memory_space<vmem>>, vector<1x16xf32>,
      } {sc.loop_unroll_factor = 8 : i64, sc.parallel_access}
      %mul3A_139 = arith.constant 200 : i32
      %mul3A_140 = arith.muli %add3A_115, %mul3A_139 : i32
      %add3A_141 = arith.addi %mul3A_2, %mul3A_140 : i32
      %dma_start3A_142 = arith.constant 0 : i32
      %dma_start3A_143 = tpu.memref_slice %arg5[%add3A_141, %dma_start3A_142] : memref<204800x64xf32, #tpu.memory_space<hbm>> -> memref<200x64xf32, #tpu.memory_space<hbm>>
      %dma_start3A_144 = arith.constant 0 : i32
      %dma_start3A_145 = tpu.memref_slice %arg5[%add3A_141, %dma_start3A_144] : memref<204800x64xf32, #tpu.memory_space<hbm>> -> memref<200x64xf32, #tpu.memory_space<hbm>>
      tpu.enqueue_dma source(%arg9 : memref<200x64xf32, #tpu.memory_space<vmem>>) target(%dma_start3A_145 : memref<200x64xf32, #tpu.memory_space<hbm>>) target_semaphore(%arg18 : memref<!tpu.dma_semaphore, #tpu.memory_space<semaphore_mem>>)
      %add3A_146 = arith.constant 1 : i32
      %add3A_147 = arith.addi %add3A_113, %add3A_146 : i32
      %dma_wait3A_148 = arith.constant 0 : i32
      %dma_wait3A_149 = arith.constant 0 : i32
      %dma_wait3A_150 = tpu.memref_slice %arg5[%dma_wait3A_148, %dma_wait3A_149] : memref<204800x64xf32, #tpu.memory_space<hbm>> -> memref<200x64xf32, #tpu.memory_space<hbm>>
      %dma_wait3A_151 = arith.constant 0 : i32
      %dma_wait3A_152 = arith.constant 0 : i32
      %dma_wait3A_153 = tpu.memref_slice %arg5[%dma_wait3A_151, %dma_wait3A_152] : memref<204800x64xf32, #tpu.memory_space<hbm>> -> memref<200x64xf32, #tpu.memory_space<hbm>>
      tpu.wait_dma2 semaphore(%arg17 : memref<!tpu.dma_semaphore, #tpu.memory_space<semaphore_mem>>) src(%arg8 : memref<200x64xf32, #tpu.memory_space<vmem>>) dst(%dma_wait3A_153 : memref<200x64xf32, #tpu.memory_space<hbm>>)
      %add3A_154 = arith.constant 2 : i32
      %add3A_155 = arith.addi %add3A_147, %add3A_154 : i32
      %mul3A_156 = arith.constant 200 : i32
      %mul3A_157 = arith.muli %add3A_155, %mul3A_156 : i32
      %dma_start3A_158 = tpu.memref_slice %arg6[%mul3A_157] : memref<6400xi32, #tpu.memory_space<vmem>> -> memref<200xi32, #tpu.memory_space<vmem>>
      %dma_start3A_159 = arith.constant 0 : i32
      %dma_start3A_160 = arith.constant 0 : i32
      %dma_start3A_161 = tpu.memref_slice %arg3[%dma_start3A_159, %dma_start3A_160] : memref<1000000x64xf32, #tpu.memory_space<hbm>> -> memref<1000000x64xf32, #tpu.memory_space<hbm>>
      tpu.enqueue_indirect_dma source(%dma_start3A_161 : memref<1000000x64xf32, #tpu.memory_space<hbm>>) target(%arg8 : memref<200x64xf32, #tpu.memory_space<vmem>>) offsets(%dma_start3A_158 : memref<200xi32, #tpu.memory_space<vmem>>) semaphore(%arg13 : memref<!tpu.dma_semaphore, #tpu.memory_space<semaphore_mem>>)
      %dma_wait3A_162 = arith.constant 0 : i32
      %dma_wait3A_163 = arith.constant 0 : i32
      %dma_wait3A_164 = tpu.memref_slice %arg3[%dma_wait3A_162, %dma_wait3A_163] : memref<1000000x64xf32, #tpu.memory_space<hbm>> -> memref<200x64xf32, #tpu.memory_space<hbm>>
      %dma_wait3A_165 = arith.constant 0 : i32
      %dma_wait3A_166 = arith.constant 0 : i32
      %dma_wait3A_167 = tpu.memref_slice %arg3[%dma_wait3A_165, %dma_wait3A_166] : memref<1000000x64xf32, #tpu.memory_space<hbm>> -> memref<200x64xf32, #tpu.memory_space<hbm>>
      tpu.wait_dma2 semaphore(%arg15 : memref<!tpu.dma_semaphore, #tpu.memory_space<semaphore_mem>>) src(%dma_wait3A_167 : memref<200x64xf32, #tpu.memory_space<hbm>>) dst(%arg10 : memref<200x64xf32, #tpu.memory_space<vmem>>)
      %parallel_loop3A_168 = arith.constant 0 : i32
      %parallel_loop3A_169 = arith.constant 200 : i32
      %parallel_loop3A_170 = arith.constant 1 : i32
      scf.for %parallel_loop3A_242 = %parallel_loop3A_168 to %parallel_loop3A_169 step %parallel_loop3A_170  : i32 {
        %parallel_loop3A_243 = arith.index_cast %parallel_loop3A_242 : i32 to index
        %parallel_loop3A_244 = arith.constant 0 : index
        %parallel_loop3A_245 = tpu.vector_load %arg10[%parallel_loop3A_243, %parallel_loop3A_244] {strides = array<i32>} : memref<200x64xf32, #tpu.memory_space<vmem>>, vector<1x16xf32>,
        %parallel_loop3A_246 = vector.shape_cast %parallel_loop3A_245 : vector<1x16xf32> to vector<16xf32>
        %parallel_loop3A_247 = arith.index_cast %parallel_loop3A_242 : i32 to index
        %parallel_loop3A_248 = arith.constant 0 : index
        %parallel_loop3A_249 = tpu.vector_load %arg11[%parallel_loop3A_247, %parallel_loop3A_248] {strides = array<i32>} : memref<200x64xf32, #tpu.memory_space<vmem>>, vector<1x16xf32>,
        %parallel_loop3A_250 = vector.shape_cast %parallel_loop3A_249 : vector<1x16xf32> to vector<16xf32>
        %parallel_loop3A_251 = arith.addf %parallel_loop3A_246, %parallel_loop3A_250 : vector<16xf32>
        %parallel_loop3A_252 = arith.index_cast %parallel_loop3A_242 : i32 to index
        %parallel_loop3A_253 = arith.constant 0 : index
        %parallel_loop3A_254 = tpu.vector_load %arg10[%parallel_loop3A_252, %parallel_loop3A_253] {strides = array<i32>} : memref<200x64xf32, #tpu.memory_space<vmem>>, vector<1x16xf32>,
        %parallel_loop3A_255 = vector.shape_cast %parallel_loop3A_254 : vector<1x16xf32> to vector<16xf32>
        %parallel_loop3A_256 = vector.shape_cast %parallel_loop3A_251 : vector<16xf32> to vector<1x16xf32>
        tpu.vector_store %arg10[%parallel_loop3A_252, %parallel_loop3A_253], %parallel_loop3A_256 {strides = array<i32>} : memref<200x64xf32, #tpu.memory_space<vmem>>, vector<1x16xf32>,
        %parallel_loop3A_257 = arith.index_cast %parallel_loop3A_242 : i32 to index
        %parallel_loop3A_258 = arith.constant 16 : index
        %parallel_loop3A_259 = tpu.vector_load %arg10[%parallel_loop3A_257, %parallel_loop3A_258] {strides = array<i32>} : memref<200x64xf32, #tpu.memory_space<vmem>>, vector<1x16xf32>,
        %parallel_loop3A_260 = vector.shape_cast %parallel_loop3A_259 : vector<1x16xf32> to vector<16xf32>
        %parallel_loop3A_261 = arith.index_cast %parallel_loop3A_242 : i32 to index
        %parallel_loop3A_262 = arith.constant 16 : index
        %parallel_loop3A_263 = tpu.vector_load %arg11[%parallel_loop3A_261, %parallel_loop3A_262] {strides = array<i32>} : memref<200x64xf32, #tpu.memory_space<vmem>>, vector<1x16xf32>,
        %parallel_loop3A_264 = vector.shape_cast %parallel_loop3A_263 : vector<1x16xf32> to vector<16xf32>
        %parallel_loop3A_265 = arith.addf %parallel_loop3A_260, %parallel_loop3A_264 : vector<16xf32>
        %parallel_loop3A_266 = arith.index_cast %parallel_loop3A_242 : i32 to index
        %parallel_loop3A_267 = arith.constant 16 : index
        %parallel_loop3A_268 = tpu.vector_load %arg10[%parallel_loop3A_266, %parallel_loop3A_267] {strides = array<i32>} : memref<200x64xf32, #tpu.memory_space<vmem>>, vector<1x16xf32>,
        %parallel_loop3A_269 = vector.shape_cast %parallel_loop3A_268 : vector<1x16xf32> to vector<16xf32>
        %parallel_loop3A_270 = vector.shape_cast %parallel_loop3A_265 : vector<16xf32> to vector<1x16xf32>
        tpu.vector_store %arg10[%parallel_loop3A_266, %parallel_loop3A_267], %parallel_loop3A_270 {strides = array<i32>} : memref<200x64xf32, #tpu.memory_space<vmem>>, vector<1x16xf32>,
        %parallel_loop3A_271 = arith.index_cast %parallel_loop3A_242 : i32 to index
        %parallel_loop3A_272 = arith.constant 32 : index
        %parallel_loop3A_273 = tpu.vector_load %arg10[%parallel_loop3A_271, %parallel_loop3A_272] {strides = array<i32>} : memref<200x64xf32, #tpu.memory_space<vmem>>, vector<1x16xf32>,
        %parallel_loop3A_274 = vector.shape_cast %parallel_loop3A_273 : vector<1x16xf32> to vector<16xf32>
        %parallel_loop3A_275 = arith.index_cast %parallel_loop3A_242 : i32 to index
        %parallel_loop3A_276 = arith.constant 32 : index
        %parallel_loop3A_277 = tpu.vector_load %arg11[%parallel_loop3A_275, %parallel_loop3A_276] {strides = array<i32>} : memref<200x64xf32, #tpu.memory_space<vmem>>, vector<1x16xf32>,
        %parallel_loop3A_278 = vector.shape_cast %parallel_loop3A_277 : vector<1x16xf32> to vector<16xf32>
        %parallel_loop3A_279 = arith.addf %parallel_loop3A_274, %parallel_loop3A_278 : vector<16xf32>
        %parallel_loop3A_280 = arith.index_cast %parallel_loop3A_242 : i32 to index
        %parallel_loop3A_281 = arith.constant 32 : index
        %parallel_loop3A_282 = tpu.vector_load %arg10[%parallel_loop3A_280, %parallel_loop3A_281] {strides = array<i32>} : memref<200x64xf32, #tpu.memory_space<vmem>>, vector<1x16xf32>,
        %parallel_loop3A_283 = vector.shape_cast %parallel_loop3A_282 : vector<1x16xf32> to vector<16xf32>
        %parallel_loop3A_284 = vector.shape_cast %parallel_loop3A_279 : vector<16xf32> to vector<1x16xf32>
        tpu.vector_store %arg10[%parallel_loop3A_280, %parallel_loop3A_281], %parallel_loop3A_284 {strides = array<i32>} : memref<200x64xf32, #tpu.memory_space<vmem>>, vector<1x16xf32>,
        %parallel_loop3A_285 = arith.index_cast %parallel_loop3A_242 : i32 to index
        %parallel_loop3A_286 = arith.constant 48 : index
        %parallel_loop3A_287 = tpu.vector_load %arg10[%parallel_loop3A_285, %parallel_loop3A_286] {strides = array<i32>} : memref<200x64xf32, #tpu.memory_space<vmem>>, vector<1x16xf32>,
        %parallel_loop3A_288 = vector.shape_cast %parallel_loop3A_287 : vector<1x16xf32> to vector<16xf32>
        %parallel_loop3A_289 = arith.index_cast %parallel_loop3A_242 : i32 to index
        %parallel_loop3A_290 = arith.constant 48 : index
        %parallel_loop3A_291 = tpu.vector_load %arg11[%parallel_loop3A_289, %parallel_loop3A_290] {strides = array<i32>} : memref<200x64xf32, #tpu.memory_space<vmem>>, vector<1x16xf32>,
        %parallel_loop3A_292 = vector.shape_cast %parallel_loop3A_291 : vector<1x16xf32> to vector<16xf32>
        %parallel_loop3A_293 = arith.addf %parallel_loop3A_288, %parallel_loop3A_292 : vector<16xf32>
        %parallel_loop3A_294 = arith.index_cast %parallel_loop3A_242 : i32 to index
        %parallel_loop3A_295 = arith.constant 48 : index
        %parallel_loop3A_296 = tpu.vector_load %arg10[%parallel_loop3A_294, %parallel_loop3A_295] {strides = array<i32>} : memref<200x64xf32, #tpu.memory_space<vmem>>, vector<1x16xf32>,
        %parallel_loop3A_297 = vector.shape_cast %parallel_loop3A_296 : vector<1x16xf32> to vector<16xf32>
        %parallel_loop3A_298 = vector.shape_cast %parallel_loop3A_293 : vector<16xf32> to vector<1x16xf32>
        tpu.vector_store %arg10[%parallel_loop3A_294, %parallel_loop3A_295], %parallel_loop3A_298 {strides = array<i32>} : memref<200x64xf32, #tpu.memory_space<vmem>>, vector<1x16xf32>,
      } {sc.loop_unroll_factor = 8 : i64, sc.parallel_access}
      %mul3A_171 = arith.constant 200 : i32
      %mul3A_172 = arith.muli %add3A_147, %mul3A_171 : i32
      %add3A_173 = arith.addi %mul3A_2, %mul3A_172 : i32
      %dma_start3A_174 = arith.constant 0 : i32
      %dma_start3A_175 = tpu.memref_slice %arg5[%add3A_173, %dma_start3A_174] : memref<204800x64xf32, #tpu.memory_space<hbm>> -> memref<200x64xf32, #tpu.memory_space<hbm>>
      %dma_start3A_176 = arith.constant 0 : i32
      %dma_start3A_177 = tpu.memref_slice %arg5[%add3A_173, %dma_start3A_176] : memref<204800x64xf32, #tpu.memory_space<hbm>> -> memref<200x64xf32, #tpu.memory_space<hbm>>
      tpu.enqueue_dma source(%arg10 : memref<200x64xf32, #tpu.memory_space<vmem>>) target(%dma_start3A_177 : memref<200x64xf32, #tpu.memory_space<hbm>>) target_semaphore(%arg19 : memref<!tpu.dma_semaphore, #tpu.memory_space<semaphore_mem>>)
      %add3A_178 = arith.constant 2 : i32
      %add3A_179 = arith.addi %add3A_113, %add3A_178 : i32
      %dma_wait3A_180 = arith.constant 0 : i32
      %dma_wait3A_181 = arith.constant 0 : i32
      %dma_wait3A_182 = tpu.memref_slice %arg5[%dma_wait3A_180, %dma_wait3A_181] : memref<204800x64xf32, #tpu.memory_space<hbm>> -> memref<200x64xf32, #tpu.memory_space<hbm>>
      %dma_wait3A_183 = arith.constant 0 : i32
      %dma_wait3A_184 = arith.constant 0 : i32
      %dma_wait3A_185 = tpu.memref_slice %arg5[%dma_wait3A_183, %dma_wait3A_184] : memref<204800x64xf32, #tpu.memory_space<hbm>> -> memref<200x64xf32, #tpu.memory_space<hbm>>
      tpu.wait_dma2 semaphore(%arg18 : memref<!tpu.dma_semaphore, #tpu.memory_space<semaphore_mem>>) src(%arg9 : memref<200x64xf32, #tpu.memory_space<vmem>>) dst(%dma_wait3A_185 : memref<200x64xf32, #tpu.memory_space<hbm>>)
      %add3A_186 = arith.constant 2 : i32
      %add3A_187 = arith.addi %add3A_179, %add3A_186 : i32
      %mul3A_188 = arith.constant 200 : i32
      %mul3A_189 = arith.muli %add3A_187, %mul3A_188 : i32
      %dma_start3A_190 = tpu.memref_slice %arg6[%mul3A_189] : memref<6400xi32, #tpu.memory_space<vmem>> -> memref<200xi32, #tpu.memory_space<vmem>>
      %dma_start3A_191 = arith.constant 0 : i32
      %dma_start3A_192 = arith.constant 0 : i32
      %dma_start3A_193 = tpu.memref_slice %arg3[%dma_start3A_191, %dma_start3A_192] : memref<1000000x64xf32, #tpu.memory_space<hbm>> -> memref<1000000x64xf32, #tpu.memory_space<hbm>>
      tpu.enqueue_indirect_dma source(%dma_start3A_193 : memref<1000000x64xf32, #tpu.memory_space<hbm>>) target(%arg9 : memref<200x64xf32, #tpu.memory_space<vmem>>) offsets(%dma_start3A_190 : memref<200xi32, #tpu.memory_space<vmem>>) semaphore(%arg14 : memref<!tpu.dma_semaphore, #tpu.memory_space<semaphore_mem>>)
      %dma_wait3A_194 = arith.constant 0 : i32
      %dma_wait3A_195 = arith.constant 0 : i32
      %dma_wait3A_196 = tpu.memref_slice %arg3[%dma_wait3A_194, %dma_wait3A_195] : memref<1000000x64xf32, #tpu.memory_space<hbm>> -> memref<200x64xf32, #tpu.memory_space<hbm>>
      %dma_wait3A_197 = arith.constant 0 : i32
      %dma_wait3A_198 = arith.constant 0 : i32
      %dma_wait3A_199 = tpu.memref_slice %arg3[%dma_wait3A_197, %dma_wait3A_198] : memref<1000000x64xf32, #tpu.memory_space<hbm>> -> memref<200x64xf32, #tpu.memory_space<hbm>>
      tpu.wait_dma2 semaphore(%arg12 : memref<!tpu.dma_semaphore, #tpu.memory_space<semaphore_mem>>) src(%dma_wait3A_199 : memref<200x64xf32, #tpu.memory_space<hbm>>) dst(%arg7 : memref<200x64xf32, #tpu.memory_space<vmem>>)
      %parallel_loop3A_200 = arith.constant 0 : i32
      %parallel_loop3A_201 = arith.constant 200 : i32
      %parallel_loop3A_202 = arith.constant 1 : i32
      scf.for %parallel_loop3A_242 = %parallel_loop3A_200 to %parallel_loop3A_201 step %parallel_loop3A_202  : i32 {
        %parallel_loop3A_243 = arith.index_cast %parallel_loop3A_242 : i32 to index
        %parallel_loop3A_244 = arith.constant 0 : index
        %parallel_loop3A_245 = tpu.vector_load %arg7[%parallel_loop3A_243, %parallel_loop3A_244] {strides = array<i32>} : memref<200x64xf32, #tpu.memory_space<vmem>>, vector<1x16xf32>,
        %parallel_loop3A_246 = vector.shape_cast %parallel_loop3A_245 : vector<1x16xf32> to vector<16xf32>
        %parallel_loop3A_247 = arith.index_cast %parallel_loop3A_242 : i32 to index
        %parallel_loop3A_248 = arith.constant 0 : index
        %parallel_loop3A_249 = tpu.vector_load %arg11[%parallel_loop3A_247, %parallel_loop3A_248] {strides = array<i32>} : memref<200x64xf32, #tpu.memory_space<vmem>>, vector<1x16xf32>,
        %parallel_loop3A_250 = vector.shape_cast %parallel_loop3A_249 : vector<1x16xf32> to vector<16xf32>
        %parallel_loop3A_251 = arith.addf %parallel_loop3A_246, %parallel_loop3A_250 : vector<16xf32>
        %parallel_loop3A_252 = arith.index_cast %parallel_loop3A_242 : i32 to index
        %parallel_loop3A_253 = arith.constant 0 : index
        %parallel_loop3A_254 = tpu.vector_load %arg7[%parallel_loop3A_252, %parallel_loop3A_253] {strides = array<i32>} : memref<200x64xf32, #tpu.memory_space<vmem>>, vector<1x16xf32>,
        %parallel_loop3A_255 = vector.shape_cast %parallel_loop3A_254 : vector<1x16xf32> to vector<16xf32>
        %parallel_loop3A_256 = vector.shape_cast %parallel_loop3A_251 : vector<16xf32> to vector<1x16xf32>
        tpu.vector_store %arg7[%parallel_loop3A_252, %parallel_loop3A_253], %parallel_loop3A_256 {strides = array<i32>} : memref<200x64xf32, #tpu.memory_space<vmem>>, vector<1x16xf32>,
        %parallel_loop3A_257 = arith.index_cast %parallel_loop3A_242 : i32 to index
        %parallel_loop3A_258 = arith.constant 16 : index
        %parallel_loop3A_259 = tpu.vector_load %arg7[%parallel_loop3A_257, %parallel_loop3A_258] {strides = array<i32>} : memref<200x64xf32, #tpu.memory_space<vmem>>, vector<1x16xf32>,
        %parallel_loop3A_260 = vector.shape_cast %parallel_loop3A_259 : vector<1x16xf32> to vector<16xf32>
        %parallel_loop3A_261 = arith.index_cast %parallel_loop3A_242 : i32 to index
        %parallel_loop3A_262 = arith.constant 16 : index
        %parallel_loop3A_263 = tpu.vector_load %arg11[%parallel_loop3A_261, %parallel_loop3A_262] {strides = array<i32>} : memref<200x64xf32, #tpu.memory_space<vmem>>, vector<1x16xf32>,
        %parallel_loop3A_264 = vector.shape_cast %parallel_loop3A_263 : vector<1x16xf32> to vector<16xf32>
        %parallel_loop3A_265 = arith.addf %parallel_loop3A_260, %parallel_loop3A_264 : vector<16xf32>
        %parallel_loop3A_266 = arith.index_cast %parallel_loop3A_242 : i32 to index
        %parallel_loop3A_267 = arith.constant 16 : index
        %parallel_loop3A_268 = tpu.vector_load %arg7[%parallel_loop3A_266, %parallel_loop3A_267] {strides = array<i32>} : memref<200x64xf32, #tpu.memory_space<vmem>>, vector<1x16xf32>,
        %parallel_loop3A_269 = vector.shape_cast %parallel_loop3A_268 : vector<1x16xf32> to vector<16xf32>
        %parallel_loop3A_270 = vector.shape_cast %parallel_loop3A_265 : vector<16xf32> to vector<1x16xf32>
        tpu.vector_store %arg7[%parallel_loop3A_266, %parallel_loop3A_267], %parallel_loop3A_270 {strides = array<i32>} : memref<200x64xf32, #tpu.memory_space<vmem>>, vector<1x16xf32>,
        %parallel_loop3A_271 = arith.index_cast %parallel_loop3A_242 : i32 to index
        %parallel_loop3A_272 = arith.constant 32 : index
        %parallel_loop3A_273 = tpu.vector_load %arg7[%parallel_loop3A_271, %parallel_loop3A_272] {strides = array<i32>} : memref<200x64xf32, #tpu.memory_space<vmem>>, vector<1x16xf32>,
        %parallel_loop3A_274 = vector.shape_cast %parallel_loop3A_273 : vector<1x16xf32> to vector<16xf32>
        %parallel_loop3A_275 = arith.index_cast %parallel_loop3A_242 : i32 to index
        %parallel_loop3A_276 = arith.constant 32 : index
        %parallel_loop3A_277 = tpu.vector_load %arg11[%parallel_loop3A_275, %parallel_loop3A_276] {strides = array<i32>} : memref<200x64xf32, #tpu.memory_space<vmem>>, vector<1x16xf32>,
        %parallel_loop3A_278 = vector.shape_cast %parallel_loop3A_277 : vector<1x16xf32> to vector<16xf32>
        %parallel_loop3A_279 = arith.addf %parallel_loop3A_274, %parallel_loop3A_278 : vector<16xf32>
        %parallel_loop3A_280 = arith.index_cast %parallel_loop3A_242 : i32 to index
        %parallel_loop3A_281 = arith.constant 32 : index
        %parallel_loop3A_282 = tpu.vector_load %arg7[%parallel_loop3A_280, %parallel_loop3A_281] {strides = array<i32>} : memref<200x64xf32, #tpu.memory_space<vmem>>, vector<1x16xf32>,
        %parallel_loop3A_283 = vector.shape_cast %parallel_loop3A_282 : vector<1x16xf32> to vector<16xf32>
        %parallel_loop3A_284 = vector.shape_cast %parallel_loop3A_279 : vector<16xf32> to vector<1x16xf32>
        tpu.vector_store %arg7[%parallel_loop3A_280, %parallel_loop3A_281], %parallel_loop3A_284 {strides = array<i32>} : memref<200x64xf32, #tpu.memory_space<vmem>>, vector<1x16xf32>,
        %parallel_loop3A_285 = arith.index_cast %parallel_loop3A_242 : i32 to index
        %parallel_loop3A_286 = arith.constant 48 : index
        %parallel_loop3A_287 = tpu.vector_load %arg7[%parallel_loop3A_285, %parallel_loop3A_286] {strides = array<i32>} : memref<200x64xf32, #tpu.memory_space<vmem>>, vector<1x16xf32>,
        %parallel_loop3A_288 = vector.shape_cast %parallel_loop3A_287 : vector<1x16xf32> to vector<16xf32>
        %parallel_loop3A_289 = arith.index_cast %parallel_loop3A_242 : i32 to index
        %parallel_loop3A_290 = arith.constant 48 : index
        %parallel_loop3A_291 = tpu.vector_load %arg11[%parallel_loop3A_289, %parallel_loop3A_290] {strides = array<i32>} : memref<200x64xf32, #tpu.memory_space<vmem>>, vector<1x16xf32>,
        %parallel_loop3A_292 = vector.shape_cast %parallel_loop3A_291 : vector<1x16xf32> to vector<16xf32>
        %parallel_loop3A_293 = arith.addf %parallel_loop3A_288, %parallel_loop3A_292 : vector<16xf32>
        %parallel_loop3A_294 = arith.index_cast %parallel_loop3A_242 : i32 to index
        %parallel_loop3A_295 = arith.constant 48 : index
        %parallel_loop3A_296 = tpu.vector_load %arg7[%parallel_loop3A_294, %parallel_loop3A_295] {strides = array<i32>} : memref<200x64xf32, #tpu.memory_space<vmem>>, vector<1x16xf32>,
        %parallel_loop3A_297 = vector.shape_cast %parallel_loop3A_296 : vector<1x16xf32> to vector<16xf32>
        %parallel_loop3A_298 = vector.shape_cast %parallel_loop3A_293 : vector<16xf32> to vector<1x16xf32>
        tpu.vector_store %arg7[%parallel_loop3A_294, %parallel_loop3A_295], %parallel_loop3A_298 {strides = array<i32>} : memref<200x64xf32, #tpu.memory_space<vmem>>, vector<1x16xf32>,
      } {sc.loop_unroll_factor = 8 : i64, sc.parallel_access}
      %mul3A_203 = arith.constant 200 : i32
      %mul3A_204 = arith.muli %add3A_179, %mul3A_203 : i32
      %add3A_205 = arith.addi %mul3A_2, %mul3A_204 : i32
      %dma_start3A_206 = arith.constant 0 : i32
      %dma_start3A_207 = tpu.memref_slice %arg5[%add3A_205, %dma_start3A_206] : memref<204800x64xf32, #tpu.memory_space<hbm>> -> memref<200x64xf32, #tpu.memory_space<hbm>>
      %dma_start3A_208 = arith.constant 0 : i32
      %dma_start3A_209 = tpu.memref_slice %arg5[%add3A_205, %dma_start3A_208] : memref<204800x64xf32, #tpu.memory_space<hbm>> -> memref<200x64xf32, #tpu.memory_space<hbm>>
      tpu.enqueue_dma source(%arg7 : memref<200x64xf32, #tpu.memory_space<vmem>>) target(%dma_start3A_209 : memref<200x64xf32, #tpu.memory_space<hbm>>) target_semaphore(%arg16 : memref<!tpu.dma_semaphore, #tpu.memory_space<semaphore_mem>>)
      %add3A_210 = arith.constant 3 : i32
      %add3A_211 = arith.addi %add3A_113, %add3A_210 : i32
      %dma_wait3A_212 = arith.constant 0 : i32
      %dma_wait3A_213 = arith.constant 0 : i32
      %dma_wait3A_214 = tpu.memref_slice %arg5[%dma_wait3A_212, %dma_wait3A_213] : memref<204800x64xf32, #tpu.memory_space<hbm>> -> memref<200x64xf32, #tpu.memory_space<hbm>>
      %dma_wait3A_215 = arith.constant 0 : i32
      %dma_wait3A_216 = arith.constant 0 : i32
      %dma_wait3A_217 = tpu.memref_slice %arg5[%dma_wait3A_215, %dma_wait3A_216] : memref<204800x64xf32, #tpu.memory_space<hbm>> -> memref<200x64xf32, #tpu.memory_space<hbm>>
      tpu.wait_dma2 semaphore(%arg19 : memref<!tpu.dma_semaphore, #tpu.memory_space<semaphore_mem>>) src(%arg10 : memref<200x64xf32, #tpu.memory_space<vmem>>) dst(%dma_wait3A_217 : memref<200x64xf32, #tpu.memory_space<hbm>>)
      %add3A_218 = arith.constant 2 : i32
      %add3A_219 = arith.addi %add3A_211, %add3A_218 : i32
      %mul3A_220 = arith.constant 200 : i32
      %mul3A_221 = arith.muli %add3A_219, %mul3A_220 : i32
      %dma_start3A_222 = tpu.memref_slice %arg6[%mul3A_221] : memref<6400xi32, #tpu.memory_space<vmem>> -> memref<200xi32, #tpu.memory_space<vmem>>
      %dma_start3A_223 = arith.constant 0 : i32
      %dma_start3A_224 = arith.constant 0 : i32
      %dma_start3A_225 = tpu.memref_slice %arg3[%dma_start3A_223, %dma_start3A_224] : memref<1000000x64xf32, #tpu.memory_space<hbm>> -> memref<1000000x64xf32, #tpu.memory_space<hbm>>
      tpu.enqueue_indirect_dma source(%dma_start3A_225 : memref<1000000x64xf32, #tpu.memory_space<hbm>>) target(%arg10 : memref<200x64xf32, #tpu.memory_space<vmem>>) offsets(%dma_start3A_222 : memref<200xi32, #tpu.memory_space<vmem>>) semaphore(%arg15 : memref<!tpu.dma_semaphore, #tpu.memory_space<semaphore_mem>>)
      %dma_wait3A_226 = arith.constant 0 : i32
      %dma_wait3A_227 = arith.constant 0 : i32
      %dma_wait3A_228 = tpu.memref_slice %arg3[%dma_wait3A_226, %dma_wait3A_227] : memref<1000000x64xf32, #tpu.memory_space<hbm>> -> memref<200x64xf32, #tpu.memory_space<hbm>>
      %dma_wait3A_229 = arith.constant 0 : i32
      %dma_wait3A_230 = arith.constant 0 : i32
      %dma_wait3A_231 = tpu.memref_slice %arg3[%dma_wait3A_229, %dma_wait3A_230] : memref<1000000x64xf32, #tpu.memory_space<hbm>> -> memref<200x64xf32, #tpu.memory_space<hbm>>
      tpu.wait_dma2 semaphore(%arg13 : memref<!tpu.dma_semaphore, #tpu.memory_space<semaphore_mem>>) src(%dma_wait3A_231 : memref<200x64xf32, #tpu.memory_space<hbm>>) dst(%arg8 : memref<200x64xf32, #tpu.memory_space<vmem>>)
      %parallel_loop3A_232 = arith.constant 0 : i32
      %parallel_loop3A_233 = arith.constant 200 : i32
      %parallel_loop3A_234 = arith.constant 1 : i32
      scf.for %parallel_loop3A_242 = %parallel_loop3A_232 to %parallel_loop3A_233 step %parallel_loop3A_234  : i32 {
        %parallel_loop3A_243 = arith.index_cast %parallel_loop3A_242 : i32 to index
        %parallel_loop3A_244 = arith.constant 0 : index
        %parallel_loop3A_245 = tpu.vector_load %arg8[%parallel_loop3A_243, %parallel_loop3A_244] {strides = array<i32>} : memref<200x64xf32, #tpu.memory_space<vmem>>, vector<1x16xf32>,
        %parallel_loop3A_246 = vector.shape_cast %parallel_loop3A_245 : vector<1x16xf32> to vector<16xf32>
        %parallel_loop3A_247 = arith.index_cast %parallel_loop3A_242 : i32 to index
        %parallel_loop3A_248 = arith.constant 0 : index
        %parallel_loop3A_249 = tpu.vector_load %arg11[%parallel_loop3A_247, %parallel_loop3A_248] {strides = array<i32>} : memref<200x64xf32, #tpu.memory_space<vmem>>, vector<1x16xf32>,
        %parallel_loop3A_250 = vector.shape_cast %parallel_loop3A_249 : vector<1x16xf32> to vector<16xf32>
        %parallel_loop3A_251 = arith.addf %parallel_loop3A_246, %parallel_loop3A_250 : vector<16xf32>
        %parallel_loop3A_252 = arith.index_cast %parallel_loop3A_242 : i32 to index
        %parallel_loop3A_253 = arith.constant 0 : index
        %parallel_loop3A_254 = tpu.vector_load %arg8[%parallel_loop3A_252, %parallel_loop3A_253] {strides = array<i32>} : memref<200x64xf32, #tpu.memory_space<vmem>>, vector<1x16xf32>,
        %parallel_loop3A_255 = vector.shape_cast %parallel_loop3A_254 : vector<1x16xf32> to vector<16xf32>
        %parallel_loop3A_256 = vector.shape_cast %parallel_loop3A_251 : vector<16xf32> to vector<1x16xf32>
        tpu.vector_store %arg8[%parallel_loop3A_252, %parallel_loop3A_253], %parallel_loop3A_256 {strides = array<i32>} : memref<200x64xf32, #tpu.memory_space<vmem>>, vector<1x16xf32>,
        %parallel_loop3A_257 = arith.index_cast %parallel_loop3A_242 : i32 to index
        %parallel_loop3A_258 = arith.constant 16 : index
        %parallel_loop3A_259 = tpu.vector_load %arg8[%parallel_loop3A_257, %parallel_loop3A_258] {strides = array<i32>} : memref<200x64xf32, #tpu.memory_space<vmem>>, vector<1x16xf32>,
        %parallel_loop3A_260 = vector.shape_cast %parallel_loop3A_259 : vector<1x16xf32> to vector<16xf32>
        %parallel_loop3A_261 = arith.index_cast %parallel_loop3A_242 : i32 to index
        %parallel_loop3A_262 = arith.constant 16 : index
        %parallel_loop3A_263 = tpu.vector_load %arg11[%parallel_loop3A_261, %parallel_loop3A_262] {strides = array<i32>} : memref<200x64xf32, #tpu.memory_space<vmem>>, vector<1x16xf32>,
        %parallel_loop3A_264 = vector.shape_cast %parallel_loop3A_263 : vector<1x16xf32> to vector<16xf32>
        %parallel_loop3A_265 = arith.addf %parallel_loop3A_260, %parallel_loop3A_264 : vector<16xf32>
        %parallel_loop3A_266 = arith.index_cast %parallel_loop3A_242 : i32 to index
        %parallel_loop3A_267 = arith.constant 16 : index
        %parallel_loop3A_268 = tpu.vector_load %arg8[%parallel_loop3A_266, %parallel_loop3A_267] {strides = array<i32>} : memref<200x64xf32, #tpu.memory_space<vmem>>, vector<1x16xf32>,
        %parallel_loop3A_269 = vector.shape_cast %parallel_loop3A_268 : vector<1x16xf32> to vector<16xf32>
        %parallel_loop3A_270 = vector.shape_cast %parallel_loop3A_265 : vector<16xf32> to vector<1x16xf32>
        tpu.vector_store %arg8[%parallel_loop3A_266, %parallel_loop3A_267], %parallel_loop3A_270 {strides = array<i32>} : memref<200x64xf32, #tpu.memory_space<vmem>>, vector<1x16xf32>,
        %parallel_loop3A_271 = arith.index_cast %parallel_loop3A_242 : i32 to index
        %parallel_loop3A_272 = arith.constant 32 : index
        %parallel_loop3A_273 = tpu.vector_load %arg8[%parallel_loop3A_271, %parallel_loop3A_272] {strides = array<i32>} : memref<200x64xf32, #tpu.memory_space<vmem>>, vector<1x16xf32>,
        %parallel_loop3A_274 = vector.shape_cast %parallel_loop3A_273 : vector<1x16xf32> to vector<16xf32>
        %parallel_loop3A_275 = arith.index_cast %parallel_loop3A_242 : i32 to index
        %parallel_loop3A_276 = arith.constant 32 : index
        %parallel_loop3A_277 = tpu.vector_load %arg11[%parallel_loop3A_275, %parallel_loop3A_276] {strides = array<i32>} : memref<200x64xf32, #tpu.memory_space<vmem>>, vector<1x16xf32>,
        %parallel_loop3A_278 = vector.shape_cast %parallel_loop3A_277 : vector<1x16xf32> to vector<16xf32>
        %parallel_loop3A_279 = arith.addf %parallel_loop3A_274, %parallel_loop3A_278 : vector<16xf32>
        %parallel_loop3A_280 = arith.index_cast %parallel_loop3A_242 : i32 to index
        %parallel_loop3A_281 = arith.constant 32 : index
        %parallel_loop3A_282 = tpu.vector_load %arg8[%parallel_loop3A_280, %parallel_loop3A_281] {strides = array<i32>} : memref<200x64xf32, #tpu.memory_space<vmem>>, vector<1x16xf32>,
        %parallel_loop3A_283 = vector.shape_cast %parallel_loop3A_282 : vector<1x16xf32> to vector<16xf32>
        %parallel_loop3A_284 = vector.shape_cast %parallel_loop3A_279 : vector<16xf32> to vector<1x16xf32>
        tpu.vector_store %arg8[%parallel_loop3A_280, %parallel_loop3A_281], %parallel_loop3A_284 {strides = array<i32>} : memref<200x64xf32, #tpu.memory_space<vmem>>, vector<1x16xf32>,
        %parallel_loop3A_285 = arith.index_cast %parallel_loop3A_242 : i32 to index
        %parallel_loop3A_286 = arith.constant 48 : index
        %parallel_loop3A_287 = tpu.vector_load %arg8[%parallel_loop3A_285, %parallel_loop3A_286] {strides = array<i32>} : memref<200x64xf32, #tpu.memory_space<vmem>>, vector<1x16xf32>,
        %parallel_loop3A_288 = vector.shape_cast %parallel_loop3A_287 : vector<1x16xf32> to vector<16xf32>
        %parallel_loop3A_289 = arith.index_cast %parallel_loop3A_242 : i32 to index
        %parallel_loop3A_290 = arith.constant 48 : index
        %parallel_loop3A_291 = tpu.vector_load %arg11[%parallel_loop3A_289, %parallel_loop3A_290] {strides = array<i32>} : memref<200x64xf32, #tpu.memory_space<vmem>>, vector<1x16xf32>,
        %parallel_loop3A_292 = vector.shape_cast %parallel_loop3A_291 : vector<1x16xf32> to vector<16xf32>
        %parallel_loop3A_293 = arith.addf %parallel_loop3A_288, %parallel_loop3A_292 : vector<16xf32>
        %parallel_loop3A_294 = arith.index_cast %parallel_loop3A_242 : i32 to index
        %parallel_loop3A_295 = arith.constant 48 : index
        %parallel_loop3A_296 = tpu.vector_load %arg8[%parallel_loop3A_294, %parallel_loop3A_295] {strides = array<i32>} : memref<200x64xf32, #tpu.memory_space<vmem>>, vector<1x16xf32>,
        %parallel_loop3A_297 = vector.shape_cast %parallel_loop3A_296 : vector<1x16xf32> to vector<16xf32>
        %parallel_loop3A_298 = vector.shape_cast %parallel_loop3A_293 : vector<16xf32> to vector<1x16xf32>
        tpu.vector_store %arg8[%parallel_loop3A_294, %parallel_loop3A_295], %parallel_loop3A_298 {strides = array<i32>} : memref<200x64xf32, #tpu.memory_space<vmem>>, vector<1x16xf32>,
      } {sc.loop_unroll_factor = 8 : i64, sc.parallel_access}
      %mul3A_235 = arith.constant 200 : i32
      %mul3A_236 = arith.muli %add3A_211, %mul3A_235 : i32
      %add3A_237 = arith.addi %mul3A_2, %mul3A_236 : i32
      %dma_start3A_238 = arith.constant 0 : i32
      %dma_start3A_239 = tpu.memref_slice %arg5[%add3A_237, %dma_start3A_238] : memref<204800x64xf32, #tpu.memory_space<hbm>> -> memref<200x64xf32, #tpu.memory_space<hbm>>
      %dma_start3A_240 = arith.constant 0 : i32
      %dma_start3A_241 = tpu.memref_slice %arg5[%add3A_237, %dma_start3A_240] : memref<204800x64xf32, #tpu.memory_space<hbm>> -> memref<200x64xf32, #tpu.memory_space<hbm>>
      tpu.enqueue_dma source(%arg8 : memref<200x64xf32, #tpu.memory_space<vmem>>) target(%dma_start3A_241 : memref<200x64xf32, #tpu.memory_space<hbm>>) target_semaphore(%arg17 : memref<!tpu.dma_semaphore, #tpu.memory_space<semaphore_mem>>)
    }
    %scan3A_54 = arith.constant 7 : i32
    %dma_wait3A_55 = arith.constant 0 : i32
    %dma_wait3A_56 = arith.constant 0 : i32
    %dma_wait3A_57 = tpu.memref_slice %arg5[%dma_wait3A_55, %dma_wait3A_56] : memref<204800x64xf32, #tpu.memory_space<hbm>> -> memref<200x64xf32, #tpu.memory_space<hbm>>
    %dma_wait3A_58 = arith.constant 0 : i32
    %dma_wait3A_59 = arith.constant 0 : i32
    %dma_wait3A_60 = tpu.memref_slice %arg5[%dma_wait3A_58, %dma_wait3A_59] : memref<204800x64xf32, #tpu.memory_space<hbm>> -> memref<200x64xf32, #tpu.memory_space<hbm>>
    tpu.wait_dma2 semaphore(%arg16 : memref<!tpu.dma_semaphore, #tpu.memory_space<semaphore_mem>>) src(%arg7 : memref<200x64xf32, #tpu.memory_space<vmem>>) dst(%dma_wait3A_60 : memref<200x64xf32, #tpu.memory_space<hbm>>)
    %dma_wait3A_61 = arith.constant 0 : i32
    %dma_wait3A_62 = arith.constant 0 : i32
    %dma_wait3A_63 = tpu.memref_slice %arg3[%dma_wait3A_61, %dma_wait3A_62] : memref<1000000x64xf32, #tpu.memory_space<hbm>> -> memref<200x64xf32, #tpu.memory_space<hbm>>
    %dma_wait3A_64 = arith.constant 0 : i32
    %dma_wait3A_65 = arith.constant 0 : i32
    %dma_wait3A_66 = tpu.memref_slice %arg3[%dma_wait3A_64, %dma_wait3A_65] : memref<1000000x64xf32, #tpu.memory_space<hbm>> -> memref<200x64xf32, #tpu.memory_space<hbm>>
    tpu.wait_dma2 semaphore(%arg14 : memref<!tpu.dma_semaphore, #tpu.memory_space<semaphore_mem>>) src(%dma_wait3A_66 : memref<200x64xf32, #tpu.memory_space<hbm>>) dst(%arg9 : memref<200x64xf32, #tpu.memory_space<vmem>>)
    %parallel_loop3A_67 = arith.constant 0 : i32
    %parallel_loop3A_68 = arith.constant 200 : i32
    %parallel_loop3A_69 = arith.constant 1 : i32
    scf.for %parallel_loop3A_109 = %parallel_loop3A_67 to %parallel_loop3A_68 step %parallel_loop3A_69  : i32 {
      %parallel_loop3A_110 = arith.index_cast %parallel_loop3A_109 : i32 to index
      %parallel_loop3A_111 = arith.constant 0 : index
      %parallel_loop3A_112 = tpu.vector_load %arg9[%parallel_loop3A_110, %parallel_loop3A_111] {strides = array<i32>} : memref<200x64xf32, #tpu.memory_space<vmem>>, vector<1x16xf32>,
      %parallel_loop3A_113 = vector.shape_cast %parallel_loop3A_112 : vector<1x16xf32> to vector<16xf32>
      %parallel_loop3A_114 = arith.index_cast %parallel_loop3A_109 : i32 to index
      %parallel_loop3A_115 = arith.constant 0 : index
      %parallel_loop3A_116 = tpu.vector_load %arg11[%parallel_loop3A_114, %parallel_loop3A_115] {strides = array<i32>} : memref<200x64xf32, #tpu.memory_space<vmem>>, vector<1x16xf32>,
      %parallel_loop3A_117 = vector.shape_cast %parallel_loop3A_116 : vector<1x16xf32> to vector<16xf32>
      %parallel_loop3A_118 = arith.addf %parallel_loop3A_113, %parallel_loop3A_117 : vector<16xf32>
      %parallel_loop3A_119 = arith.index_cast %parallel_loop3A_109 : i32 to index
      %parallel_loop3A_120 = arith.constant 0 : index
      %parallel_loop3A_121 = tpu.vector_load %arg9[%parallel_loop3A_119, %parallel_loop3A_120] {strides = array<i32>} : memref<200x64xf32, #tpu.memory_space<vmem>>, vector<1x16xf32>,
      %parallel_loop3A_122 = vector.shape_cast %parallel_loop3A_121 : vector<1x16xf32> to vector<16xf32>
      %parallel_loop3A_123 = vector.shape_cast %parallel_loop3A_118 : vector<16xf32> to vector<1x16xf32>
      tpu.vector_store %arg9[%parallel_loop3A_119, %parallel_loop3A_120], %parallel_loop3A_123 {strides = array<i32>} : memref<200x64xf32, #tpu.memory_space<vmem>>, vector<1x16xf32>,
      %parallel_loop3A_124 = arith.index_cast %parallel_loop3A_109 : i32 to index
      %parallel_loop3A_125 = arith.constant 16 : index
      %parallel_loop3A_126 = tpu.vector_load %arg9[%parallel_loop3A_124, %parallel_loop3A_125] {strides = array<i32>} : memref<200x64xf32, #tpu.memory_space<vmem>>, vector<1x16xf32>,
      %parallel_loop3A_127 = vector.shape_cast %parallel_loop3A_126 : vector<1x16xf32> to vector<16xf32>
      %parallel_loop3A_128 = arith.index_cast %parallel_loop3A_109 : i32 to index
      %parallel_loop3A_129 = arith.constant 16 : index
      %parallel_loop3A_130 = tpu.vector_load %arg11[%parallel_loop3A_128, %parallel_loop3A_129] {strides = array<i32>} : memref<200x64xf32, #tpu.memory_space<vmem>>, vector<1x16xf32>,
      %parallel_loop3A_131 = vector.shape_cast %parallel_loop3A_130 : vector<1x16xf32> to vector<16xf32>
      %parallel_loop3A_132 = arith.addf %parallel_loop3A_127, %parallel_loop3A_131 : vector<16xf32>
      %parallel_loop3A_133 = arith.index_cast %parallel_loop3A_109 : i32 to index
      %parallel_loop3A_134 = arith.constant 16 : index
      %parallel_loop3A_135 = tpu.vector_load %arg9[%parallel_loop3A_133, %parallel_loop3A_134] {strides = array<i32>} : memref<200x64xf32, #tpu.memory_space<vmem>>, vector<1x16xf32>,
      %parallel_loop3A_136 = vector.shape_cast %parallel_loop3A_135 : vector<1x16xf32> to vector<16xf32>
      %parallel_loop3A_137 = vector.shape_cast %parallel_loop3A_132 : vector<16xf32> to vector<1x16xf32>
      tpu.vector_store %arg9[%parallel_loop3A_133, %parallel_loop3A_134], %parallel_loop3A_137 {strides = array<i32>} : memref<200x64xf32, #tpu.memory_space<vmem>>, vector<1x16xf32>,
      %parallel_loop3A_138 = arith.index_cast %parallel_loop3A_109 : i32 to index
      %parallel_loop3A_139 = arith.constant 32 : index
      %parallel_loop3A_140 = tpu.vector_load %arg9[%parallel_loop3A_138, %parallel_loop3A_139] {strides = array<i32>} : memref<200x64xf32, #tpu.memory_space<vmem>>, vector<1x16xf32>,
      %parallel_loop3A_141 = vector.shape_cast %parallel_loop3A_140 : vector<1x16xf32> to vector<16xf32>
      %parallel_loop3A_142 = arith.index_cast %parallel_loop3A_109 : i32 to index
      %parallel_loop3A_143 = arith.constant 32 : index
      %parallel_loop3A_144 = tpu.vector_load %arg11[%parallel_loop3A_142, %parallel_loop3A_143] {strides = array<i32>} : memref<200x64xf32, #tpu.memory_space<vmem>>, vector<1x16xf32>,
      %parallel_loop3A_145 = vector.shape_cast %parallel_loop3A_144 : vector<1x16xf32> to vector<16xf32>
      %parallel_loop3A_146 = arith.addf %parallel_loop3A_141, %parallel_loop3A_145 : vector<16xf32>
      %parallel_loop3A_147 = arith.index_cast %parallel_loop3A_109 : i32 to index
      %parallel_loop3A_148 = arith.constant 32 : index
      %parallel_loop3A_149 = tpu.vector_load %arg9[%parallel_loop3A_147, %parallel_loop3A_148] {strides = array<i32>} : memref<200x64xf32, #tpu.memory_space<vmem>>, vector<1x16xf32>,
      %parallel_loop3A_150 = vector.shape_cast %parallel_loop3A_149 : vector<1x16xf32> to vector<16xf32>
      %parallel_loop3A_151 = vector.shape_cast %parallel_loop3A_146 : vector<16xf32> to vector<1x16xf32>
      tpu.vector_store %arg9[%parallel_loop3A_147, %parallel_loop3A_148], %parallel_loop3A_151 {strides = array<i32>} : memref<200x64xf32, #tpu.memory_space<vmem>>, vector<1x16xf32>,
      %parallel_loop3A_152 = arith.index_cast %parallel_loop3A_109 : i32 to index
      %parallel_loop3A_153 = arith.constant 48 : index
      %parallel_loop3A_154 = tpu.vector_load %arg9[%parallel_loop3A_152, %parallel_loop3A_153] {strides = array<i32>} : memref<200x64xf32, #tpu.memory_space<vmem>>, vector<1x16xf32>,
      %parallel_loop3A_155 = vector.shape_cast %parallel_loop3A_154 : vector<1x16xf32> to vector<16xf32>
      %parallel_loop3A_156 = arith.index_cast %parallel_loop3A_109 : i32 to index
      %parallel_loop3A_157 = arith.constant 48 : index
      %parallel_loop3A_158 = tpu.vector_load %arg11[%parallel_loop3A_156, %parallel_loop3A_157] {strides = array<i32>} : memref<200x64xf32, #tpu.memory_space<vmem>>, vector<1x16xf32>,
      %parallel_loop3A_159 = vector.shape_cast %parallel_loop3A_158 : vector<1x16xf32> to vector<16xf32>
      %parallel_loop3A_160 = arith.addf %parallel_loop3A_155, %parallel_loop3A_159 : vector<16xf32>
      %parallel_loop3A_161 = arith.index_cast %parallel_loop3A_109 : i32 to index
      %parallel_loop3A_162 = arith.constant 48 : index
      %parallel_loop3A_163 = tpu.vector_load %arg9[%parallel_loop3A_161, %parallel_loop3A_162] {strides = array<i32>} : memref<200x64xf32, #tpu.memory_space<vmem>>, vector<1x16xf32>,
      %parallel_loop3A_164 = vector.shape_cast %parallel_loop3A_163 : vector<1x16xf32> to vector<16xf32>
      %parallel_loop3A_165 = vector.shape_cast %parallel_loop3A_160 : vector<16xf32> to vector<1x16xf32>
      tpu.vector_store %arg9[%parallel_loop3A_161, %parallel_loop3A_162], %parallel_loop3A_165 {strides = array<i32>} : memref<200x64xf32, #tpu.memory_space<vmem>>, vector<1x16xf32>,
    } {sc.loop_unroll_factor = 8 : i64, sc.parallel_access}
    %add3A_70 = arith.constant 6000 : i32
    %add3A_71 = arith.addi %mul3A_2, %add3A_70 : i32
    %dma_start3A_72 = arith.constant 0 : i32
    %dma_start3A_73 = tpu.memref_slice %arg5[%add3A_71, %dma_start3A_72] : memref<204800x64xf32, #tpu.memory_space<hbm>> -> memref<200x64xf32, #tpu.memory_space<hbm>>
    %dma_start3A_74 = arith.constant 0 : i32
    %dma_start3A_75 = tpu.memref_slice %arg5[%add3A_71, %dma_start3A_74] : memref<204800x64xf32, #tpu.memory_space<hbm>> -> memref<200x64xf32, #tpu.memory_space<hbm>>
    tpu.enqueue_dma source(%arg9 : memref<200x64xf32, #tpu.memory_space<vmem>>) target(%dma_start3A_75 : memref<200x64xf32, #tpu.memory_space<hbm>>) target_semaphore(%arg18 : memref<!tpu.dma_semaphore, #tpu.memory_space<semaphore_mem>>)
    %dma_wait3A_76 = arith.constant 0 : i32
    %dma_wait3A_77 = arith.constant 0 : i32
    %dma_wait3A_78 = tpu.memref_slice %arg5[%dma_wait3A_76, %dma_wait3A_77] : memref<204800x64xf32, #tpu.memory_space<hbm>> -> memref<200x64xf32, #tpu.memory_space<hbm>>
    %dma_wait3A_79 = arith.constant 0 : i32
    %dma_wait3A_80 = arith.constant 0 : i32
    %dma_wait3A_81 = tpu.memref_slice %arg5[%dma_wait3A_79, %dma_wait3A_80] : memref<204800x64xf32, #tpu.memory_space<hbm>> -> memref<200x64xf32, #tpu.memory_space<hbm>>
    tpu.wait_dma2 semaphore(%arg17 : memref<!tpu.dma_semaphore, #tpu.memory_space<semaphore_mem>>) src(%arg8 : memref<200x64xf32, #tpu.memory_space<vmem>>) dst(%dma_wait3A_81 : memref<200x64xf32, #tpu.memory_space<hbm>>)
    %dma_wait3A_82 = arith.constant 0 : i32
    %dma_wait3A_83 = arith.constant 0 : i32
    %dma_wait3A_84 = tpu.memref_slice %arg3[%dma_wait3A_82, %dma_wait3A_83] : memref<1000000x64xf32, #tpu.memory_space<hbm>> -> memref<200x64xf32, #tpu.memory_space<hbm>>
    %dma_wait3A_85 = arith.constant 0 : i32
    %dma_wait3A_86 = arith.constant 0 : i32
    %dma_wait3A_87 = tpu.memref_slice %arg3[%dma_wait3A_85, %dma_wait3A_86] : memref<1000000x64xf32, #tpu.memory_space<hbm>> -> memref<200x64xf32, #tpu.memory_space<hbm>>
    tpu.wait_dma2 semaphore(%arg15 : memref<!tpu.dma_semaphore, #tpu.memory_space<semaphore_mem>>) src(%dma_wait3A_87 : memref<200x64xf32, #tpu.memory_space<hbm>>) dst(%arg10 : memref<200x64xf32, #tpu.memory_space<vmem>>)
    %parallel_loop3A_88 = arith.constant 0 : i32
    %parallel_loop3A_89 = arith.constant 200 : i32
    %parallel_loop3A_90 = arith.constant 1 : i32
    scf.for %parallel_loop3A_109 = %parallel_loop3A_88 to %parallel_loop3A_89 step %parallel_loop3A_90  : i32 {
      %parallel_loop3A_110 = arith.index_cast %parallel_loop3A_109 : i32 to index
      %parallel_loop3A_111 = arith.constant 0 : index
      %parallel_loop3A_112 = tpu.vector_load %arg10[%parallel_loop3A_110, %parallel_loop3A_111] {strides = array<i32>} : memref<200x64xf32, #tpu.memory_space<vmem>>, vector<1x16xf32>,
      %parallel_loop3A_113 = vector.shape_cast %parallel_loop3A_112 : vector<1x16xf32> to vector<16xf32>
      %parallel_loop3A_114 = arith.index_cast %parallel_loop3A_109 : i32 to index
      %parallel_loop3A_115 = arith.constant 0 : index
      %parallel_loop3A_116 = tpu.vector_load %arg11[%parallel_loop3A_114, %parallel_loop3A_115] {strides = array<i32>} : memref<200x64xf32, #tpu.memory_space<vmem>>, vector<1x16xf32>,
      %parallel_loop3A_117 = vector.shape_cast %parallel_loop3A_116 : vector<1x16xf32> to vector<16xf32>
      %parallel_loop3A_118 = arith.addf %parallel_loop3A_113, %parallel_loop3A_117 : vector<16xf32>
      %parallel_loop3A_119 = arith.index_cast %parallel_loop3A_109 : i32 to index
      %parallel_loop3A_120 = arith.constant 0 : index
      %parallel_loop3A_121 = tpu.vector_load %arg10[%parallel_loop3A_119, %parallel_loop3A_120] {strides = array<i32>} : memref<200x64xf32, #tpu.memory_space<vmem>>, vector<1x16xf32>,
      %parallel_loop3A_122 = vector.shape_cast %parallel_loop3A_121 : vector<1x16xf32> to vector<16xf32>
      %parallel_loop3A_123 = vector.shape_cast %parallel_loop3A_118 : vector<16xf32> to vector<1x16xf32>
      tpu.vector_store %arg10[%parallel_loop3A_119, %parallel_loop3A_120], %parallel_loop3A_123 {strides = array<i32>} : memref<200x64xf32, #tpu.memory_space<vmem>>, vector<1x16xf32>,
      %parallel_loop3A_124 = arith.index_cast %parallel_loop3A_109 : i32 to index
      %parallel_loop3A_125 = arith.constant 16 : index
      %parallel_loop3A_126 = tpu.vector_load %arg10[%parallel_loop3A_124, %parallel_loop3A_125] {strides = array<i32>} : memref<200x64xf32, #tpu.memory_space<vmem>>, vector<1x16xf32>,
      %parallel_loop3A_127 = vector.shape_cast %parallel_loop3A_126 : vector<1x16xf32> to vector<16xf32>
      %parallel_loop3A_128 = arith.index_cast %parallel_loop3A_109 : i32 to index
      %parallel_loop3A_129 = arith.constant 16 : index
      %parallel_loop3A_130 = tpu.vector_load %arg11[%parallel_loop3A_128, %parallel_loop3A_129] {strides = array<i32>} : memref<200x64xf32, #tpu.memory_space<vmem>>, vector<1x16xf32>,
      %parallel_loop3A_131 = vector.shape_cast %parallel_loop3A_130 : vector<1x16xf32> to vector<16xf32>
      %parallel_loop3A_132 = arith.addf %parallel_loop3A_127, %parallel_loop3A_131 : vector<16xf32>
      %parallel_loop3A_133 = arith.index_cast %parallel_loop3A_109 : i32 to index
      %parallel_loop3A_134 = arith.constant 16 : index
      %parallel_loop3A_135 = tpu.vector_load %arg10[%parallel_loop3A_133, %parallel_loop3A_134] {strides = array<i32>} : memref<200x64xf32, #tpu.memory_space<vmem>>, vector<1x16xf32>,
      %parallel_loop3A_136 = vector.shape_cast %parallel_loop3A_135 : vector<1x16xf32> to vector<16xf32>
      %parallel_loop3A_137 = vector.shape_cast %parallel_loop3A_132 : vector<16xf32> to vector<1x16xf32>
      tpu.vector_store %arg10[%parallel_loop3A_133, %parallel_loop3A_134], %parallel_loop3A_137 {strides = array<i32>} : memref<200x64xf32, #tpu.memory_space<vmem>>, vector<1x16xf32>,
      %parallel_loop3A_138 = arith.index_cast %parallel_loop3A_109 : i32 to index
      %parallel_loop3A_139 = arith.constant 32 : index
      %parallel_loop3A_140 = tpu.vector_load %arg10[%parallel_loop3A_138, %parallel_loop3A_139] {strides = array<i32>} : memref<200x64xf32, #tpu.memory_space<vmem>>, vector<1x16xf32>,
      %parallel_loop3A_141 = vector.shape_cast %parallel_loop3A_140 : vector<1x16xf32> to vector<16xf32>
      %parallel_loop3A_142 = arith.index_cast %parallel_loop3A_109 : i32 to index
      %parallel_loop3A_143 = arith.constant 32 : index
      %parallel_loop3A_144 = tpu.vector_load %arg11[%parallel_loop3A_142, %parallel_loop3A_143] {strides = array<i32>} : memref<200x64xf32, #tpu.memory_space<vmem>>, vector<1x16xf32>,
      %parallel_loop3A_145 = vector.shape_cast %parallel_loop3A_144 : vector<1x16xf32> to vector<16xf32>
      %parallel_loop3A_146 = arith.addf %parallel_loop3A_141, %parallel_loop3A_145 : vector<16xf32>
      %parallel_loop3A_147 = arith.index_cast %parallel_loop3A_109 : i32 to index
      %parallel_loop3A_148 = arith.constant 32 : index
      %parallel_loop3A_149 = tpu.vector_load %arg10[%parallel_loop3A_147, %parallel_loop3A_148] {strides = array<i32>} : memref<200x64xf32, #tpu.memory_space<vmem>>, vector<1x16xf32>,
      %parallel_loop3A_150 = vector.shape_cast %parallel_loop3A_149 : vector<1x16xf32> to vector<16xf32>
      %parallel_loop3A_151 = vector.shape_cast %parallel_loop3A_146 : vector<16xf32> to vector<1x16xf32>
      tpu.vector_store %arg10[%parallel_loop3A_147, %parallel_loop3A_148], %parallel_loop3A_151 {strides = array<i32>} : memref<200x64xf32, #tpu.memory_space<vmem>>, vector<1x16xf32>,
      %parallel_loop3A_152 = arith.index_cast %parallel_loop3A_109 : i32 to index
      %parallel_loop3A_153 = arith.constant 48 : index
      %parallel_loop3A_154 = tpu.vector_load %arg10[%parallel_loop3A_152, %parallel_loop3A_153] {strides = array<i32>} : memref<200x64xf32, #tpu.memory_space<vmem>>, vector<1x16xf32>,
      %parallel_loop3A_155 = vector.shape_cast %parallel_loop3A_154 : vector<1x16xf32> to vector<16xf32>
      %parallel_loop3A_156 = arith.index_cast %parallel_loop3A_109 : i32 to index
      %parallel_loop3A_157 = arith.constant 48 : index
      %parallel_loop3A_158 = tpu.vector_load %arg11[%parallel_loop3A_156, %parallel_loop3A_157] {strides = array<i32>} : memref<200x64xf32, #tpu.memory_space<vmem>>, vector<1x16xf32>,
      %parallel_loop3A_159 = vector.shape_cast %parallel_loop3A_158 : vector<1x16xf32> to vector<16xf32>
      %parallel_loop3A_160 = arith.addf %parallel_loop3A_155, %parallel_loop3A_159 : vector<16xf32>
      %parallel_loop3A_161 = arith.index_cast %parallel_loop3A_109 : i32 to index
      %parallel_loop3A_162 = arith.constant 48 : index
      %parallel_loop3A_163 = tpu.vector_load %arg10[%parallel_loop3A_161, %parallel_loop3A_162] {strides = array<i32>} : memref<200x64xf32, #tpu.memory_space<vmem>>, vector<1x16xf32>,
      %parallel_loop3A_164 = vector.shape_cast %parallel_loop3A_163 : vector<1x16xf32> to vector<16xf32>
      %parallel_loop3A_165 = vector.shape_cast %parallel_loop3A_160 : vector<16xf32> to vector<1x16xf32>
      tpu.vector_store %arg10[%parallel_loop3A_161, %parallel_loop3A_162], %parallel_loop3A_165 {strides = array<i32>} : memref<200x64xf32, #tpu.memory_space<vmem>>, vector<1x16xf32>,
    } {sc.loop_unroll_factor = 8 : i64, sc.parallel_access}
    %add3A_91 = arith.constant 6200 : i32
    %add3A_92 = arith.addi %mul3A_2, %add3A_91 : i32
    %dma_start3A_93 = arith.constant 0 : i32
    %dma_start3A_94 = tpu.memref_slice %arg5[%add3A_92, %dma_start3A_93] : memref<204800x64xf32, #tpu.memory_space<hbm>> -> memref<200x64xf32, #tpu.memory_space<hbm>>
    %dma_start3A_95 = arith.constant 0 : i32
    %dma_start3A_96 = tpu.memref_slice %arg5[%add3A_92, %dma_start3A_95] : memref<204800x64xf32, #tpu.memory_space<hbm>> -> memref<200x64xf32, #tpu.memory_space<hbm>>
    tpu.enqueue_dma source(%arg10 : memref<200x64xf32, #tpu.memory_space<vmem>>) target(%dma_start3A_96 : memref<200x64xf32, #tpu.memory_space<hbm>>) target_semaphore(%arg19 : memref<!tpu.dma_semaphore, #tpu.memory_space<semaphore_mem>>)
    %dma_wait3A_97 = arith.constant 0 : i32
    %dma_wait3A_98 = arith.constant 0 : i32
    %dma_wait3A_99 = tpu.memref_slice %arg5[%dma_wait3A_97, %dma_wait3A_98] : memref<204800x64xf32, #tpu.memory_space<hbm>> -> memref<200x64xf32, #tpu.memory_space<hbm>>
    %dma_wait3A_100 = arith.constant 0 : i32
    %dma_wait3A_101 = arith.constant 0 : i32
    %dma_wait3A_102 = tpu.memref_slice %arg5[%dma_wait3A_100, %dma_wait3A_101] : memref<204800x64xf32, #tpu.memory_space<hbm>> -> memref<200x64xf32, #tpu.memory_space<hbm>>
    tpu.wait_dma2 semaphore(%arg18 : memref<!tpu.dma_semaphore, #tpu.memory_space<semaphore_mem>>) src(%arg9 : memref<200x64xf32, #tpu.memory_space<vmem>>) dst(%dma_wait3A_102 : memref<200x64xf32, #tpu.memory_space<hbm>>)
    %dma_wait3A_103 = arith.constant 0 : i32
    %dma_wait3A_104 = arith.constant 0 : i32
    %dma_wait3A_105 = tpu.memref_slice %arg5[%dma_wait3A_103, %dma_wait3A_104] : memref<204800x64xf32, #tpu.memory_space<hbm>> -> memref<200x64xf32, #tpu.memory_space<hbm>>
    %dma_wait3A_106 = arith.constant 0 : i32
    %dma_wait3A_107 = arith.constant 0 : i32
    %dma_wait3A_108 = tpu.memref_slice %arg5[%dma_wait3A_106, %dma_wait3A_107] : memref<204800x64xf32, #tpu.memory_space<hbm>> -> memref<200x64xf32, #tpu.memory_space<hbm>>
    tpu.wait_dma2 semaphore(%arg19 : memref<!tpu.dma_semaphore, #tpu.memory_space<semaphore_mem>>) src(%arg10 : memref<200x64xf32, #tpu.memory_space<vmem>>) dst(%dma_wait3A_108 : memref<200x64xf32, #tpu.memory_space<hbm>>)
    return
  }
}

</mosaic_0001>

<sc_bundles>
// kernel: kernel.3.cloned.1.call-start
scs
__scs_entry_jumppad:
0x0: {  	(pc) =	sbr.rel $0x88, $3  }
0x1: {  	(tag) =	ssettag $0x0;
	lr =	simm.s32 $0x1  }
0x2: {  	[smem:$0x3F9E] =	sst lr;
	_ =	strace $0xD0000000  }
0x3: {  	_ = 	snop  }
0x4: {  	_ = 	snop  }
0x5: {  	_ = 	snop  }
0x6: {  	_ = 	snop  }
0x7: {  	_ = 	snop  }
__scs_overlays_trampoline_lowered:
0x8: {  	[smem:$0x3FAD] =	sst s0  }
0x9: {  	[smem:$0x3FAE] =	sst s1  }
0xa: {  	[smem:$0x3FAF] =	sst s2  }
0xb: {  	[smem:$0x3FB0] =	sst s3  }
0xc: {  	[smem:$0x3FB1] =	sst s4  }
0xd: {  	[smem:$0x3FB2] =	sst s5  }
0xe: {  	[smem:$0x3FB3] =	sst s6  }
0xf: {  	[smem:$0x3FB4] =	sst s7  }
0x10: {  	[smem:$0x3FB5] =	sst s8  }
0x11: {  	[smem:$0x3FB6] =	sst s9;
	s0 =	simm.s32 @!p0 $0x0  }
0x12: {  	s1 =	sld [smem:$0x3F9C];
	s0 =	simm.s32 @p0 $0x1  }
0x13: {  	[smem:$0x3FB7] =	sst s0;
	s0 =	simm.s32 @!p1 $0x0  }
0x14: {  	s2 =	sld [smem:$0x3F9B];
	s0 =	simm.s32 @p1 $0x1  }
0x15: {  	[smem:$0x3FB8] =	sst s0;
	s0 =	simm.s32 @!p2 $0x0  }
0x16: {  	s3 =	sld [smem:$0x3FDB];
	s0 =	simm.s32 @p2 $0x1  }
0x17: {  	s4 =	simm.s32 $0x1BF5;
	[smem:$0x3FBA] =	sst s0  }
0x18: {  	s0 =	sld [smem:$0x3F9D];
	_ =	swait.ge [sflag:s4], $0x0  }
0x19: {  	s7 =	sld [smem:$0x3F9E]  }
0x1a: {  	s8 =	sadd.s32 $0xFFFFE003, lr  }
0x1b: {  	s9 =	sadd.s32 $0xFFFFFEF7, lr;
	s5 =	simm.s32 $0xFFFFFFFF;
	p2 =	slt.u32 s8, $0xFFFFF086  }
0x1c: {  	p1 =	slt.u32 s9, $0xF7A;
	s5 =	simm.s32 @!p2 $0x0  }
0x1d: {  	s5 =	simm.s32 @p1 $0x1;
	p0 =	seq.s32 s7, s2  }
0x1e: {  	s7 =	smul.u32 @!p0 $0xF7A, s2;
	p2 =	seq.s32 @!p0 s5, $0x0  }
0x1f: {  	s9 =	smul.u32 $0xF7A, s1;
	s8 =	simm.s32 @!p0 $0x1BF5;
	p2 =	por !p2, p0  }
0x20: {  	[sflag:s8] =	ssyncset.s32 @!p0 $0xFFFFF086;
	s6 =	sadd.s32 @!p0 s3, s7;
	s7 =	simm.s32 @!p0 $0x108  }
0x21: {  	s3 =	sadd.s32 s3, s9;
	s6 =	sadd.s32 @!p0 $0x88, s6;
	s7 =	simm.s32 @p2 $0x1082  }
0x22: {  	[simem:s7], [sflag:s8] =	dma.local @!p0 [hbm:s6], $0xF7A  }
0x23: {  	s9 =	sor.u32 $0xD0000000, s2;
	s6 =	simm.s32 $0x108;
	_ =	swait.ge @!p0 [sflag:s8], $0x0  }
0x24: {  	s3 =	sadd.s32 $0x88, s3;
	s6 =	simm.s32 @!p1 $0x1082;
	[sflag:s4] =	ssyncset.s32 $0xFFFFF086  }
0x25: {  	[simem:s6], [sflag:s4] =	dma.local [hbm:s3], $0xF7A  }
0x26: {  	[smem:$0x3F9E] =	sst s1;
	(tag) =	ssettag s2;
	_ =	strace s9  }
0x27: {  	s1 =	sld [smem:$0x3FAE]  }
0x28: {  	s2 =	sld [smem:$0x3FAF]  }
0x29: {  	s4 =	sld [smem:$0x3FB1]  }
0x2a: {  	p0 =	seq.s32 s5, $0x0;
	s5 =	sld [smem:$0x3FB2]  }
0x2b: {  	s6 =	sld [smem:$0x3FB3]  }
0x2c: {  	s7 =	sld [smem:$0x3FB4]  }
0x2d: {  	s3 =	simm.s32 $0x108;
	s8 =	sld [smem:$0x3FB5]  }
0x2e: {  	s3 =	simm.s32 @!p0 $0x1082;
	s9 =	sld [smem:$0x3FB6]  }
0x2f: {  	lr =	sadd.s32 s0, s3;
	s0 =	sld [smem:$0x3FAD]  }
0x30: {  	s3 =	sld [smem:$0x3FB0]  }
0x31: {  	[smem:$0x3FB9] =	sst s10  }
0x32: {  	s10 =	sld [smem:$0x3FB7];
	_ =	sdelay $0x3  }
0x33: {  	p0 =	seq.s32 s10, $0x1;
	s10 =	sld [smem:$0x3FB9];
	_ =	sdelay $0x3  }
0x34: {  	[smem:$0x3FB9] =	sst s10  }
0x35: {  	s10 =	sld [smem:$0x3FB8];
	_ =	sdelay $0x3  }
0x36: {  	p1 =	seq.s32 s10, $0x1;
	s10 =	sld [smem:$0x3FB9];
	_ =	sdelay $0x3  }
0x37: {  	[smem:$0x3FB9] =	sst s10  }
0x38: {  	s10 =	sld [smem:$0x3FBA]  }
0x39: {  	_ = 	snop;
	(pc) =	sbr.ind lr, $3  }
0x3a: {  	_ = 	snop  }
0x3b: {  	_ = 	snop  }
0x3c: {  	p2 =	seq.s32 s10, $0x1;
	s10 =	sld [smem:$0x3FB9]  }
0x3d: {  	_ =	shalt  }
0x3e: {  	_ =	shalt  }
0x3f: {  	_ =	shalt  }
0x40: {  	_ =	shalt  }
0x41: {  	_ =	shalt  }
0x42: {  	_ =	shalt  }
0x43: {  	_ =	shalt  }
0x44: {  	_ =	shalt  }
0x45: {  	_ =	shalt  }
0x46: {  	_ =	shalt  }
0x47: {  	_ =	shalt  }
0x48: {  	_ =	shalt  }
0x49: {  	_ =	shalt  }
0x4a: {  	_ =	shalt  }
0x4b: {  	_ =	shalt  }
0x4c: {  	_ =	shalt  }
0x4d: {  	_ =	shalt  }
0x4e: {  	_ =	shalt  }
0x4f: {  	_ =	shalt  }
0x50: {  	_ =	shalt  }
0x51: {  	_ =	shalt  }
0x52: {  	_ =	shalt  }
0x53: {  	_ =	shalt  }
0x54: {  	_ =	shalt  }
0x55: {  	_ =	shalt  }
0x56: {  	_ =	shalt  }
0x57: {  	_ =	shalt  }
0x58: {  	_ =	shalt  }
0x59: {  	_ =	shalt  }
0x5a: {  	_ =	shalt  }
0x5b: {  	_ =	shalt  }
0x5c: {  	_ =	shalt  }
0x5d: {  	_ =	shalt  }
0x5e: {  	_ =	shalt  }
0x5f: {  	_ =	shalt  }
0x60: {  	_ =	shalt  }
0x61: {  	_ =	shalt  }
0x62: {  	_ =	shalt  }
0x63: {  	_ =	shalt  }
0x64: {  	_ =	shalt  }
0x65: {  	_ =	shalt  }
0x66: {  	_ =	shalt  }
0x67: {  	_ =	shalt  }
0x68: {  	_ =	shalt  }
0x69: {  	_ =	shalt  }
0x6a: {  	_ =	shalt  }
0x6b: {  	_ =	shalt  }
0x6c: {  	_ =	shalt  }
0x6d: {  	_ =	shalt  }
0x6e: {  	_ =	shalt  }
0x6f: {  	_ =	shalt  }
0x70: {  	_ =	shalt  }
0x71: {  	_ =	shalt  }
0x72: {  	_ =	shalt  }
0x73: {  	_ =	shalt  }
0x74: {  	_ =	shalt  }
0x75: {  	_ =	shalt  }
0x76: {  	_ =	shalt  }
0x77: {  	_ =	shalt  }
0x78: {  	_ =	shalt  }
0x79: {  	_ =	shalt  }
0x7a: {  	_ =	shalt  }
0x7b: {  	_ =	shalt  }
0x7c: {  	_ =	shalt  }
0x7d: {  	_ =	shalt  }
0x7e: {  	_ =	shalt  }
0x7f: {  	_ =	shalt  }
0x80: {  	_ =	shalt  }
0x81: {  	_ =	shalt  }
0x82: {  	_ =	shalt  }
0x83: {  	_ =	shalt  }
0x84: {  	_ =	shalt  }
0x85: {  	_ =	shalt  }
0x86: {  	_ =	shalt  }
0x87: {  	_ =	shalt  }
.Lfunc_end0:
.L_simem_size_0:
called_computation.1_lowered:
.L_overlay_start_0:
0x88: {  	s2 =	sld [smem:$0x3FD9]  }
0x89: {  	s3 =	sld [smem:$0x3FFE];
	_ =	sdelay $0x1  }
0x8a: {  	s1 =	srdreg.scid  }
0x8b: {  	s0 =	sand.u32 $0x1, s1  }
0x8c: {  	s17 =	sshll.u32 s0, $0xA;
	s2 =	sadd.s32 s3, s2  }
0x8d: {  	s2 =	sadd.s32 s2, s17  }
0x8e: {  	[smem:$0x3FC5] =	sst s2  }
0x8f: {  	_ = 	snop  }
0x90: {  	s2 =	sld [smem:$0x3FD0];
	(tm) =	ssettm $0x1  }
0x91: {  	s18 =	sld [smem:$0x3FFB];
	_ =	sdelay $0x3  }
0x92: {  	_ =	strace s18  }
0x93: {  	s3 =	sld [smem:$0x3FFC];
	_ =	sdelay $0x3  }
0x94: {  	_ =	strace s3  }
0x95: {  	s3 =	sld [smem:$0x3FFD];
	_ =	sdelay $0x3  }
0x96: {  	_ =	strace s3  }
0x97: {  	_ =	strace $0x8FFFFFFF  }
0x98: {  	s19 =	sld [smem:$0x3FDB];
	_ =	sdelay $0x1  }
0x99: {  	s4 =	simm.s32 $_scs_section_size  }
0x9a: {  	s5 =	simm.s32 $_size__tile_overlayer_lowered;
	s6 =	simm.s32 $_tile_overlayer_lowered  }
0x9b: {  	s22 =	simm.s32 $0x1BFF;
	s21 =	sshll.u32 s6, $0x1;
	s3 =	sadd.s32 s4, s19  }
0x9c: {  	s7 =	simm.s32 $0x0;
	s20 =	sshll.u32 s5, $0x1;
	s5 =	sadd.s32 s21, s3  }
0x9d: {  	[timem:s7], [sflag:s22] =	dma.local [hbm:s5], s20  }
0x9e: {  	_ =	swait.ge [sflag:s22], s20  }
0x9f: {  	s4 =	ssub.s32 $0x0, s20;
	[sflag:s22] =	ssyncset.done $0x0  }
0xa0: {  	[sflag:s22] =	ssyncadd.s32 s4;
	_ =	sdelay $0x1  }
0xa1: {  	s23 =	simm.s32 $0x1B8B  }
0xa2: {  	_ =	swait.ge [sflag:s23], $0x1  }
0xa3: {  	[sflag:s23] =	ssyncset.done $0x0  }
0xa4: {  	s25 =	simm.s32 $0x1B8E;
	s24 =	sld [smem:$0x3FFE];
	[sflag:s23] =	ssyncadd.s32 $0xFFFFFFFF  }
0xa5: {  	s26 =	simm.s32 $execute0_lowered;
	[smem:$0x3FD2] =	sst s25  }
0xa6: {  	s5 =	sshll.u32 s26, $0x1;
	_ =	strace $0x80000046;
	[dreg:$0x1] =	wrdreg $0xFFFFFFFF  }
0xa7: {  	s28 =	simm.s32 $_size_execute0_lowered;
	s3 =	sadd.s32 s3, s5;
	[dreg:$0x0] =	wrdreg $0x0  }
0xa8: {  	s5 =	sshll.u32 s28, $0x1;
	[dreg:$0x2] =	wrdreg s3  }
0xa9: {  	[dreg:$0x3] =	wrdreg s5  }
0xaa: {  	[dreg:$0x4] =	wrdreg $0xC0  }
0xab: {  	_ =	task [dreg:s7], $0x5FFFF  }
0xac: {  	[dreg:$0x1] =	wrdreg $0xFFFFFFFF  }
0xad: {  	[dreg:$0x0] =	wrdreg $0x60  }
0xae: {  	[dreg:$0x2] =	wrdreg s24  }
0xaf: {  	[dreg:$0x3] =	wrdreg s2  }
0xb0: {  	[dreg:$0x4] =	wrdreg $0x9  }
0xb1: {  	_ =	task.clear_ibuf [dreg:s7], $0x5FFFF;
	_ =	strace $0x90000046  }
0xb2: {  	s29 =	simm.s32 $0x9;
	_ =	strace $0x80000048  }
0xb3: {  	_ =	swait.ge [sflag:s29], $0x1  }
0xb4: {  	[sflag:s29] =	ssyncadd.s32 $0xFFFFFFFF  }
0xb5: {  	_ =	strace $0x90000048  }
0xb6: {  	_ =	sfence  }
0xb7: {  	s30 =	sld [smem:$0x0];
	_ =	sdelay $0x2  }
0xb8: {  	s31 =	sshll.u32 s1, $0xD;
	s1 =	sshrl.u32 s1, $0x2  }
0xb9: {  	s3 =	sand.u32 $0x4000, s31;
	s1 =	sadd.s32 s1, s30  }
0xba: {  	s0 =	sor.u32 s3, s0;
	s1 =	sshll.u32 s1, $0x11  }
0xbb: {  	s0 =	sor.u32 s1, s0  }
0xbc: {  	s0 =	sadd.s32 $0x8F2B, s0  }
0xbd: {  	[sflag:s0] =	ssyncadd.remote.s32 $0x1  }
0xbe: {  	_ =	sfence.sel $0xFFFF  }
0xbf: {  	[dreg:$0x0] =	wrdreg $0xFFFFFFFF;
	(pc) =	sbr.abs _section_cstart, $3  }
0xc0: {  	[dreg:$0x1] =	wrdreg $0xFFFFFFFF  }
0xc1: {  	_ =	task.clear_ibuf [dreg:s7], $0x2FFFF;
	_ =	strace $0x9FFFFFFF  }
0xc2: {  	(tm) =	ssettm $0x7FFFFFFF  }
0xc3: {  	_ =	shalt  }
tec
execute0_lowered:
.L_overlay_start_1:
0x0: {  	(tag) =	ssettag $0x1  }
0x1: {  	s0 =	srdreg.scid;
	s2 =	stileid.u32  }
0x2: {  	s1 =	rddreg [dreg:$0x0];
	s15 =	simm.s32 $0x9;
	s17 =	simm.s32 $0xC8  }
0x3: {  	s18 =	simm.s32 $0x1900;
	s19 =	simm.s32 $0x4B00;
	s21 =	simm.s32 $0x7D00  }
0x4: {  	s22 =	simm.s32 $0x1;
	s0 =	sand.u32 $0x1, s0;
	s3 =	sshll.u32 s2, $0x1  }
0x5: {  	s28 =	simm.s32 $0x3;
	s29 =	simm.s32 $0x6;
	s6 =	sor.u32 s0, s3  }
0x6: {  	s30 =	simm.s32 $0x4;
	s31 =	simm.s32 $0x7;
	s4 =	smul.u32 $0x1900, s6  }
0x7: {  	s3 =	simm.s32 $0x0;
	s0 =	ssub.s32 $0x2, s0;
	s7 =	smul.u32 $0xC800, s6  }
0x8: {  	[smem:$0x7FF] =	sst s3;
	s9 =	sshrl.u32 s0, $0x1;
	s6 =	smul.u32 $0x64000, s6  }
0x9: {  	s2 =	rddreg [dreg:$0x1];
	_ =	strace $0x80000047;
	s0 =	ssub.s32 s0, s9  }
0xa: {  	s5 =	sshrl.u32 s4, $0x3;
	s7 =	sadd.s32 s2, s7;
	s25 =	sshrl.u32 s6, $0x3  }
0xb: {  	s10 =	sadd.s32 $0x190, s4;
	s11 =	sadd.s32 $0x258, s4;
	s14 =	smax.u32 s0, $0x1  }
0xc: {  	s8 =	sadd.s32 s5, s1;
	s5 =	sadd.s32 $0xF43000, s1;
	s1 =	sadd.s32 $0x7000, s1  }
0xd: {  	s0 =	simm.s32 $0x0;
	s24 =	sadd.s32 $0x640, s7;
	[dreg:$0x3] =	wrdreg s1  }
0xe: {  	s23 =	sadd.s32 $0xC00, s8;
	[dreg:$0x5] =	wrdreg s24;
	s1 =	sadd.s32 s2, s25  }
0xf: {  	s24 =	simm.s32 $0xAF00;
	[dreg:$0x4] =	wrdreg s23;
	s26 =	sadd.s32 $0xBB80, s1  }
0x10: {  	s25 =	simm.s32 $0x2;
	s1 =	sadd.s32 $0xC1C0, s1;
	[dreg:$0x6] =	wrdreg s26  }
0x11: {  	[dreg:$0x7] =	wrdreg s1;
	s26 =	simm.s32 $0x5;
	s1 =	simm.s32 $0x8  }
.LBB2_1:
0x12: {  	s6 =	rddreg [dreg:$0x4]  }
0x13: {  	[tilespmem:s3], [sflag:$0x9] =	stream.linear.gather [hbm4b:s6+s3], $0x1900, $0x38;
	[tilespmem:$0x11300] =	vst v63  }
0x14: {  	_ =	swait.ge [sflag:s15], $0x1900  }
0x15: {  	[sflag:s15] =	ssyncset.done $0x0  }
0x16: {  	s8 =	simm.s32 $0xE100;
	s20 =	rddreg [dreg:$0x3];
	[sflag:s15] =	ssyncadd.s32 $0xFFFFE700  }
0x17: {  	[tilespmem:s8], [sflag:$0x9] =	stream.linear.gather [hbm4b:s20+s3], $0x3200, $0x38;
	[tilespmem:$0x11300] =	vst v63  }
0x18: {  	_ =	swait.ge [sflag:s15], $0x3200  }
0x19: {  	[sflag:s15] =	ssyncset.done $0x0  }
0x1a: {  	[sflag:s15] =	ssyncadd.s32 $0xFFFFCE00  }
0x1b: {  	[tilespmem:s18], [sflag:$0x1] =	stream.indirect.gather [hbm4b:s5+s17], $0x40, s3, s17, $0xb8;
	[tilespmem:$0x11300] =	vst v63  }
0x1c: {  	_ = 	snop  }
0x1d: {  	[tilespmem:s19], [sflag:$0x2] =	stream.indirect.gather [hbm4b:s5+s17], $0x40, s17, s17, $0xb8;
	[tilespmem:$0x11300] =	vst v63  }
0x1e: {  	s23 =	simm.s32 $0x190  }
0x1f: {  	[tilespmem:s21], [sflag:$0x3] =	stream.indirect.gather [hbm4b:s5+s17], $0x40, s23, s17, $0xb8;
	[tilespmem:$0x11300] =	vst v63  }
0x20: {  	_ =	swait.ge [sflag:s22], $0x3200  }
0x21: {  	[sflag:s22] =	ssyncset.done $0x0  }
0x22: {  	s6 =	simm.s32 $0x1A00;
	[sflag:s22] =	ssyncadd.s32 $0xFFFFCE00  }
0x23: {  	s8 =	simm.s32 $0xE200;
	v0 =	vld [tilespmem:s6+$0xC0]  }
0x24: {  	v1 =	vld [tilespmem:s8+$0xC0]  }
0x25: {  	v2 =	vld [tilespmem:s8+$0xFFFFFF00]  }
0x26: {  	v3 =	vld [tilespmem:s6+$0xFFFFFF40]  }
0x27: {  	v4 =	vld [tilespmem:s6+$0xFFFFFF80]  }
0x28: {  	v6 =	vld [tilespmem:s8+$0xFFFFFF80]  }
0x29: {  	v7 =	vld [tilespmem:s6+$0xFFFFFFC0]  }
0x2a: {  	v8 =	vld [tilespmem:s8+$0xFFFFFFC0]  }
0x2b: {  	v9 =	vld [tilespmem:s6+$0x0]  }
0x2c: {  	v10 =	vld [tilespmem:s8+$0x0]  }
0x2d: {  	v11 =	vld [tilespmem:s8+$0x40]  }
0x2e: {  	v60 =	vld [tilespmem:s6+$0xFFFFFFD0]  }
0x2f: {  	v13 =	vld [tilespmem:s6+$0x10]  }
0x30: {  	v61 =	vld [tilespmem:s6+$0xFFFFFFE0]  }
0x31: {  	v62 =	vld [tilespmem:s6+$0x60];
	v0 =	vadd.f32 v1, v0  }
0x32: {  	v1 =	vld [tilespmem:s8+$0xFFFFFF40]  }
0x33: {  	[tilespmem:s6+$0xC0] =	vst v0;
	v0 =	vld [tilespmem:s6+$0xD0]  }
0x34: {  	v5 =	vld [tilespmem:s8+$0xD0]  }
0x35: {  	v63 =	vld [tilespmem:s6+$0xFFFFFF30];
	v4 =	vadd.f32 v6, v4  }
0x36: {  	v6 =	vld [tilespmem:s8+$0x80]  }
0x37: {  	[tilespmem:s6+$0xFFFFFF80] =	vst v4;
	v4 =	vadd.f32 v10, v9;
	v10 =	vld [tilespmem:s6+$0xFFFFFF50];
	v1 =	vadd.f32 v1, v3  }
0x38: {  	v3 =	vld [tilespmem:s6+$0x80]  }
0x39: {  	[tilespmem:s6+$0xFFFFFF40] =	vst v1;
	v0 =	vadd.f32 v5, v0;
	v5 =	vld [tilespmem:s6+$0x40]  }
0x3a: {  	v1 =	vadd.f32 v8, v7;
	v8 =	vld [tilespmem:s8+$0xFFFFFF50]  }
0x3b: {  	[tilespmem:s6+$0xD0] =	vst v0;
	v0 =	vld [tilespmem:s6+$0xE0]  }
0x3c: {  	[tilespmem:s6+$0x0] =	vst v4;
	v12 =	vld [tilespmem:s8+$0xE0]  }
0x3d: {  	v9 =	vld [tilespmem:s8+$0x10]  }
0x3e: {  	v7 =	vld [tilespmem:s6+$0xFFFFFF00]  }
0x3f: {  	[tilespmem:s6+$0xFFFFFFC0] =	vst v1;
	v1 =	vld [tilespmem:s8+$0xFFFFFF90]  }
0x40: {  	v4 =	vld [tilespmem:s8+$0xFFFFFFD0];
	v8 =	vadd.f32 v8, v10  }
0x41: {  	v5 =	vadd.f32 v11, v5;
	v11 =	vld [tilespmem:s6+$0xFFFFFF90];
	v0 =	vadd.f32 v12, v0  }
0x42: {  	v10 =	vld [tilespmem:s6+$0x90];
	[tilespmem:s6+$0xFFFFFF50] =	vst v8  }
0x43: {  	v8 =	vld [tilespmem:s8+$0xFFFFFF60];
	[tilespmem:s6+$0xE0] =	vst v0;
	v0 =	vadd.f32 v2, v7  }
0x44: {  	[tilespmem:s6+$0x40] =	vst v5;
	v7 =	vld [tilespmem:s6+$0xF0];
	v2 =	vadd.f32 v6, v3  }
0x45: {  	v5 =	vld [tilespmem:s8+$0xF0];
	[tilespmem:s6+$0xFFFFFF00] =	vst v0  }
0x46: {  	v1 =	vadd.f32 v1, v11;
	[tilespmem:s6+$0x80] =	vst v2;
	v2 =	vld [tilespmem:s6+$0xFFFFFF10]  }
0x47: {  	v3 =	vld [tilespmem:s8+$0xFFFFFF10]  }
0x48: {  	[tilespmem:s6+$0xFFFFFF90] =	vst v1;
	v1 =	vadd.f32 v9, v13;
	v6 =	vld [tilespmem:s8+$0x90]  }
0x49: {  	v4 =	vadd.f32 v4, v60;
	v0 =	vld [tilespmem:s8+$0x50]  }
0x4a: {  	v9 =	vld [tilespmem:s8+$0xFFFFFFA0];
	[tilespmem:s6+$0x10] =	vst v1  }
0x4b: {  	[tilespmem:s6+$0xFFFFFFD0] =	vst v4;
	v4 =	vld [tilespmem:s8+$0x20]  }
0x4c: {  	v2 =	vadd.f32 v3, v2;
	v3 =	vld [tilespmem:s6+$0x50]  }
0x4d: {  	v1 =	vadd.f32 v6, v10;
	v10 =	vld [tilespmem:s6+$0xFFFFFFA0]  }
0x4e: {  	[tilespmem:s6+$0xFFFFFF10] =	vst v2;
	v2 =	vld [tilespmem:s6+$0xFFFFFF20]  }
0x4f: {  	v11 =	vld [tilespmem:s8+$0xFFFFFF20]  }
0x50: {  	v5 =	vadd.f32 v5, v7;
	[tilespmem:s6+$0x90] =	vst v1;
	v1 =	vld [tilespmem:s6+$0xFFFFFF60]  }
0x51: {  	v7 =	vld [tilespmem:s6+$0x30]  }
0x52: {  	[tilespmem:s6+$0xF0] =	vst v5;
	v5 =	vld [tilespmem:s6+$0x70]  }
0x53: {  	v6 =	vld [tilespmem:s8+$0xA0]  }
0x54: {  	v0 =	vadd.f32 v0, v3;
	v3 =	vld [tilespmem:s8+$0xFFFFFFE0];
	v2 =	vadd.f32 v11, v2  }
0x55: {  	v1 =	vadd.f32 v8, v1;
	v8 =	vadd.f32 v9, v10;
	v9 =	vld [tilespmem:s6+$0xFFFFFFB0]  }
0x56: {  	[tilespmem:s6+$0xFFFFFF20] =	vst v2;
	v2 =	vld [tilespmem:s6+$0xA0]  }
0x57: {  	[tilespmem:s6+$0x50] =	vst v0;
	v11 =	vld [tilespmem:s6+$0x20]  }
0x58: {  	v0 =	vld [tilespmem:s8+$0x60];
	[tilespmem:s6+$0xFFFFFF60] =	vst v1  }
0x59: {  	[tilespmem:s6+$0xFFFFFFA0] =	vst v8;
	v8 =	vld [tilespmem:s6+$0xFFFFFFF0]  }
0x5a: {  	v1 =	vadd.f32 v3, v61;
	v14 =	vld [tilespmem:s8+$0xFFFFFF70]  }
0x5b: {  	v10 =	vld [tilespmem:s8+$0xFFFFFF30];
	v6 =	vadd.f32 v6, v2  }
0x5c: {  	[tilespmem:s6+$0xFFFFFFE0] =	vst v1;
	v3 =	vadd.f32 v4, v11;
	v4 =	vld [tilespmem:s8+$0xFFFFFFB0]  }
0x5d: {  	v0 =	vadd.f32 v0, v62;
	[tilespmem:s6+$0xA0] =	vst v6;
	v6 =	vld [tilespmem:s6+$0xFFFFFF70]  }
0x5e: {  	v1 =	vld [tilespmem:s8+$0xFFFFFFF0];
	[tilespmem:s6+$0x20] =	vst v3  }
0x5f: {  	[tilespmem:s6+$0x60] =	vst v0;
	v2 =	vld [tilespmem:s8+$0x30]  }
0x60: {  	v3 =	vld [tilespmem:s8+$0x70];
	v10 =	vadd.f32 v10, v63  }
0x61: {  	v0 =	vld [tilespmem:s8+$0xB0]  }
0x62: {  	s9 =	simm.s32 $0x0;
	s12 =	simm.s32 $0x1C00;
	[tilespmem:s6+$0xFFFFFF30] =	vst v10;
	v10 =	vadd.f32 v14, v6;
	v6 =	vld [tilespmem:s6+$0xB0]  }
.LBB2_2:
0x63: {  	v11 =	vld [tilespmem:s12+$0xC0];
	v4 =	vadd.f32 v4, v9;
	s8 =	sadd.s32 $0x200, s8  }
0x64: {  	s9 =	sadd.s32 $0x8, s9;
	v9 =	vld [tilespmem:s8+$0xC0];
	[tilespmem:s6+$0xFFFFFF70] =	vst v10;
	v1 =	vadd.f32 v1, v8  }
0x65: {  	p0 =	slt.u32 s9, $0xC0;
	v8 =	vld [tilespmem:s8+$0xFFFFFF00];
	[tilespmem:s6+$0xFFFFFFB0] =	vst v4;
	v2 =	vadd.f32 v2, v7  }
0x66: {  	v4 =	vld [tilespmem:s12+$0xFFFFFF40];
	[tilespmem:s6+$0xFFFFFFF0] =	vst v1;
	v1 =	vadd.f32 v3, v5  }
0x67: {  	v3 =	vld [tilespmem:s8+$0xFFFFFF40];
	[tilespmem:s6+$0x30] =	vst v2;
	v0 =	vadd.f32 v0, v6  }
0x68: {  	v2 =	vld [tilespmem:s12+$0xFFFFFF80];
	[tilespmem:s6+$0x70] =	vst v1  }
0x69: {  	v1 =	vld [tilespmem:s8+$0xFFFFFF80];
	v5 =	vadd.f32 v9, v11;
	[tilespmem:s6+$0xB0] =	vst v0;
	s6 =	smov.u32 s12  }
0x6a: {  	v0 =	vld [tilespmem:s12+$0xFFFFFFC0]  }
0x6b: {  	[tilespmem:s12+$0xC0] =	vst v5;
	v5 =	vld [tilespmem:s12+$0xD0]  }
0x6c: {  	v3 =	vadd.f32 v3, v4;
	v4 =	vld [tilespmem:s8+$0xD0]  }
0x6d: {  	v6 =	vld [tilespmem:s8+$0xFFFFFFC0]  }
0x6e: {  	[tilespmem:s12+$0xFFFFFF40] =	vst v3;
	v1 =	vadd.f32 v1, v2;
	v2 =	vld [tilespmem:s12+$0x0]  }
0x6f: {  	v3 =	vld [tilespmem:s8+$0x0]  }
0x70: {  	[tilespmem:s12+$0xFFFFFF80] =	vst v1;
	v1 =	vld [tilespmem:s12+$0x40]  }
0x71: {  	v7 =	vld [tilespmem:s8+$0x40];
	v4 =	vadd.f32 v4, v5  }
0x72: {  	v0 =	vadd.f32 v6, v0;
	v5 =	vld [tilespmem:s12+$0x80]  }
0x73: {  	[tilespmem:s12+$0xD0] =	vst v4;
	v4 =	vld [tilespmem:s12+$0xE0]  }
0x74: {  	[tilespmem:s12+$0xFFFFFFC0] =	vst v0;
	v0 =	vadd.f32 v3, v2;
	v2 =	vld [tilespmem:s8+$0xE0]  }
0x75: {  	v3 =	vld [tilespmem:s8+$0x80]  }
0x76: {  	v6 =	vld [tilespmem:s12+$0xFFFFFF00];
	[tilespmem:s12+$0x0] =	vst v0;
	v0 =	vadd.f32 v7, v1  }
0x77: {  	v1 =	vld [tilespmem:s8+$0xFFFFFF50]  }
0x78: {  	v7 =	vld [tilespmem:s8+$0xFFFFFF90];
	[tilespmem:s12+$0x40] =	vst v0  }
0x79: {  	v0 =	vld [tilespmem:s8+$0xFFFFFFD0];
	v2 =	vadd.f32 v2, v4  }
0x7a: {  	v4 =	vld [tilespmem:s8+$0x10];
	v3 =	vadd.f32 v3, v5  }
0x7b: {  	v5 =	vadd.f32 v8, v6;
	[tilespmem:s12+$0xE0] =	vst v2;
	v2 =	vld [tilespmem:s12+$0xF0]  }
0x7c: {  	[tilespmem:s12+$0x80] =	vst v3;
	v3 =	vld [tilespmem:s8+$0xF0]  }
0x7d: {  	[tilespmem:s12+$0xFFFFFF00] =	vst v5;
	v5 =	vld [tilespmem:s8+$0x50]  }
0x7e: {  	v6 =	vld [tilespmem:s8+$0xFFFFFF10]  }
0x7f: {  	v8 =	vld [tilespmem:s8+$0x90]  }
0x80: {  	v9 =	vld [tilespmem:s12+$0xFFFFFF10]  }
0x81: {  	v10 =	vld [tilespmem:s12+$0xFFFFFF50];
	v2 =	vadd.f32 v3, v2  }
0x82: {  	v3 =	vld [tilespmem:s12+$0xFFFFFF90]  }
0x83: {  	v11 =	vld [tilespmem:s12+$0xFFFFFFD0];
	[tilespmem:s12+$0xF0] =	vst v2  }
0x84: {  	v2 =	vld [tilespmem:s12+$0x10]  }
0x85: {  	v6 =	vadd.f32 v6, v9;
	v9 =	vld [tilespmem:s12+$0x50]  }
0x86: {  	v1 =	vadd.f32 v1, v10;
	v10 =	vld [tilespmem:s12+$0x90]  }
0x87: {  	[tilespmem:s12+$0xFFFFFF10] =	vst v6;
	v6 =	vld [tilespmem:s12+$0xFFFFFF20];
	v3 =	vadd.f32 v7, v3  }
0x88: {  	v7 =	vld [tilespmem:s8+$0xFFFFFF20];
	[tilespmem:s12+$0xFFFFFF50] =	vst v1;
	v0 =	vadd.f32 v0, v11  }
0x89: {  	v1 =	vld [tilespmem:s8+$0xFFFFFF60];
	[tilespmem:s12+$0xFFFFFF90] =	vst v3;
	v2 =	vadd.f32 v4, v2  }
0x8a: {  	v3 =	vld [tilespmem:s8+$0xFFFFFFA0];
	[tilespmem:s12+$0xFFFFFFD0] =	vst v0;
	v0 =	vadd.f32 v5, v9  }
0x8b: {  	v4 =	vld [tilespmem:s8+$0xFFFFFFE0];
	[tilespmem:s12+$0x10] =	vst v2;
	v2 =	vadd.f32 v8, v10  }
0x8c: {  	v5 =	vld [tilespmem:s8+$0x20];
	[tilespmem:s12+$0x50] =	vst v0  }
0x8d: {  	v0 =	vadd.f32 v7, v6;
	v6 =	vld [tilespmem:s8+$0x60];
	[tilespmem:s12+$0x90] =	vst v2  }
0x8e: {  	v2 =	vld [tilespmem:s8+$0xA0]  }
0x8f: {  	[tilespmem:s12+$0xFFFFFF20] =	vst v0;
	v0 =	vld [tilespmem:s12+$0xFFFFFF60]  }
0x90: {  	v7 =	vld [tilespmem:s12+$0xFFFFFFA0]  }
0x91: {  	v8 =	vld [tilespmem:s12+$0xFFFFFFE0]  }
0x92: {  	v9 =	vld [tilespmem:s12+$0x20]  }
0x93: {  	v10 =	vld [tilespmem:s12+$0x60]  }
0x94: {  	v0 =	vadd.f32 v1, v0;
	v11 =	vld [tilespmem:s12+$0xA0]  }
0x95: {  	v12 =	vld [tilespmem:s8+$0xFFFFFF30];
	v1 =	vadd.f32 v3, v7  }
0x96: {  	v3 =	vld [tilespmem:s12+$0xFFFFFF30];
	[tilespmem:s12+$0xFFFFFF60] =	vst v0;
	v0 =	vadd.f32 v4, v8  }
0x97: {  	v13 =	vld [tilespmem:s8+$0xFFFFFF70];
	[tilespmem:s12+$0xFFFFFFA0] =	vst v1;
	v5 =	vadd.f32 v5, v9  }
0x98: {  	v4 =	vld [tilespmem:s8+$0xFFFFFFB0];
	[tilespmem:s12+$0xFFFFFFE0] =	vst v0;
	v0 =	vadd.f32 v6, v10  }
0x99: {  	v1 =	vld [tilespmem:s8+$0xFFFFFFF0];
	[tilespmem:s12+$0x20] =	vst v5;
	v5 =	vadd.f32 v2, v11  }
0x9a: {  	v2 =	vld [tilespmem:s8+$0x30];
	[tilespmem:s12+$0x60] =	vst v0  }
0x9b: {  	v6 =	vadd.f32 v12, v3;
	v3 =	vld [tilespmem:s8+$0x70];
	[tilespmem:s12+$0xA0] =	vst v5  }
0x9c: {  	v0 =	vld [tilespmem:s8+$0xB0]  }
0x9d: {  	[tilespmem:s12+$0xFFFFFF30] =	vst v6;
	v6 =	vld [tilespmem:s12+$0xFFFFFF70]  }
.Ltmp0:
0x9e: {  	v9 =	vld [tilespmem:s12+$0xFFFFFFB0];
	(pc) =	sbr.rel @p0 .LBB2_2-.Ltmp0, $4  }
0x9f: {  	v8 =	vld [tilespmem:s12+$0xFFFFFFF0]  }
0xa0: {  	v7 =	vld [tilespmem:s12+$0x30]  }
0xa1: {  	v5 =	vld [tilespmem:s12+$0x70]  }
0xa2: {  	s12 =	sadd.s32 $0x200, s12;
	v10 =	vadd.f32 v13, v6;
	v6 =	vld [tilespmem:s6+$0xB0]  }
0xa3: {  	v4 =	vadd.f32 v4, v9  }
0xa4: {  	[tilespmem:s6+$0xFFFFFF70] =	vst v10;
	v1 =	vadd.f32 v1, v8  }
0xa5: {  	[tilespmem:s6+$0xFFFFFFB0] =	vst v4;
	v2 =	vadd.f32 v2, v7  }
0xa6: {  	[tilespmem:s6+$0xFFFFFFF0] =	vst v1;
	v1 =	vadd.f32 v3, v5  }
0xa7: {  	[tilespmem:s6+$0x30] =	vst v2;
	v0 =	vadd.f32 v0, v6  }
0xa8: {  	[tilespmem:s6+$0x70] =	vst v1  }
0xa9: {  	[tilespmem:s6+$0xB0] =	vst v0  }
0xaa: {  	[hbm4b:s7+s3] =	stream.linear.scatter [tilespmem:s18], [sflag:$0x5], $0x3200, $0x38;
	[tilespmem:$0x11300] =	vst v63  }
0xab: {  	s23 =	simm.s32 $0x258  }
0xac: {  	[tilespmem:s24], [sflag:$0x4] =	stream.indirect.gather [hbm4b:s5+s17], $0x40, s23, s17, $0xb8;
	[tilespmem:$0x11300] =	vst v63  }
0xad: {  	_ =	swait.ge [sflag:s25], $0x3200  }
0xae: {  	[sflag:s25] =	ssyncset.done $0x0  }
0xaf: {  	s6 =	simm.s32 $0x4C00;
	[sflag:s25] =	ssyncadd.s32 $0xFFFFCE00  }
0xb0: {  	s8 =	simm.s32 $0xE200;
	v0 =	vld [tilespmem:s6+$0xC0]  }
0xb1: {  	v1 =	vld [tilespmem:s8+$0xC0]  }
0xb2: {  	v2 =	vld [tilespmem:s8+$0xFFFFFF00]  }
0xb3: {  	v3 =	vld [tilespmem:s6+$0xFFFFFF40]  }
0xb4: {  	v4 =	vld [tilespmem:s6+$0xFFFFFF80]  }
0xb5: {  	v6 =	vld [tilespmem:s8+$0xFFFFFF80]  }
0xb6: {  	v7 =	vld [tilespmem:s6+$0xFFFFFFC0]  }
0xb7: {  	v8 =	vld [tilespmem:s8+$0xFFFFFFC0]  }
0xb8: {  	v9 =	vld [tilespmem:s6+$0x0]  }
0xb9: {  	v10 =	vld [tilespmem:s8+$0x0]  }
0xba: {  	v11 =	vld [tilespmem:s8+$0x40]  }
0xbb: {  	v60 =	vld [tilespmem:s6+$0xFFFFFFD0]  }
0xbc: {  	v13 =	vld [tilespmem:s6+$0x10]  }
0xbd: {  	v61 =	vld [tilespmem:s6+$0xFFFFFFE0]  }
0xbe: {  	v62 =	vld [tilespmem:s6+$0x60];
	v0 =	vadd.f32 v1, v0  }
0xbf: {  	v1 =	vld [tilespmem:s8+$0xFFFFFF40]  }
0xc0: {  	[tilespmem:s6+$0xC0] =	vst v0;
	v0 =	vld [tilespmem:s6+$0xD0]  }
0xc1: {  	v5 =	vld [tilespmem:s8+$0xD0]  }
0xc2: {  	v63 =	vld [tilespmem:s6+$0xFFFFFF30];
	v4 =	vadd.f32 v6, v4  }
0xc3: {  	v6 =	vld [tilespmem:s8+$0x80]  }
0xc4: {  	[tilespmem:s6+$0xFFFFFF80] =	vst v4;
	v4 =	vadd.f32 v10, v9;
	v10 =	vld [tilespmem:s6+$0xFFFFFF50];
	v1 =	vadd.f32 v1, v3  }
0xc5: {  	v3 =	vld [tilespmem:s6+$0x80]  }
0xc6: {  	[tilespmem:s6+$0xFFFFFF40] =	vst v1;
	v0 =	vadd.f32 v5, v0;
	v5 =	vld [tilespmem:s6+$0x40]  }
0xc7: {  	v1 =	vadd.f32 v8, v7;
	v8 =	vld [tilespmem:s8+$0xFFFFFF50]  }
0xc8: {  	[tilespmem:s6+$0xD0] =	vst v0;
	v0 =	vld [tilespmem:s6+$0xE0]  }
0xc9: {  	[tilespmem:s6+$0x0] =	vst v4;
	v12 =	vld [tilespmem:s8+$0xE0]  }
0xca: {  	v9 =	vld [tilespmem:s8+$0x10]  }
0xcb: {  	v7 =	vld [tilespmem:s6+$0xFFFFFF00]  }
0xcc: {  	[tilespmem:s6+$0xFFFFFFC0] =	vst v1;
	v1 =	vld [tilespmem:s8+$0xFFFFFF90]  }
0xcd: {  	v4 =	vld [tilespmem:s8+$0xFFFFFFD0];
	v8 =	vadd.f32 v8, v10  }
0xce: {  	v5 =	vadd.f32 v11, v5;
	v11 =	vld [tilespmem:s6+$0xFFFFFF90];
	v0 =	vadd.f32 v12, v0  }
0xcf: {  	v10 =	vld [tilespmem:s6+$0x90];
	[tilespmem:s6+$0xFFFFFF50] =	vst v8  }
0xd0: {  	v8 =	vld [tilespmem:s8+$0xFFFFFF60];
	[tilespmem:s6+$0xE0] =	vst v0;
	v0 =	vadd.f32 v2, v7  }
0xd1: {  	[tilespmem:s6+$0x40] =	vst v5;
	v7 =	vld [tilespmem:s6+$0xF0];
	v2 =	vadd.f32 v6, v3  }
0xd2: {  	v5 =	vld [tilespmem:s8+$0xF0];
	[tilespmem:s6+$0xFFFFFF00] =	vst v0  }
0xd3: {  	v1 =	vadd.f32 v1, v11;
	[tilespmem:s6+$0x80] =	vst v2;
	v2 =	vld [tilespmem:s6+$0xFFFFFF10]  }
0xd4: {  	v3 =	vld [tilespmem:s8+$0xFFFFFF10]  }
0xd5: {  	[tilespmem:s6+$0xFFFFFF90] =	vst v1;
	v1 =	vadd.f32 v9, v13;
	v6 =	vld [tilespmem:s8+$0x90]  }
0xd6: {  	v4 =	vadd.f32 v4, v60;
	v0 =	vld [tilespmem:s8+$0x50]  }
0xd7: {  	v9 =	vld [tilespmem:s8+$0xFFFFFFA0];
	[tilespmem:s6+$0x10] =	vst v1  }
0xd8: {  	[tilespmem:s6+$0xFFFFFFD0] =	vst v4;
	v4 =	vld [tilespmem:s8+$0x20]  }
0xd9: {  	v2 =	vadd.f32 v3, v2;
	v3 =	vld [tilespmem:s6+$0x50]  }
0xda: {  	v1 =	vadd.f32 v6, v10;
	v10 =	vld [tilespmem:s6+$0xFFFFFFA0]  }
0xdb: {  	[tilespmem:s6+$0xFFFFFF10] =	vst v2;
	v2 =	vld [tilespmem:s6+$0xFFFFFF20]  }
0xdc: {  	v11 =	vld [tilespmem:s8+$0xFFFFFF20]  }
0xdd: {  	v5 =	vadd.f32 v5, v7;
	[tilespmem:s6+$0x90] =	vst v1;
	v1 =	vld [tilespmem:s6+$0xFFFFFF60]  }
0xde: {  	v7 =	vld [tilespmem:s6+$0x30]  }
0xdf: {  	[tilespmem:s6+$0xF0] =	vst v5;
	v5 =	vld [tilespmem:s6+$0x70]  }
0xe0: {  	v6 =	vld [tilespmem:s8+$0xA0]  }
0xe1: {  	v0 =	vadd.f32 v0, v3;
	v3 =	vld [tilespmem:s8+$0xFFFFFFE0];
	v2 =	vadd.f32 v11, v2  }
0xe2: {  	v1 =	vadd.f32 v8, v1;
	v8 =	vadd.f32 v9, v10;
	v9 =	vld [tilespmem:s6+$0xFFFFFFB0]  }
0xe3: {  	[tilespmem:s6+$0xFFFFFF20] =	vst v2;
	v2 =	vld [tilespmem:s6+$0xA0]  }
0xe4: {  	[tilespmem:s6+$0x50] =	vst v0;
	v11 =	vld [tilespmem:s6+$0x20]  }
0xe5: {  	v0 =	vld [tilespmem:s8+$0x60];
	[tilespmem:s6+$0xFFFFFF60] =	vst v1  }
0xe6: {  	[tilespmem:s6+$0xFFFFFFA0] =	vst v8;
	v8 =	vld [tilespmem:s6+$0xFFFFFFF0]  }
0xe7: {  	v1 =	vadd.f32 v3, v61;
	v14 =	vld [tilespmem:s8+$0xFFFFFF70]  }
0xe8: {  	v10 =	vld [tilespmem:s8+$0xFFFFFF30];
	v6 =	vadd.f32 v6, v2  }
0xe9: {  	[tilespmem:s6+$0xFFFFFFE0] =	vst v1;
	v3 =	vadd.f32 v4, v11;
	v4 =	vld [tilespmem:s8+$0xFFFFFFB0]  }
0xea: {  	v0 =	vadd.f32 v0, v62;
	[tilespmem:s6+$0xA0] =	vst v6;
	v6 =	vld [tilespmem:s6+$0xFFFFFF70]  }
0xeb: {  	v1 =	vld [tilespmem:s8+$0xFFFFFFF0];
	[tilespmem:s6+$0x20] =	vst v3  }
0xec: {  	[tilespmem:s6+$0x60] =	vst v0;
	v2 =	vld [tilespmem:s8+$0x30]  }
0xed: {  	v3 =	vld [tilespmem:s8+$0x70];
	v10 =	vadd.f32 v10, v63  }
0xee: {  	v0 =	vld [tilespmem:s8+$0xB0]  }
0xef: {  	s9 =	simm.s32 $0x0;
	s12 =	simm.s32 $0x4E00;
	[tilespmem:s6+$0xFFFFFF30] =	vst v10;
	v10 =	vadd.f32 v14, v6;
	v6 =	vld [tilespmem:s6+$0xB0]  }
.LBB2_4:
0xf0: {  	v11 =	vld [tilespmem:s12+$0xC0];
	v4 =	vadd.f32 v4, v9;
	s8 =	sadd.s32 $0x200, s8  }
0xf1: {  	s9 =	sadd.s32 $0x8, s9;
	v9 =	vld [tilespmem:s8+$0xC0];
	[tilespmem:s6+$0xFFFFFF70] =	vst v10;
	v1 =	vadd.f32 v1, v8  }
0xf2: {  	p0 =	slt.u32 s9, $0xC0;
	v8 =	vld [tilespmem:s8+$0xFFFFFF00];
	[tilespmem:s6+$0xFFFFFFB0] =	vst v4;
	v2 =	vadd.f32 v2, v7  }
0xf3: {  	v4 =	vld [tilespmem:s12+$0xFFFFFF40];
	[tilespmem:s6+$0xFFFFFFF0] =	vst v1;
	v1 =	vadd.f32 v3, v5  }
0xf4: {  	v3 =	vld [tilespmem:s8+$0xFFFFFF40];
	[tilespmem:s6+$0x30] =	vst v2;
	v0 =	vadd.f32 v0, v6  }
0xf5: {  	v2 =	vld [tilespmem:s12+$0xFFFFFF80];
	[tilespmem:s6+$0x70] =	vst v1  }
0xf6: {  	v1 =	vld [tilespmem:s8+$0xFFFFFF80];
	v5 =	vadd.f32 v9, v11;
	[tilespmem:s6+$0xB0] =	vst v0;
	s6 =	smov.u32 s12  }
0xf7: {  	v0 =	vld [tilespmem:s12+$0xFFFFFFC0]  }
0xf8: {  	[tilespmem:s12+$0xC0] =	vst v5;
	v5 =	vld [tilespmem:s12+$0xD0]  }
0xf9: {  	v3 =	vadd.f32 v3, v4;
	v4 =	vld [tilespmem:s8+$0xD0]  }
0xfa: {  	v6 =	vld [tilespmem:s8+$0xFFFFFFC0]  }
0xfb: {  	[tilespmem:s12+$0xFFFFFF40] =	vst v3;
	v1 =	vadd.f32 v1, v2;
	v2 =	vld [tilespmem:s12+$0x0]  }
0xfc: {  	v3 =	vld [tilespmem:s8+$0x0]  }
0xfd: {  	[tilespmem:s12+$0xFFFFFF80] =	vst v1;
	v1 =	vld [tilespmem:s12+$0x40]  }
0xfe: {  	v7 =	vld [tilespmem:s8+$0x40];
	v4 =	vadd.f32 v4, v5  }
0xff: {  	v0 =	vadd.f32 v6, v0;
	v5 =	vld [tilespmem:s12+$0x80]  }
0x100: {  	[tilespmem:s12+$0xD0] =	vst v4;
	v4 =	vld [tilespmem:s12+$0xE0]  }
0x101: {  	[tilespmem:s12+$0xFFFFFFC0] =	vst v0;
	v0 =	vadd.f32 v3, v2;
	v2 =	vld [tilespmem:s8+$0xE0]  }
0x102: {  	v3 =	vld [tilespmem:s8+$0x80]  }
0x103: {  	v6 =	vld [tilespmem:s12+$0xFFFFFF00];
	[tilespmem:s12+$0x0] =	vst v0;
	v0 =	vadd.f32 v7, v1  }
0x104: {  	v1 =	vld [tilespmem:s8+$0xFFFFFF50]  }
0x105: {  	v7 =	vld [tilespmem:s8+$0xFFFFFF90];
	[tilespmem:s12+$0x40] =	vst v0  }
0x106: {  	v0 =	vld [tilespmem:s8+$0xFFFFFFD0];
	v2 =	vadd.f32 v2, v4  }
0x107: {  	v4 =	vld [tilespmem:s8+$0x10];
	v3 =	vadd.f32 v3, v5  }
0x108: {  	v5 =	vadd.f32 v8, v6;
	[tilespmem:s12+$0xE0] =	vst v2;
	v2 =	vld [tilespmem:s12+$0xF0]  }
0x109: {  	[tilespmem:s12+$0x80] =	vst v3;
	v3 =	vld [tilespmem:s8+$0xF0]  }
0x10a: {  	[tilespmem:s12+$0xFFFFFF00] =	vst v5;
	v5 =	vld [tilespmem:s8+$0x50]  }
0x10b: {  	v6 =	vld [tilespmem:s8+$0xFFFFFF10]  }
0x10c: {  	v8 =	vld [tilespmem:s8+$0x90]  }
0x10d: {  	v9 =	vld [tilespmem:s12+$0xFFFFFF10]  }
0x10e: {  	v10 =	vld [tilespmem:s12+$0xFFFFFF50];
	v2 =	vadd.f32 v3, v2  }
0x10f: {  	v3 =	vld [tilespmem:s12+$0xFFFFFF90]  }
0x110: {  	v11 =	vld [tilespmem:s12+$0xFFFFFFD0];
	[tilespmem:s12+$0xF0] =	vst v2  }
0x111: {  	v2 =	vld [tilespmem:s12+$0x10]  }
0x112: {  	v6 =	vadd.f32 v6, v9;
	v9 =	vld [tilespmem:s12+$0x50]  }
0x113: {  	v1 =	vadd.f32 v1, v10;
	v10 =	vld [tilespmem:s12+$0x90]  }
0x114: {  	[tilespmem:s12+$0xFFFFFF10] =	vst v6;
	v6 =	vld [tilespmem:s12+$0xFFFFFF20];
	v3 =	vadd.f32 v7, v3  }
0x115: {  	v7 =	vld [tilespmem:s8+$0xFFFFFF20];
	[tilespmem:s12+$0xFFFFFF50] =	vst v1;
	v0 =	vadd.f32 v0, v11  }
0x116: {  	v1 =	vld [tilespmem:s8+$0xFFFFFF60];
	[tilespmem:s12+$0xFFFFFF90] =	vst v3;
	v2 =	vadd.f32 v4, v2  }
0x117: {  	v3 =	vld [tilespmem:s8+$0xFFFFFFA0];
	[tilespmem:s12+$0xFFFFFFD0] =	vst v0;
	v0 =	vadd.f32 v5, v9  }
0x118: {  	v4 =	vld [tilespmem:s8+$0xFFFFFFE0];
	[tilespmem:s12+$0x10] =	vst v2;
	v2 =	vadd.f32 v8, v10  }
0x119: {  	v5 =	vld [tilespmem:s8+$0x20];
	[tilespmem:s12+$0x50] =	vst v0  }
0x11a: {  	v0 =	vadd.f32 v7, v6;
	v6 =	vld [tilespmem:s8+$0x60];
	[tilespmem:s12+$0x90] =	vst v2  }
0x11b: {  	v2 =	vld [tilespmem:s8+$0xA0]  }
0x11c: {  	[tilespmem:s12+$0xFFFFFF20] =	vst v0;
	v0 =	vld [tilespmem:s12+$0xFFFFFF60]  }
0x11d: {  	v7 =	vld [tilespmem:s12+$0xFFFFFFA0]  }
0x11e: {  	v8 =	vld [tilespmem:s12+$0xFFFFFFE0]  }
0x11f: {  	v9 =	vld [tilespmem:s12+$0x20]  }
0x120: {  	v10 =	vld [tilespmem:s12+$0x60]  }
0x121: {  	v0 =	vadd.f32 v1, v0;
	v11 =	vld [tilespmem:s12+$0xA0]  }
0x122: {  	v12 =	vld [tilespmem:s8+$0xFFFFFF30];
	v1 =	vadd.f32 v3, v7  }
0x123: {  	v3 =	vld [tilespmem:s12+$0xFFFFFF30];
	[tilespmem:s12+$0xFFFFFF60] =	vst v0;
	v0 =	vadd.f32 v4, v8  }
0x124: {  	v13 =	vld [tilespmem:s8+$0xFFFFFF70];
	[tilespmem:s12+$0xFFFFFFA0] =	vst v1;
	v5 =	vadd.f32 v5, v9  }
0x125: {  	v4 =	vld [tilespmem:s8+$0xFFFFFFB0];
	[tilespmem:s12+$0xFFFFFFE0] =	vst v0;
	v0 =	vadd.f32 v6, v10  }
0x126: {  	v1 =	vld [tilespmem:s8+$0xFFFFFFF0];
	[tilespmem:s12+$0x20] =	vst v5;
	v5 =	vadd.f32 v2, v11  }
0x127: {  	v2 =	vld [tilespmem:s8+$0x30];
	[tilespmem:s12+$0x60] =	vst v0  }
0x128: {  	v6 =	vadd.f32 v12, v3;
	v3 =	vld [tilespmem:s8+$0x70];
	[tilespmem:s12+$0xA0] =	vst v5  }
0x129: {  	v0 =	vld [tilespmem:s8+$0xB0]  }
0x12a: {  	[tilespmem:s12+$0xFFFFFF30] =	vst v6;
	v6 =	vld [tilespmem:s12+$0xFFFFFF70]  }
.Ltmp1:
0x12b: {  	v9 =	vld [tilespmem:s12+$0xFFFFFFB0];
	(pc) =	sbr.rel @p0 .LBB2_4-.Ltmp1, $4  }
0x12c: {  	v8 =	vld [tilespmem:s12+$0xFFFFFFF0]  }
0x12d: {  	v7 =	vld [tilespmem:s12+$0x30]  }
0x12e: {  	v5 =	vld [tilespmem:s12+$0x70]  }
0x12f: {  	s12 =	sadd.s32 $0x200, s12;
	v10 =	vadd.f32 v13, v6;
	v6 =	vld [tilespmem:s6+$0xB0]  }
0x130: {  	v4 =	vadd.f32 v4, v9  }
0x131: {  	[tilespmem:s6+$0xFFFFFF70] =	vst v10;
	v1 =	vadd.f32 v1, v8  }
0x132: {  	[tilespmem:s6+$0xFFFFFFB0] =	vst v4;
	v2 =	vadd.f32 v2, v7  }
0x133: {  	[tilespmem:s6+$0xFFFFFFF0] =	vst v1;
	v63 =	vadd.f32 v3, v5  }
0x134: {  	[tilespmem:s6+$0x30] =	vst v2;
	v0 =	vadd.f32 v0, v6  }
0x135: {  	[tilespmem:s6+$0x70] =	vst v63  }
0x136: {  	[tilespmem:s6+$0xB0] =	vst v0  }
0x137: {  	s16 =	simm.s32 $0x0;
	s6 =	rddreg [dreg:$0x5]  }
0x138: {  	[hbm4b:s6+s16] =	stream.linear.scatter [tilespmem:s19], [sflag:$0x6], $0x3200, $0x38;
	[tilespmem:$0x11300] =	vst v63  }
.LBB2_6:
0x139: {  	_ =	swait.ge [sflag:s26], $0x3200;
	s6 =	smul.u32 $0x320, s16  }
0x13a: {  	[sflag:s26] =	ssyncset.done $0x0  }
0x13b: {  	[sflag:s26] =	ssyncadd.s32 $0xFFFFCE00;
	s20 =	sadd.s32 $0x320, s6  }
0x13c: {  	[tilespmem:s18], [sflag:$0x1] =	stream.indirect.gather [hbm4b:s5+s17], $0x40, s20, s17, $0xb8;
	[tilespmem:$0x11300] =	vst v63  }
0x13d: {  	_ =	swait.ge [sflag:s28], $0x3200  }
0x13e: {  	[sflag:s28] =	ssyncset.done $0x0  }
0x13f: {  	s23 =	simm.s32 $0x7E00;
	[sflag:s28] =	ssyncadd.s32 $0xFFFFCE00  }
0x140: {  	s8 =	simm.s32 $0xE200;
	v0 =	vld [tilespmem:s23+$0xC0]  }
0x141: {  	v1 =	vld [tilespmem:s8+$0xC0]  }
0x142: {  	v2 =	vld [tilespmem:s8+$0xFFFFFF00]  }
0x143: {  	v3 =	vld [tilespmem:s23+$0xFFFFFF40]  }
0x144: {  	v4 =	vld [tilespmem:s23+$0xFFFFFF80]  }
0x145: {  	v6 =	vld [tilespmem:s8+$0xFFFFFF80]  }
0x146: {  	v7 =	vld [tilespmem:s23+$0xFFFFFFC0]  }
0x147: {  	v8 =	vld [tilespmem:s8+$0xFFFFFFC0]  }
0x148: {  	v9 =	vld [tilespmem:s23+$0x0]  }
0x149: {  	v10 =	vld [tilespmem:s8+$0x0]  }
0x14a: {  	v11 =	vld [tilespmem:s8+$0x40]  }
0x14b: {  	v60 =	vld [tilespmem:s23+$0xFFFFFFD0]  }
0x14c: {  	v13 =	vld [tilespmem:s23+$0x10]  }
0x14d: {  	v61 =	vld [tilespmem:s23+$0xFFFFFFE0]  }
0x14e: {  	v62 =	vld [tilespmem:s23+$0x60];
	v0 =	vadd.f32 v1, v0  }
0x14f: {  	v1 =	vld [tilespmem:s8+$0xFFFFFF40]  }
0x150: {  	[tilespmem:s23+$0xC0] =	vst v0;
	v0 =	vld [tilespmem:s23+$0xD0]  }
0x151: {  	v5 =	vld [tilespmem:s8+$0xD0]  }
0x152: {  	v63 =	vld [tilespmem:s23+$0xFFFFFF30];
	v4 =	vadd.f32 v6, v4  }
0x153: {  	v6 =	vld [tilespmem:s8+$0x80]  }
0x154: {  	[tilespmem:s23+$0xFFFFFF80] =	vst v4;
	v4 =	vadd.f32 v10, v9;
	v10 =	vld [tilespmem:s23+$0xFFFFFF50];
	v1 =	vadd.f32 v1, v3  }
0x155: {  	v3 =	vld [tilespmem:s23+$0x80]  }
0x156: {  	[tilespmem:s23+$0xFFFFFF40] =	vst v1;
	v0 =	vadd.f32 v5, v0;
	v5 =	vld [tilespmem:s23+$0x40]  }
0x157: {  	v1 =	vadd.f32 v8, v7;
	v8 =	vld [tilespmem:s8+$0xFFFFFF50]  }
0x158: {  	[tilespmem:s23+$0xD0] =	vst v0;
	v0 =	vld [tilespmem:s23+$0xE0]  }
0x159: {  	[tilespmem:s23+$0x0] =	vst v4;
	v12 =	vld [tilespmem:s8+$0xE0]  }
0x15a: {  	v9 =	vld [tilespmem:s8+$0x10]  }
0x15b: {  	v7 =	vld [tilespmem:s23+$0xFFFFFF00]  }
0x15c: {  	[tilespmem:s23+$0xFFFFFFC0] =	vst v1;
	v1 =	vld [tilespmem:s8+$0xFFFFFF90]  }
0x15d: {  	v4 =	vld [tilespmem:s8+$0xFFFFFFD0];
	v8 =	vadd.f32 v8, v10  }
0x15e: {  	v5 =	vadd.f32 v11, v5;
	v11 =	vld [tilespmem:s23+$0xFFFFFF90];
	v0 =	vadd.f32 v12, v0  }
0x15f: {  	v10 =	vld [tilespmem:s23+$0x90];
	[tilespmem:s23+$0xFFFFFF50] =	vst v8  }
0x160: {  	v8 =	vld [tilespmem:s8+$0xFFFFFF60];
	[tilespmem:s23+$0xE0] =	vst v0;
	v0 =	vadd.f32 v2, v7  }
0x161: {  	[tilespmem:s23+$0x40] =	vst v5;
	v7 =	vld [tilespmem:s23+$0xF0];
	v2 =	vadd.f32 v6, v3  }
0x162: {  	v5 =	vld [tilespmem:s8+$0xF0];
	[tilespmem:s23+$0xFFFFFF00] =	vst v0  }
0x163: {  	v1 =	vadd.f32 v1, v11;
	[tilespmem:s23+$0x80] =	vst v2;
	v2 =	vld [tilespmem:s23+$0xFFFFFF10]  }
0x164: {  	v3 =	vld [tilespmem:s8+$0xFFFFFF10]  }
0x165: {  	[tilespmem:s23+$0xFFFFFF90] =	vst v1;
	v1 =	vadd.f32 v9, v13;
	v6 =	vld [tilespmem:s8+$0x90]  }
0x166: {  	v4 =	vadd.f32 v4, v60;
	v0 =	vld [tilespmem:s8+$0x50]  }
0x167: {  	v9 =	vld [tilespmem:s8+$0xFFFFFFA0];
	[tilespmem:s23+$0x10] =	vst v1  }
0x168: {  	[tilespmem:s23+$0xFFFFFFD0] =	vst v4;
	v4 =	vld [tilespmem:s8+$0x20]  }
0x169: {  	v2 =	vadd.f32 v3, v2;
	v3 =	vld [tilespmem:s23+$0x50]  }
0x16a: {  	v1 =	vadd.f32 v6, v10;
	v10 =	vld [tilespmem:s23+$0xFFFFFFA0]  }
0x16b: {  	[tilespmem:s23+$0xFFFFFF10] =	vst v2;
	v2 =	vld [tilespmem:s23+$0xFFFFFF20]  }
0x16c: {  	v11 =	vld [tilespmem:s8+$0xFFFFFF20]  }
0x16d: {  	v5 =	vadd.f32 v5, v7;
	[tilespmem:s23+$0x90] =	vst v1;
	v1 =	vld [tilespmem:s23+$0xFFFFFF60]  }
0x16e: {  	v7 =	vld [tilespmem:s23+$0x30]  }
0x16f: {  	[tilespmem:s23+$0xF0] =	vst v5;
	v5 =	vld [tilespmem:s23+$0x70]  }
0x170: {  	v6 =	vld [tilespmem:s8+$0xA0]  }
0x171: {  	v0 =	vadd.f32 v0, v3;
	v3 =	vld [tilespmem:s8+$0xFFFFFFE0];
	v2 =	vadd.f32 v11, v2  }
0x172: {  	v1 =	vadd.f32 v8, v1;
	v8 =	vadd.f32 v9, v10;
	v9 =	vld [tilespmem:s23+$0xFFFFFFB0]  }
0x173: {  	[tilespmem:s23+$0xFFFFFF20] =	vst v2;
	v2 =	vld [tilespmem:s23+$0xA0]  }
0x174: {  	[tilespmem:s23+$0x50] =	vst v0;
	v11 =	vld [tilespmem:s23+$0x20]  }
0x175: {  	v0 =	vld [tilespmem:s8+$0x60];
	[tilespmem:s23+$0xFFFFFF60] =	vst v1  }
0x176: {  	[tilespmem:s23+$0xFFFFFFA0] =	vst v8;
	v8 =	vld [tilespmem:s23+$0xFFFFFFF0]  }
0x177: {  	v1 =	vadd.f32 v3, v61;
	v14 =	vld [tilespmem:s8+$0xFFFFFF70]  }
0x178: {  	v10 =	vld [tilespmem:s8+$0xFFFFFF30];
	v6 =	vadd.f32 v6, v2  }
0x179: {  	[tilespmem:s23+$0xFFFFFFE0] =	vst v1;
	v3 =	vadd.f32 v4, v11;
	v4 =	vld [tilespmem:s8+$0xFFFFFFB0]  }
0x17a: {  	v0 =	vadd.f32 v0, v62;
	[tilespmem:s23+$0xA0] =	vst v6;
	v6 =	vld [tilespmem:s23+$0xFFFFFF70]  }
0x17b: {  	v1 =	vld [tilespmem:s8+$0xFFFFFFF0];
	[tilespmem:s23+$0x20] =	vst v3  }
0x17c: {  	[tilespmem:s23+$0x60] =	vst v0;
	v2 =	vld [tilespmem:s8+$0x30]  }
0x17d: {  	v3 =	vld [tilespmem:s8+$0x70];
	v10 =	vadd.f32 v10, v63  }
0x17e: {  	v0 =	vld [tilespmem:s8+$0xB0]  }
0x17f: {  	s9 =	simm.s32 $0x0;
	s12 =	simm.s32 $0x8000;
	[tilespmem:s23+$0xFFFFFF30] =	vst v10;
	v10 =	vadd.f32 v14, v6;
	v6 =	vld [tilespmem:s23+$0xB0]  }
.LBB2_7:
0x180: {  	v11 =	vld [tilespmem:s12+$0xC0];
	v4 =	vadd.f32 v4, v9;
	s8 =	sadd.s32 $0x200, s8  }
0x181: {  	s9 =	sadd.s32 $0x8, s9;
	v9 =	vld [tilespmem:s8+$0xC0];
	[tilespmem:s23+$0xFFFFFF70] =	vst v10;
	v1 =	vadd.f32 v1, v8  }
0x182: {  	p0 =	slt.u32 s9, $0xC0;
	v8 =	vld [tilespmem:s8+$0xFFFFFF00];
	[tilespmem:s23+$0xFFFFFFB0] =	vst v4;
	v2 =	vadd.f32 v2, v7  }
0x183: {  	v4 =	vld [tilespmem:s12+$0xFFFFFF40];
	[tilespmem:s23+$0xFFFFFFF0] =	vst v1;
	v1 =	vadd.f32 v3, v5  }
0x184: {  	v3 =	vld [tilespmem:s8+$0xFFFFFF40];
	[tilespmem:s23+$0x30] =	vst v2;
	v0 =	vadd.f32 v0, v6  }
0x185: {  	v2 =	vld [tilespmem:s12+$0xFFFFFF80];
	[tilespmem:s23+$0x70] =	vst v1  }
0x186: {  	v1 =	vld [tilespmem:s8+$0xFFFFFF80];
	v5 =	vadd.f32 v9, v11;
	[tilespmem:s23+$0xB0] =	vst v0;
	s23 =	smov.u32 s12  }
0x187: {  	v0 =	vld [tilespmem:s12+$0xFFFFFFC0]  }
0x188: {  	[tilespmem:s12+$0xC0] =	vst v5;
	v5 =	vld [tilespmem:s12+$0xD0]  }
0x189: {  	v3 =	vadd.f32 v3, v4;
	v4 =	vld [tilespmem:s8+$0xD0]  }
0x18a: {  	v6 =	vld [tilespmem:s8+$0xFFFFFFC0]  }
0x18b: {  	[tilespmem:s12+$0xFFFFFF40] =	vst v3;
	v1 =	vadd.f32 v1, v2;
	v2 =	vld [tilespmem:s12+$0x0]  }
0x18c: {  	v3 =	vld [tilespmem:s8+$0x0]  }
0x18d: {  	[tilespmem:s12+$0xFFFFFF80] =	vst v1;
	v1 =	vld [tilespmem:s12+$0x40]  }
0x18e: {  	v7 =	vld [tilespmem:s8+$0x40];
	v4 =	vadd.f32 v4, v5  }
0x18f: {  	v0 =	vadd.f32 v6, v0;
	v5 =	vld [tilespmem:s12+$0x80]  }
0x190: {  	[tilespmem:s12+$0xD0] =	vst v4;
	v4 =	vld [tilespmem:s12+$0xE0]  }
0x191: {  	[tilespmem:s12+$0xFFFFFFC0] =	vst v0;
	v0 =	vadd.f32 v3, v2;
	v2 =	vld [tilespmem:s8+$0xE0]  }
0x192: {  	v3 =	vld [tilespmem:s8+$0x80]  }
0x193: {  	v6 =	vld [tilespmem:s12+$0xFFFFFF00];
	[tilespmem:s12+$0x0] =	vst v0;
	v0 =	vadd.f32 v7, v1  }
0x194: {  	v1 =	vld [tilespmem:s8+$0xFFFFFF50]  }
0x195: {  	v7 =	vld [tilespmem:s8+$0xFFFFFF90];
	[tilespmem:s12+$0x40] =	vst v0  }
0x196: {  	v0 =	vld [tilespmem:s8+$0xFFFFFFD0];
	v2 =	vadd.f32 v2, v4  }
0x197: {  	v4 =	vld [tilespmem:s8+$0x10];
	v3 =	vadd.f32 v3, v5  }
0x198: {  	v5 =	vadd.f32 v8, v6;
	[tilespmem:s12+$0xE0] =	vst v2;
	v2 =	vld [tilespmem:s12+$0xF0]  }
0x199: {  	[tilespmem:s12+$0x80] =	vst v3;
	v3 =	vld [tilespmem:s8+$0xF0]  }
0x19a: {  	[tilespmem:s12+$0xFFFFFF00] =	vst v5;
	v5 =	vld [tilespmem:s8+$0x50]  }
0x19b: {  	v6 =	vld [tilespmem:s8+$0xFFFFFF10]  }
0x19c: {  	v8 =	vld [tilespmem:s8+$0x90]  }
0x19d: {  	v9 =	vld [tilespmem:s12+$0xFFFFFF10]  }
0x19e: {  	v10 =	vld [tilespmem:s12+$0xFFFFFF50];
	v2 =	vadd.f32 v3, v2  }
0x19f: {  	v3 =	vld [tilespmem:s12+$0xFFFFFF90]  }
0x1a0: {  	v11 =	vld [tilespmem:s12+$0xFFFFFFD0];
	[tilespmem:s12+$0xF0] =	vst v2  }
0x1a1: {  	v2 =	vld [tilespmem:s12+$0x10]  }
0x1a2: {  	v6 =	vadd.f32 v6, v9;
	v9 =	vld [tilespmem:s12+$0x50]  }
0x1a3: {  	v1 =	vadd.f32 v1, v10;
	v10 =	vld [tilespmem:s12+$0x90]  }
0x1a4: {  	[tilespmem:s12+$0xFFFFFF10] =	vst v6;
	v6 =	vld [tilespmem:s12+$0xFFFFFF20];
	v3 =	vadd.f32 v7, v3  }
0x1a5: {  	v7 =	vld [tilespmem:s8+$0xFFFFFF20];
	[tilespmem:s12+$0xFFFFFF50] =	vst v1;
	v0 =	vadd.f32 v0, v11  }
0x1a6: {  	v1 =	vld [tilespmem:s8+$0xFFFFFF60];
	[tilespmem:s12+$0xFFFFFF90] =	vst v3;
	v2 =	vadd.f32 v4, v2  }
0x1a7: {  	v3 =	vld [tilespmem:s8+$0xFFFFFFA0];
	[tilespmem:s12+$0xFFFFFFD0] =	vst v0;
	v0 =	vadd.f32 v5, v9  }
0x1a8: {  	v4 =	vld [tilespmem:s8+$0xFFFFFFE0];
	[tilespmem:s12+$0x10] =	vst v2;
	v2 =	vadd.f32 v8, v10  }
0x1a9: {  	v5 =	vld [tilespmem:s8+$0x20];
	[tilespmem:s12+$0x50] =	vst v0  }
0x1aa: {  	v0 =	vadd.f32 v7, v6;
	v6 =	vld [tilespmem:s8+$0x60];
	[tilespmem:s12+$0x90] =	vst v2  }
0x1ab: {  	v2 =	vld [tilespmem:s8+$0xA0]  }
0x1ac: {  	[tilespmem:s12+$0xFFFFFF20] =	vst v0;
	v0 =	vld [tilespmem:s12+$0xFFFFFF60]  }
0x1ad: {  	v7 =	vld [tilespmem:s12+$0xFFFFFFA0]  }
0x1ae: {  	v8 =	vld [tilespmem:s12+$0xFFFFFFE0]  }
0x1af: {  	v9 =	vld [tilespmem:s12+$0x20]  }
0x1b0: {  	v10 =	vld [tilespmem:s12+$0x60]  }
0x1b1: {  	v0 =	vadd.f32 v1, v0;
	v11 =	vld [tilespmem:s12+$0xA0]  }
0x1b2: {  	v12 =	vld [tilespmem:s8+$0xFFFFFF30];
	v1 =	vadd.f32 v3, v7  }
0x1b3: {  	v3 =	vld [tilespmem:s12+$0xFFFFFF30];
	[tilespmem:s12+$0xFFFFFF60] =	vst v0;
	v0 =	vadd.f32 v4, v8  }
0x1b4: {  	v13 =	vld [tilespmem:s8+$0xFFFFFF70];
	[tilespmem:s12+$0xFFFFFFA0] =	vst v1;
	v5 =	vadd.f32 v5, v9  }
0x1b5: {  	v4 =	vld [tilespmem:s8+$0xFFFFFFB0];
	[tilespmem:s12+$0xFFFFFFE0] =	vst v0;
	v0 =	vadd.f32 v6, v10  }
0x1b6: {  	v1 =	vld [tilespmem:s8+$0xFFFFFFF0];
	[tilespmem:s12+$0x20] =	vst v5;
	v5 =	vadd.f32 v2, v11  }
0x1b7: {  	v2 =	vld [tilespmem:s8+$0x30];
	[tilespmem:s12+$0x60] =	vst v0  }
0x1b8: {  	v6 =	vadd.f32 v12, v3;
	v3 =	vld [tilespmem:s8+$0x70];
	[tilespmem:s12+$0xA0] =	vst v5  }
0x1b9: {  	v0 =	vld [tilespmem:s8+$0xB0]  }
0x1ba: {  	[tilespmem:s12+$0xFFFFFF30] =	vst v6;
	v6 =	vld [tilespmem:s12+$0xFFFFFF70]  }
.Ltmp2:
0x1bb: {  	v9 =	vld [tilespmem:s12+$0xFFFFFFB0];
	(pc) =	sbr.rel @p0 .LBB2_7-.Ltmp2, $4  }
0x1bc: {  	v8 =	vld [tilespmem:s12+$0xFFFFFFF0]  }
0x1bd: {  	v7 =	vld [tilespmem:s12+$0x30]  }
0x1be: {  	v5 =	vld [tilespmem:s12+$0x70]  }
0x1bf: {  	s12 =	sadd.s32 $0x200, s12;
	v10 =	vadd.f32 v13, v6;
	v6 =	vld [tilespmem:s23+$0xB0]  }
0x1c0: {  	v4 =	vadd.f32 v4, v9  }
0x1c1: {  	[tilespmem:s23+$0xFFFFFF70] =	vst v10;
	v1 =	vadd.f32 v1, v8  }
0x1c2: {  	[tilespmem:s23+$0xFFFFFFB0] =	vst v4;
	v2 =	vadd.f32 v2, v7  }
0x1c3: {  	s8 =	sadd.s32 s6, s10;
	[tilespmem:s23+$0xFFFFFFF0] =	vst v1;
	v1 =	vadd.f32 v3, v5  }
0x1c4: {  	s8 =	sshll.u32 s8, $0x3;
	[tilespmem:s23+$0x30] =	vst v2;
	v0 =	vadd.f32 v0, v6  }
0x1c5: {  	s8 =	sand.u32 $0x1FFFFF80, s8;
	[tilespmem:s23+$0x70] =	vst v1  }
0x1c6: {  	s8 =	sadd.s32 s2, s8;
	[tilespmem:s23+$0xB0] =	vst v0  }
0x1c7: {  	[hbm4b:s8+s3] =	stream.linear.scatter [tilespmem:s21], [sflag:$0x7], $0x3200, $0x38;
	[tilespmem:$0x11300] =	vst v63  }
0x1c8: {  	_ =	swait.ge [sflag:s29], $0x3200  }
0x1c9: {  	[sflag:s29] =	ssyncset.done $0x0  }
0x1ca: {  	s23 =	sadd.s32 $0x3E8, s6;
	[sflag:s29] =	ssyncadd.s32 $0xFFFFCE00  }
0x1cb: {  	[tilespmem:s19], [sflag:$0x2] =	stream.indirect.gather [hbm4b:s5+s17], $0x40, s23, s17, $0xb8;
	[tilespmem:$0x11300] =	vst v63  }
0x1cc: {  	_ =	swait.ge [sflag:s30], $0x3200  }
0x1cd: {  	[sflag:s30] =	ssyncset.done $0x0  }
0x1ce: {  	s8 =	simm.s32 $0xB000;
	[sflag:s30] =	ssyncadd.s32 $0xFFFFCE00  }
0x1cf: {  	s9 =	simm.s32 $0xE200;
	v0 =	vld [tilespmem:s8+$0xC0]  }
0x1d0: {  	v1 =	vld [tilespmem:s9+$0xC0]  }
0x1d1: {  	v2 =	vld [tilespmem:s9+$0xFFFFFF00]  }
0x1d2: {  	v3 =	vld [tilespmem:s8+$0xFFFFFF40]  }
0x1d3: {  	v4 =	vld [tilespmem:s8+$0xFFFFFF80]  }
0x1d4: {  	v6 =	vld [tilespmem:s9+$0xFFFFFF80]  }
0x1d5: {  	v7 =	vld [tilespmem:s8+$0xFFFFFFC0]  }
0x1d6: {  	v8 =	vld [tilespmem:s9+$0xFFFFFFC0]  }
0x1d7: {  	v9 =	vld [tilespmem:s8+$0x0]  }
0x1d8: {  	v10 =	vld [tilespmem:s9+$0x0]  }
0x1d9: {  	v11 =	vld [tilespmem:s9+$0x40]  }
0x1da: {  	v60 =	vld [tilespmem:s8+$0xFFFFFFD0]  }
0x1db: {  	v13 =	vld [tilespmem:s8+$0x10]  }
0x1dc: {  	v61 =	vld [tilespmem:s8+$0xFFFFFFE0]  }
0x1dd: {  	v62 =	vld [tilespmem:s8+$0x60];
	v0 =	vadd.f32 v1, v0  }
0x1de: {  	v1 =	vld [tilespmem:s9+$0xFFFFFF40]  }
0x1df: {  	[tilespmem:s8+$0xC0] =	vst v0;
	v0 =	vld [tilespmem:s8+$0xD0]  }
0x1e0: {  	v5 =	vld [tilespmem:s9+$0xD0]  }
0x1e1: {  	v63 =	vld [tilespmem:s8+$0xFFFFFF30];
	v4 =	vadd.f32 v6, v4  }
0x1e2: {  	v6 =	vld [tilespmem:s9+$0x80]  }
0x1e3: {  	[tilespmem:s8+$0xFFFFFF80] =	vst v4;
	v4 =	vadd.f32 v10, v9;
	v10 =	vld [tilespmem:s8+$0xFFFFFF50];
	v1 =	vadd.f32 v1, v3  }
0x1e4: {  	v3 =	vld [tilespmem:s8+$0x80]  }
0x1e5: {  	[tilespmem:s8+$0xFFFFFF40] =	vst v1;
	v0 =	vadd.f32 v5, v0;
	v5 =	vld [tilespmem:s8+$0x40]  }
0x1e6: {  	v1 =	vadd.f32 v8, v7;
	v8 =	vld [tilespmem:s9+$0xFFFFFF50]  }
0x1e7: {  	[tilespmem:s8+$0xD0] =	vst v0;
	v0 =	vld [tilespmem:s8+$0xE0]  }
0x1e8: {  	[tilespmem:s8+$0x0] =	vst v4;
	v12 =	vld [tilespmem:s9+$0xE0]  }
0x1e9: {  	v9 =	vld [tilespmem:s9+$0x10]  }
0x1ea: {  	v7 =	vld [tilespmem:s8+$0xFFFFFF00]  }
0x1eb: {  	[tilespmem:s8+$0xFFFFFFC0] =	vst v1;
	v1 =	vld [tilespmem:s9+$0xFFFFFF90]  }
0x1ec: {  	v4 =	vld [tilespmem:s9+$0xFFFFFFD0];
	v8 =	vadd.f32 v8, v10  }
0x1ed: {  	v5 =	vadd.f32 v11, v5;
	v11 =	vld [tilespmem:s8+$0xFFFFFF90];
	v0 =	vadd.f32 v12, v0  }
0x1ee: {  	v10 =	vld [tilespmem:s8+$0x90];
	[tilespmem:s8+$0xFFFFFF50] =	vst v8  }
0x1ef: {  	v8 =	vld [tilespmem:s9+$0xFFFFFF60];
	[tilespmem:s8+$0xE0] =	vst v0;
	v0 =	vadd.f32 v2, v7  }
0x1f0: {  	[tilespmem:s8+$0x40] =	vst v5;
	v7 =	vld [tilespmem:s8+$0xF0];
	v2 =	vadd.f32 v6, v3  }
0x1f1: {  	v5 =	vld [tilespmem:s9+$0xF0];
	[tilespmem:s8+$0xFFFFFF00] =	vst v0  }
0x1f2: {  	v1 =	vadd.f32 v1, v11;
	[tilespmem:s8+$0x80] =	vst v2;
	v2 =	vld [tilespmem:s8+$0xFFFFFF10]  }
0x1f3: {  	v3 =	vld [tilespmem:s9+$0xFFFFFF10]  }
0x1f4: {  	[tilespmem:s8+$0xFFFFFF90] =	vst v1;
	v1 =	vadd.f32 v9, v13;
	v6 =	vld [tilespmem:s9+$0x90]  }
0x1f5: {  	v4 =	vadd.f32 v4, v60;
	v0 =	vld [tilespmem:s9+$0x50]  }
0x1f6: {  	v9 =	vld [tilespmem:s9+$0xFFFFFFA0];
	[tilespmem:s8+$0x10] =	vst v1  }
0x1f7: {  	[tilespmem:s8+$0xFFFFFFD0] =	vst v4;
	v4 =	vld [tilespmem:s9+$0x20]  }
0x1f8: {  	v2 =	vadd.f32 v3, v2;
	v3 =	vld [tilespmem:s8+$0x50]  }
0x1f9: {  	v1 =	vadd.f32 v6, v10;
	v10 =	vld [tilespmem:s8+$0xFFFFFFA0]  }
0x1fa: {  	[tilespmem:s8+$0xFFFFFF10] =	vst v2;
	v2 =	vld [tilespmem:s8+$0xFFFFFF20]  }
0x1fb: {  	v11 =	vld [tilespmem:s9+$0xFFFFFF20]  }
0x1fc: {  	v5 =	vadd.f32 v5, v7;
	[tilespmem:s8+$0x90] =	vst v1;
	v1 =	vld [tilespmem:s8+$0xFFFFFF60]  }
0x1fd: {  	v7 =	vld [tilespmem:s8+$0x30]  }
0x1fe: {  	[tilespmem:s8+$0xF0] =	vst v5;
	v5 =	vld [tilespmem:s8+$0x70]  }
0x1ff: {  	v6 =	vld [tilespmem:s9+$0xA0]  }
0x200: {  	v0 =	vadd.f32 v0, v3;
	v3 =	vld [tilespmem:s9+$0xFFFFFFE0];
	v2 =	vadd.f32 v11, v2  }
0x201: {  	v1 =	vadd.f32 v8, v1;
	v8 =	vadd.f32 v9, v10;
	v9 =	vld [tilespmem:s8+$0xFFFFFFB0]  }
0x202: {  	[tilespmem:s8+$0xFFFFFF20] =	vst v2;
	v2 =	vld [tilespmem:s8+$0xA0]  }
0x203: {  	[tilespmem:s8+$0x50] =	vst v0;
	v11 =	vld [tilespmem:s8+$0x20]  }
0x204: {  	v0 =	vld [tilespmem:s9+$0x60];
	[tilespmem:s8+$0xFFFFFF60] =	vst v1  }
0x205: {  	[tilespmem:s8+$0xFFFFFFA0] =	vst v8;
	v8 =	vld [tilespmem:s8+$0xFFFFFFF0]  }
0x206: {  	v1 =	vadd.f32 v3, v61;
	v14 =	vld [tilespmem:s9+$0xFFFFFF70]  }
0x207: {  	v10 =	vld [tilespmem:s9+$0xFFFFFF30];
	v6 =	vadd.f32 v6, v2  }
0x208: {  	[tilespmem:s8+$0xFFFFFFE0] =	vst v1;
	v3 =	vadd.f32 v4, v11;
	v4 =	vld [tilespmem:s9+$0xFFFFFFB0]  }
0x209: {  	v0 =	vadd.f32 v0, v62;
	[tilespmem:s8+$0xA0] =	vst v6;
	v6 =	vld [tilespmem:s8+$0xFFFFFF70]  }
0x20a: {  	v1 =	vld [tilespmem:s9+$0xFFFFFFF0];
	[tilespmem:s8+$0x20] =	vst v3  }
0x20b: {  	[tilespmem:s8+$0x60] =	vst v0;
	v2 =	vld [tilespmem:s9+$0x30]  }
0x20c: {  	v3 =	vld [tilespmem:s9+$0x70];
	v10 =	vadd.f32 v10, v63  }
0x20d: {  	v0 =	vld [tilespmem:s9+$0xB0]  }
0x20e: {  	s12 =	simm.s32 $0x0;
	s13 =	simm.s32 $0xB200;
	[tilespmem:s8+$0xFFFFFF30] =	vst v10;
	v10 =	vadd.f32 v14, v6;
	v6 =	vld [tilespmem:s8+$0xB0]  }
.LBB2_9:
0x20f: {  	v11 =	vld [tilespmem:s13+$0xC0];
	v4 =	vadd.f32 v4, v9;
	s9 =	sadd.s32 $0x200, s9  }
0x210: {  	s12 =	sadd.s32 $0x8, s12;
	v9 =	vld [tilespmem:s9+$0xC0];
	[tilespmem:s8+$0xFFFFFF70] =	vst v10;
	v1 =	vadd.f32 v1, v8  }
0x211: {  	p0 =	slt.u32 s12, $0xC0;
	v8 =	vld [tilespmem:s9+$0xFFFFFF00];
	[tilespmem:s8+$0xFFFFFFB0] =	vst v4;
	v2 =	vadd.f32 v2, v7  }
0x212: {  	v4 =	vld [tilespmem:s13+$0xFFFFFF40];
	[tilespmem:s8+$0xFFFFFFF0] =	vst v1;
	v1 =	vadd.f32 v3, v5  }
0x213: {  	v3 =	vld [tilespmem:s9+$0xFFFFFF40];
	[tilespmem:s8+$0x30] =	vst v2;
	v0 =	vadd.f32 v0, v6  }
0x214: {  	v2 =	vld [tilespmem:s13+$0xFFFFFF80];
	[tilespmem:s8+$0x70] =	vst v1  }
0x215: {  	v1 =	vld [tilespmem:s9+$0xFFFFFF80];
	v5 =	vadd.f32 v9, v11;
	[tilespmem:s8+$0xB0] =	vst v0;
	s8 =	smov.u32 s13  }
0x216: {  	v0 =	vld [tilespmem:s13+$0xFFFFFFC0]  }
0x217: {  	[tilespmem:s13+$0xC0] =	vst v5;
	v5 =	vld [tilespmem:s13+$0xD0]  }
0x218: {  	v3 =	vadd.f32 v3, v4;
	v4 =	vld [tilespmem:s9+$0xD0]  }
0x219: {  	v6 =	vld [tilespmem:s9+$0xFFFFFFC0]  }
0x21a: {  	[tilespmem:s13+$0xFFFFFF40] =	vst v3;
	v1 =	vadd.f32 v1, v2;
	v2 =	vld [tilespmem:s13+$0x0]  }
0x21b: {  	v3 =	vld [tilespmem:s9+$0x0]  }
0x21c: {  	[tilespmem:s13+$0xFFFFFF80] =	vst v1;
	v1 =	vld [tilespmem:s13+$0x40]  }
0x21d: {  	v7 =	vld [tilespmem:s9+$0x40];
	v4 =	vadd.f32 v4, v5  }
0x21e: {  	v0 =	vadd.f32 v6, v0;
	v5 =	vld [tilespmem:s13+$0x80]  }
0x21f: {  	[tilespmem:s13+$0xD0] =	vst v4;
	v4 =	vld [tilespmem:s13+$0xE0]  }
0x220: {  	[tilespmem:s13+$0xFFFFFFC0] =	vst v0;
	v0 =	vadd.f32 v3, v2;
	v2 =	vld [tilespmem:s9+$0xE0]  }
0x221: {  	v3 =	vld [tilespmem:s9+$0x80]  }
0x222: {  	v6 =	vld [tilespmem:s13+$0xFFFFFF00];
	[tilespmem:s13+$0x0] =	vst v0;
	v0 =	vadd.f32 v7, v1  }
0x223: {  	v1 =	vld [tilespmem:s9+$0xFFFFFF50]  }
0x224: {  	v7 =	vld [tilespmem:s9+$0xFFFFFF90];
	[tilespmem:s13+$0x40] =	vst v0  }
0x225: {  	v0 =	vld [tilespmem:s9+$0xFFFFFFD0];
	v2 =	vadd.f32 v2, v4  }
0x226: {  	v4 =	vld [tilespmem:s9+$0x10];
	v3 =	vadd.f32 v3, v5  }
0x227: {  	v5 =	vadd.f32 v8, v6;
	[tilespmem:s13+$0xE0] =	vst v2;
	v2 =	vld [tilespmem:s13+$0xF0]  }
0x228: {  	[tilespmem:s13+$0x80] =	vst v3;
	v3 =	vld [tilespmem:s9+$0xF0]  }
0x229: {  	[tilespmem:s13+$0xFFFFFF00] =	vst v5;
	v5 =	vld [tilespmem:s9+$0x50]  }
0x22a: {  	v6 =	vld [tilespmem:s9+$0xFFFFFF10]  }
0x22b: {  	v8 =	vld [tilespmem:s9+$0x90]  }
0x22c: {  	v9 =	vld [tilespmem:s13+$0xFFFFFF10]  }
0x22d: {  	v10 =	vld [tilespmem:s13+$0xFFFFFF50];
	v2 =	vadd.f32 v3, v2  }
0x22e: {  	v3 =	vld [tilespmem:s13+$0xFFFFFF90]  }
0x22f: {  	v11 =	vld [tilespmem:s13+$0xFFFFFFD0];
	[tilespmem:s13+$0xF0] =	vst v2  }
0x230: {  	v2 =	vld [tilespmem:s13+$0x10]  }
0x231: {  	v6 =	vadd.f32 v6, v9;
	v9 =	vld [tilespmem:s13+$0x50]  }
0x232: {  	v1 =	vadd.f32 v1, v10;
	v10 =	vld [tilespmem:s13+$0x90]  }
0x233: {  	[tilespmem:s13+$0xFFFFFF10] =	vst v6;
	v6 =	vld [tilespmem:s13+$0xFFFFFF20];
	v3 =	vadd.f32 v7, v3  }
0x234: {  	v7 =	vld [tilespmem:s9+$0xFFFFFF20];
	[tilespmem:s13+$0xFFFFFF50] =	vst v1;
	v0 =	vadd.f32 v0, v11  }
0x235: {  	v1 =	vld [tilespmem:s9+$0xFFFFFF60];
	[tilespmem:s13+$0xFFFFFF90] =	vst v3;
	v2 =	vadd.f32 v4, v2  }
0x236: {  	v3 =	vld [tilespmem:s9+$0xFFFFFFA0];
	[tilespmem:s13+$0xFFFFFFD0] =	vst v0;
	v0 =	vadd.f32 v5, v9  }
0x237: {  	v4 =	vld [tilespmem:s9+$0xFFFFFFE0];
	[tilespmem:s13+$0x10] =	vst v2;
	v2 =	vadd.f32 v8, v10  }
0x238: {  	v5 =	vld [tilespmem:s9+$0x20];
	[tilespmem:s13+$0x50] =	vst v0  }
0x239: {  	v0 =	vadd.f32 v7, v6;
	v6 =	vld [tilespmem:s9+$0x60];
	[tilespmem:s13+$0x90] =	vst v2  }
0x23a: {  	v2 =	vld [tilespmem:s9+$0xA0]  }
0x23b: {  	[tilespmem:s13+$0xFFFFFF20] =	vst v0;
	v0 =	vld [tilespmem:s13+$0xFFFFFF60]  }
0x23c: {  	v7 =	vld [tilespmem:s13+$0xFFFFFFA0]  }
0x23d: {  	v8 =	vld [tilespmem:s13+$0xFFFFFFE0]  }
0x23e: {  	v9 =	vld [tilespmem:s13+$0x20]  }
0x23f: {  	v10 =	vld [tilespmem:s13+$0x60]  }
0x240: {  	v0 =	vadd.f32 v1, v0;
	v11 =	vld [tilespmem:s13+$0xA0]  }
0x241: {  	v12 =	vld [tilespmem:s9+$0xFFFFFF30];
	v1 =	vadd.f32 v3, v7  }
0x242: {  	v3 =	vld [tilespmem:s13+$0xFFFFFF30];
	[tilespmem:s13+$0xFFFFFF60] =	vst v0;
	v0 =	vadd.f32 v4, v8  }
0x243: {  	v13 =	vld [tilespmem:s9+$0xFFFFFF70];
	[tilespmem:s13+$0xFFFFFFA0] =	vst v1;
	v5 =	vadd.f32 v5, v9  }
0x244: {  	v4 =	vld [tilespmem:s9+$0xFFFFFFB0];
	[tilespmem:s13+$0xFFFFFFE0] =	vst v0;
	v0 =	vadd.f32 v6, v10  }
0x245: {  	v1 =	vld [tilespmem:s9+$0xFFFFFFF0];
	[tilespmem:s13+$0x20] =	vst v5;
	v5 =	vadd.f32 v2, v11  }
0x246: {  	v2 =	vld [tilespmem:s9+$0x30];
	[tilespmem:s13+$0x60] =	vst v0  }
0x247: {  	v6 =	vadd.f32 v12, v3;
	v3 =	vld [tilespmem:s9+$0x70];
	[tilespmem:s13+$0xA0] =	vst v5  }
0x248: {  	v0 =	vld [tilespmem:s9+$0xB0]  }
0x249: {  	[tilespmem:s13+$0xFFFFFF30] =	vst v6;
	v6 =	vld [tilespmem:s13+$0xFFFFFF70]  }
.Ltmp3:
0x24a: {  	v9 =	vld [tilespmem:s13+$0xFFFFFFB0];
	(pc) =	sbr.rel @p0 .LBB2_9-.Ltmp3, $4  }
0x24b: {  	v8 =	vld [tilespmem:s13+$0xFFFFFFF0]  }
0x24c: {  	v7 =	vld [tilespmem:s13+$0x30]  }
0x24d: {  	v5 =	vld [tilespmem:s13+$0x70]  }
0x24e: {  	s13 =	sadd.s32 $0x200, s13;
	v10 =	vadd.f32 v13, v6;
	v6 =	vld [tilespmem:s8+$0xB0]  }
0x24f: {  	v4 =	vadd.f32 v4, v9  }
0x250: {  	[tilespmem:s8+$0xFFFFFF70] =	vst v10;
	v1 =	vadd.f32 v1, v8  }
0x251: {  	[tilespmem:s8+$0xFFFFFFB0] =	vst v4;
	v2 =	vadd.f32 v2, v7  }
0x252: {  	s6 =	sadd.s32 s6, s11;
	[tilespmem:s8+$0xFFFFFFF0] =	vst v1;
	v1 =	vadd.f32 v3, v5  }
0x253: {  	s6 =	sshll.u32 s6, $0x3;
	[tilespmem:s8+$0x30] =	vst v2;
	v0 =	vadd.f32 v0, v6  }
0x254: {  	s6 =	sand.u32 $0x1FFFFFC0, s6;
	[tilespmem:s8+$0x70] =	vst v1  }
0x255: {  	s12 =	smul.u32 $0xC80, s16;
	s6 =	sadd.s32 s2, s6;
	[tilespmem:s8+$0xB0] =	vst v0  }
0x256: {  	[hbm4b:s6+s3] =	stream.linear.scatter [tilespmem:s24], [sflag:$0x8], $0x3200, $0x38;
	[tilespmem:$0x11300] =	vst v63  }
0x257: {  	_ =	swait.ge [sflag:s31], $0x3200  }
0x258: {  	s6 =	sshra.s32 s12, $0x2;
	[sflag:s31] =	ssyncset.done $0x0  }
0x259: {  	s13 =	sadd.s32 $0x4B0, s6;
	[sflag:s31] =	ssyncadd.s32 $0xFFFFCE00  }
0x25a: {  	[tilespmem:s21], [sflag:$0x3] =	stream.indirect.gather [hbm4b:s5+s17], $0x40, s13, s17, $0xb8;
	[tilespmem:$0x11300] =	vst v63  }
0x25b: {  	_ =	swait.ge [sflag:s22], $0x3200  }
0x25c: {  	[sflag:s22] =	ssyncset.done $0x0  }
0x25d: {  	s8 =	simm.s32 $0x1A00;
	[sflag:s22] =	ssyncadd.s32 $0xFFFFCE00  }
0x25e: {  	s9 =	simm.s32 $0xE200;
	v0 =	vld [tilespmem:s8+$0xC0]  }
0x25f: {  	v1 =	vld [tilespmem:s9+$0xC0]  }
0x260: {  	v2 =	vld [tilespmem:s9+$0xFFFFFF00]  }
0x261: {  	v3 =	vld [tilespmem:s8+$0xFFFFFF40]  }
0x262: {  	v4 =	vld [tilespmem:s8+$0xFFFFFF80]  }
0x263: {  	v6 =	vld [tilespmem:s9+$0xFFFFFF80]  }
0x264: {  	v7 =	vld [tilespmem:s8+$0xFFFFFFC0]  }
0x265: {  	v8 =	vld [tilespmem:s9+$0xFFFFFFC0]  }
0x266: {  	v9 =	vld [tilespmem:s8+$0x0]  }
0x267: {  	v10 =	vld [tilespmem:s9+$0x0]  }
0x268: {  	v11 =	vld [tilespmem:s9+$0x40]  }
0x269: {  	v60 =	vld [tilespmem:s8+$0xFFFFFFD0]  }
0x26a: {  	v13 =	vld [tilespmem:s8+$0x10]  }
0x26b: {  	v61 =	vld [tilespmem:s8+$0xFFFFFFE0]  }
0x26c: {  	v62 =	vld [tilespmem:s8+$0x60];
	v0 =	vadd.f32 v1, v0  }
0x26d: {  	v1 =	vld [tilespmem:s9+$0xFFFFFF40]  }
0x26e: {  	[tilespmem:s8+$0xC0] =	vst v0;
	v0 =	vld [tilespmem:s8+$0xD0]  }
0x26f: {  	v5 =	vld [tilespmem:s9+$0xD0]  }
0x270: {  	v63 =	vld [tilespmem:s8+$0xFFFFFF30];
	v4 =	vadd.f32 v6, v4  }
0x271: {  	v6 =	vld [tilespmem:s9+$0x80]  }
0x272: {  	[tilespmem:s8+$0xFFFFFF80] =	vst v4;
	v4 =	vadd.f32 v10, v9;
	v10 =	vld [tilespmem:s8+$0xFFFFFF50];
	v1 =	vadd.f32 v1, v3  }
0x273: {  	v3 =	vld [tilespmem:s8+$0x80]  }
0x274: {  	[tilespmem:s8+$0xFFFFFF40] =	vst v1;
	v0 =	vadd.f32 v5, v0;
	v5 =	vld [tilespmem:s8+$0x40]  }
0x275: {  	v1 =	vadd.f32 v8, v7;
	v8 =	vld [tilespmem:s9+$0xFFFFFF50]  }
0x276: {  	[tilespmem:s8+$0xD0] =	vst v0;
	v0 =	vld [tilespmem:s8+$0xE0]  }
0x277: {  	[tilespmem:s8+$0x0] =	vst v4;
	v12 =	vld [tilespmem:s9+$0xE0]  }
0x278: {  	v9 =	vld [tilespmem:s9+$0x10]  }
0x279: {  	v7 =	vld [tilespmem:s8+$0xFFFFFF00]  }
0x27a: {  	[tilespmem:s8+$0xFFFFFFC0] =	vst v1;
	v1 =	vld [tilespmem:s9+$0xFFFFFF90]  }
0x27b: {  	v4 =	vld [tilespmem:s9+$0xFFFFFFD0];
	v8 =	vadd.f32 v8, v10  }
0x27c: {  	v5 =	vadd.f32 v11, v5;
	v11 =	vld [tilespmem:s8+$0xFFFFFF90];
	v0 =	vadd.f32 v12, v0  }
0x27d: {  	v10 =	vld [tilespmem:s8+$0x90];
	[tilespmem:s8+$0xFFFFFF50] =	vst v8  }
0x27e: {  	v8 =	vld [tilespmem:s9+$0xFFFFFF60];
	[tilespmem:s8+$0xE0] =	vst v0;
	v0 =	vadd.f32 v2, v7  }
0x27f: {  	[tilespmem:s8+$0x40] =	vst v5;
	v7 =	vld [tilespmem:s8+$0xF0];
	v2 =	vadd.f32 v6, v3  }
0x280: {  	v5 =	vld [tilespmem:s9+$0xF0];
	[tilespmem:s8+$0xFFFFFF00] =	vst v0  }
0x281: {  	v1 =	vadd.f32 v1, v11;
	[tilespmem:s8+$0x80] =	vst v2;
	v2 =	vld [tilespmem:s8+$0xFFFFFF10]  }
0x282: {  	v3 =	vld [tilespmem:s9+$0xFFFFFF10]  }
0x283: {  	[tilespmem:s8+$0xFFFFFF90] =	vst v1;
	v1 =	vadd.f32 v9, v13;
	v6 =	vld [tilespmem:s9+$0x90]  }
0x284: {  	v4 =	vadd.f32 v4, v60;
	v0 =	vld [tilespmem:s9+$0x50]  }
0x285: {  	v9 =	vld [tilespmem:s9+$0xFFFFFFA0];
	[tilespmem:s8+$0x10] =	vst v1  }
0x286: {  	[tilespmem:s8+$0xFFFFFFD0] =	vst v4;
	v4 =	vld [tilespmem:s9+$0x20]  }
0x287: {  	v2 =	vadd.f32 v3, v2;
	v3 =	vld [tilespmem:s8+$0x50]  }
0x288: {  	v1 =	vadd.f32 v6, v10;
	v10 =	vld [tilespmem:s8+$0xFFFFFFA0]  }
0x289: {  	[tilespmem:s8+$0xFFFFFF10] =	vst v2;
	v2 =	vld [tilespmem:s8+$0xFFFFFF20]  }
0x28a: {  	v11 =	vld [tilespmem:s9+$0xFFFFFF20]  }
0x28b: {  	v5 =	vadd.f32 v5, v7;
	[tilespmem:s8+$0x90] =	vst v1;
	v1 =	vld [tilespmem:s8+$0xFFFFFF60]  }
0x28c: {  	v7 =	vld [tilespmem:s8+$0x30]  }
0x28d: {  	[tilespmem:s8+$0xF0] =	vst v5;
	v5 =	vld [tilespmem:s8+$0x70]  }
0x28e: {  	v6 =	vld [tilespmem:s9+$0xA0]  }
0x28f: {  	v0 =	vadd.f32 v0, v3;
	v3 =	vld [tilespmem:s9+$0xFFFFFFE0];
	v2 =	vadd.f32 v11, v2  }
0x290: {  	v1 =	vadd.f32 v8, v1;
	v8 =	vadd.f32 v9, v10;
	v9 =	vld [tilespmem:s8+$0xFFFFFFB0]  }
0x291: {  	[tilespmem:s8+$0xFFFFFF20] =	vst v2;
	v2 =	vld [tilespmem:s8+$0xA0]  }
0x292: {  	[tilespmem:s8+$0x50] =	vst v0;
	v11 =	vld [tilespmem:s8+$0x20]  }
0x293: {  	v0 =	vld [tilespmem:s9+$0x60];
	[tilespmem:s8+$0xFFFFFF60] =	vst v1  }
0x294: {  	[tilespmem:s8+$0xFFFFFFA0] =	vst v8;
	v8 =	vld [tilespmem:s8+$0xFFFFFFF0]  }
0x295: {  	v1 =	vadd.f32 v3, v61;
	v14 =	vld [tilespmem:s9+$0xFFFFFF70]  }
0x296: {  	v10 =	vld [tilespmem:s9+$0xFFFFFF30];
	v6 =	vadd.f32 v6, v2  }
0x297: {  	[tilespmem:s8+$0xFFFFFFE0] =	vst v1;
	v3 =	vadd.f32 v4, v11;
	v4 =	vld [tilespmem:s9+$0xFFFFFFB0]  }
0x298: {  	v0 =	vadd.f32 v0, v62;
	[tilespmem:s8+$0xA0] =	vst v6;
	v6 =	vld [tilespmem:s8+$0xFFFFFF70]  }
0x299: {  	v1 =	vld [tilespmem:s9+$0xFFFFFFF0];
	[tilespmem:s8+$0x20] =	vst v3  }
0x29a: {  	[tilespmem:s8+$0x60] =	vst v0;
	v2 =	vld [tilespmem:s9+$0x30]  }
0x29b: {  	v3 =	vld [tilespmem:s9+$0x70];
	v10 =	vadd.f32 v10, v63  }
0x29c: {  	v0 =	vld [tilespmem:s9+$0xB0]  }
0x29d: {  	s12 =	simm.s32 $0x0;
	s13 =	simm.s32 $0x1C00;
	[tilespmem:s8+$0xFFFFFF30] =	vst v10;
	v10 =	vadd.f32 v14, v6;
	v6 =	vld [tilespmem:s8+$0xB0]  }
.LBB2_11:
0x29e: {  	v11 =	vld [tilespmem:s13+$0xC0];
	v4 =	vadd.f32 v4, v9;
	s9 =	sadd.s32 $0x200, s9  }
0x29f: {  	s12 =	sadd.s32 $0x8, s12;
	v9 =	vld [tilespmem:s9+$0xC0];
	[tilespmem:s8+$0xFFFFFF70] =	vst v10;
	v1 =	vadd.f32 v1, v8  }
0x2a0: {  	p0 =	slt.u32 s12, $0xC0;
	v8 =	vld [tilespmem:s9+$0xFFFFFF00];
	[tilespmem:s8+$0xFFFFFFB0] =	vst v4;
	v2 =	vadd.f32 v2, v7  }
0x2a1: {  	v4 =	vld [tilespmem:s13+$0xFFFFFF40];
	[tilespmem:s8+$0xFFFFFFF0] =	vst v1;
	v1 =	vadd.f32 v3, v5  }
0x2a2: {  	v3 =	vld [tilespmem:s9+$0xFFFFFF40];
	[tilespmem:s8+$0x30] =	vst v2;
	v0 =	vadd.f32 v0, v6  }
0x2a3: {  	v2 =	vld [tilespmem:s13+$0xFFFFFF80];
	[tilespmem:s8+$0x70] =	vst v1  }
0x2a4: {  	v1 =	vld [tilespmem:s9+$0xFFFFFF80];
	v5 =	vadd.f32 v9, v11;
	[tilespmem:s8+$0xB0] =	vst v0;
	s8 =	smov.u32 s13  }
0x2a5: {  	v0 =	vld [tilespmem:s13+$0xFFFFFFC0]  }
0x2a6: {  	[tilespmem:s13+$0xC0] =	vst v5;
	v5 =	vld [tilespmem:s13+$0xD0]  }
0x2a7: {  	v3 =	vadd.f32 v3, v4;
	v4 =	vld [tilespmem:s9+$0xD0]  }
0x2a8: {  	v6 =	vld [tilespmem:s9+$0xFFFFFFC0]  }
0x2a9: {  	[tilespmem:s13+$0xFFFFFF40] =	vst v3;
	v1 =	vadd.f32 v1, v2;
	v2 =	vld [tilespmem:s13+$0x0]  }
0x2aa: {  	v3 =	vld [tilespmem:s9+$0x0]  }
0x2ab: {  	[tilespmem:s13+$0xFFFFFF80] =	vst v1;
	v1 =	vld [tilespmem:s13+$0x40]  }
0x2ac: {  	v7 =	vld [tilespmem:s9+$0x40];
	v4 =	vadd.f32 v4, v5  }
0x2ad: {  	v0 =	vadd.f32 v6, v0;
	v5 =	vld [tilespmem:s13+$0x80]  }
0x2ae: {  	[tilespmem:s13+$0xD0] =	vst v4;
	v4 =	vld [tilespmem:s13+$0xE0]  }
0x2af: {  	[tilespmem:s13+$0xFFFFFFC0] =	vst v0;
	v0 =	vadd.f32 v3, v2;
	v2 =	vld [tilespmem:s9+$0xE0]  }
0x2b0: {  	v3 =	vld [tilespmem:s9+$0x80]  }
0x2b1: {  	v6 =	vld [tilespmem:s13+$0xFFFFFF00];
	[tilespmem:s13+$0x0] =	vst v0;
	v0 =	vadd.f32 v7, v1  }
0x2b2: {  	v1 =	vld [tilespmem:s9+$0xFFFFFF50]  }
0x2b3: {  	v7 =	vld [tilespmem:s9+$0xFFFFFF90];
	[tilespmem:s13+$0x40] =	vst v0  }
0x2b4: {  	v0 =	vld [tilespmem:s9+$0xFFFFFFD0];
	v2 =	vadd.f32 v2, v4  }
0x2b5: {  	v4 =	vld [tilespmem:s9+$0x10];
	v3 =	vadd.f32 v3, v5  }
0x2b6: {  	v5 =	vadd.f32 v8, v6;
	[tilespmem:s13+$0xE0] =	vst v2;
	v2 =	vld [tilespmem:s13+$0xF0]  }
0x2b7: {  	[tilespmem:s13+$0x80] =	vst v3;
	v3 =	vld [tilespmem:s9+$0xF0]  }
0x2b8: {  	[tilespmem:s13+$0xFFFFFF00] =	vst v5;
	v5 =	vld [tilespmem:s9+$0x50]  }
0x2b9: {  	v6 =	vld [tilespmem:s9+$0xFFFFFF10]  }
0x2ba: {  	v8 =	vld [tilespmem:s9+$0x90]  }
0x2bb: {  	v9 =	vld [tilespmem:s13+$0xFFFFFF10]  }
0x2bc: {  	v10 =	vld [tilespmem:s13+$0xFFFFFF50];
	v2 =	vadd.f32 v3, v2  }
0x2bd: {  	v3 =	vld [tilespmem:s13+$0xFFFFFF90]  }
0x2be: {  	v11 =	vld [tilespmem:s13+$0xFFFFFFD0];
	[tilespmem:s13+$0xF0] =	vst v2  }
0x2bf: {  	v2 =	vld [tilespmem:s13+$0x10]  }
0x2c0: {  	v6 =	vadd.f32 v6, v9;
	v9 =	vld [tilespmem:s13+$0x50]  }
0x2c1: {  	v1 =	vadd.f32 v1, v10;
	v10 =	vld [tilespmem:s13+$0x90]  }
0x2c2: {  	[tilespmem:s13+$0xFFFFFF10] =	vst v6;
	v6 =	vld [tilespmem:s13+$0xFFFFFF20];
	v3 =	vadd.f32 v7, v3  }
0x2c3: {  	v7 =	vld [tilespmem:s9+$0xFFFFFF20];
	[tilespmem:s13+$0xFFFFFF50] =	vst v1;
	v0 =	vadd.f32 v0, v11  }
0x2c4: {  	v1 =	vld [tilespmem:s9+$0xFFFFFF60];
	[tilespmem:s13+$0xFFFFFF90] =	vst v3;
	v2 =	vadd.f32 v4, v2  }
0x2c5: {  	v3 =	vld [tilespmem:s9+$0xFFFFFFA0];
	[tilespmem:s13+$0xFFFFFFD0] =	vst v0;
	v0 =	vadd.f32 v5, v9  }
0x2c6: {  	v4 =	vld [tilespmem:s9+$0xFFFFFFE0];
	[tilespmem:s13+$0x10] =	vst v2;
	v2 =	vadd.f32 v8, v10  }
0x2c7: {  	v5 =	vld [tilespmem:s9+$0x20];
	[tilespmem:s13+$0x50] =	vst v0  }
0x2c8: {  	v0 =	vadd.f32 v7, v6;
	v6 =	vld [tilespmem:s9+$0x60];
	[tilespmem:s13+$0x90] =	vst v2  }
0x2c9: {  	v2 =	vld [tilespmem:s9+$0xA0]  }
0x2ca: {  	[tilespmem:s13+$0xFFFFFF20] =	vst v0;
	v0 =	vld [tilespmem:s13+$0xFFFFFF60]  }
0x2cb: {  	v7 =	vld [tilespmem:s13+$0xFFFFFFA0]  }
0x2cc: {  	v8 =	vld [tilespmem:s13+$0xFFFFFFE0]  }
0x2cd: {  	v9 =	vld [tilespmem:s13+$0x20]  }
0x2ce: {  	v10 =	vld [tilespmem:s13+$0x60]  }
0x2cf: {  	v0 =	vadd.f32 v1, v0;
	v11 =	vld [tilespmem:s13+$0xA0]  }
0x2d0: {  	v12 =	vld [tilespmem:s9+$0xFFFFFF30];
	v1 =	vadd.f32 v3, v7  }
0x2d1: {  	v3 =	vld [tilespmem:s13+$0xFFFFFF30];
	[tilespmem:s13+$0xFFFFFF60] =	vst v0;
	v0 =	vadd.f32 v4, v8  }
0x2d2: {  	v13 =	vld [tilespmem:s9+$0xFFFFFF70];
	[tilespmem:s13+$0xFFFFFFA0] =	vst v1;
	v5 =	vadd.f32 v5, v9  }
0x2d3: {  	v4 =	vld [tilespmem:s9+$0xFFFFFFB0];
	[tilespmem:s13+$0xFFFFFFE0] =	vst v0;
	v0 =	vadd.f32 v6, v10  }
0x2d4: {  	v1 =	vld [tilespmem:s9+$0xFFFFFFF0];
	[tilespmem:s13+$0x20] =	vst v5;
	v5 =	vadd.f32 v2, v11  }
0x2d5: {  	v2 =	vld [tilespmem:s9+$0x30];
	[tilespmem:s13+$0x60] =	vst v0  }
0x2d6: {  	v6 =	vadd.f32 v12, v3;
	v3 =	vld [tilespmem:s9+$0x70];
	[tilespmem:s13+$0xA0] =	vst v5  }
0x2d7: {  	v0 =	vld [tilespmem:s9+$0xB0]  }
0x2d8: {  	[tilespmem:s13+$0xFFFFFF30] =	vst v6;
	v6 =	vld [tilespmem:s13+$0xFFFFFF70]  }
.Ltmp4:
0x2d9: {  	v9 =	vld [tilespmem:s13+$0xFFFFFFB0];
	(pc) =	sbr.rel @p0 .LBB2_11-.Ltmp4, $4  }
0x2da: {  	v8 =	vld [tilespmem:s13+$0xFFFFFFF0]  }
0x2db: {  	v7 =	vld [tilespmem:s13+$0x30]  }
0x2dc: {  	v5 =	vld [tilespmem:s13+$0x70]  }
0x2dd: {  	s13 =	sadd.s32 $0x200, s13;
	v10 =	vadd.f32 v13, v6;
	v6 =	vld [tilespmem:s8+$0xB0]  }
0x2de: {  	v4 =	vadd.f32 v4, v9  }
0x2df: {  	[tilespmem:s8+$0xFFFFFF70] =	vst v10;
	v1 =	vadd.f32 v1, v8  }
0x2e0: {  	[tilespmem:s8+$0xFFFFFFB0] =	vst v4;
	v2 =	vadd.f32 v2, v7  }
0x2e1: {  	s9 =	sadd.s32 s4, s20;
	[tilespmem:s8+$0xFFFFFFF0] =	vst v1;
	v1 =	vadd.f32 v3, v5  }
0x2e2: {  	s9 =	sshll.u32 s9, $0x3;
	[tilespmem:s8+$0x30] =	vst v2;
	v0 =	vadd.f32 v0, v6  }
0x2e3: {  	s9 =	sand.u32 $0x1FFFFF00, s9;
	[tilespmem:s8+$0x70] =	vst v1  }
0x2e4: {  	s20 =	sadd.s32 s2, s9;
	[tilespmem:s8+$0xB0] =	vst v0  }
0x2e5: {  	[hbm4b:s20+s3] =	stream.linear.scatter [tilespmem:s18], [sflag:$0x5], $0x3200, $0x38;
	[tilespmem:$0x11300] =	vst v63  }
0x2e6: {  	_ =	swait.ge [sflag:s1], $0x3200  }
0x2e7: {  	[sflag:s1] =	ssyncset.done $0x0  }
0x2e8: {  	s6 =	sadd.s32 $0x578, s6;
	[sflag:s1] =	ssyncadd.s32 $0xFFFFCE00  }
0x2e9: {  	[tilespmem:s24], [sflag:$0x4] =	stream.indirect.gather [hbm4b:s5+s17], $0x40, s6, s17, $0xb8;
	[tilespmem:$0x11300] =	vst v63  }
0x2ea: {  	_ =	swait.ge [sflag:s25], $0x3200  }
0x2eb: {  	[sflag:s25] =	ssyncset.done $0x0  }
0x2ec: {  	s6 =	simm.s32 $0x4C00;
	[sflag:s25] =	ssyncadd.s32 $0xFFFFCE00  }
0x2ed: {  	s8 =	simm.s32 $0xE200;
	v0 =	vld [tilespmem:s6+$0xC0]  }
0x2ee: {  	v1 =	vld [tilespmem:s8+$0xC0]  }
0x2ef: {  	v2 =	vld [tilespmem:s8+$0xFFFFFF00]  }
0x2f0: {  	v3 =	vld [tilespmem:s6+$0xFFFFFF40]  }
0x2f1: {  	v4 =	vld [tilespmem:s6+$0xFFFFFF80]  }
0x2f2: {  	v6 =	vld [tilespmem:s8+$0xFFFFFF80]  }
0x2f3: {  	v7 =	vld [tilespmem:s6+$0xFFFFFFC0]  }
0x2f4: {  	v8 =	vld [tilespmem:s8+$0xFFFFFFC0]  }
0x2f5: {  	v9 =	vld [tilespmem:s6+$0x0]  }
0x2f6: {  	v10 =	vld [tilespmem:s8+$0x0]  }
0x2f7: {  	v11 =	vld [tilespmem:s8+$0x40]  }
0x2f8: {  	v60 =	vld [tilespmem:s6+$0xFFFFFFD0]  }
0x2f9: {  	v13 =	vld [tilespmem:s6+$0x10]  }
0x2fa: {  	v61 =	vld [tilespmem:s6+$0xFFFFFFE0]  }
0x2fb: {  	v62 =	vld [tilespmem:s6+$0x60];
	v0 =	vadd.f32 v1, v0  }
0x2fc: {  	v1 =	vld [tilespmem:s8+$0xFFFFFF40]  }
0x2fd: {  	[tilespmem:s6+$0xC0] =	vst v0;
	v0 =	vld [tilespmem:s6+$0xD0]  }
0x2fe: {  	v5 =	vld [tilespmem:s8+$0xD0]  }
0x2ff: {  	v63 =	vld [tilespmem:s6+$0xFFFFFF30];
	v4 =	vadd.f32 v6, v4  }
0x300: {  	v6 =	vld [tilespmem:s8+$0x80]  }
0x301: {  	[tilespmem:s6+$0xFFFFFF80] =	vst v4;
	v4 =	vadd.f32 v10, v9;
	v10 =	vld [tilespmem:s6+$0xFFFFFF50];
	v1 =	vadd.f32 v1, v3  }
0x302: {  	v3 =	vld [tilespmem:s6+$0x80]  }
0x303: {  	[tilespmem:s6+$0xFFFFFF40] =	vst v1;
	v0 =	vadd.f32 v5, v0;
	v5 =	vld [tilespmem:s6+$0x40]  }
0x304: {  	v1 =	vadd.f32 v8, v7;
	v8 =	vld [tilespmem:s8+$0xFFFFFF50]  }
0x305: {  	[tilespmem:s6+$0xD0] =	vst v0;
	v0 =	vld [tilespmem:s6+$0xE0]  }
0x306: {  	[tilespmem:s6+$0x0] =	vst v4;
	v12 =	vld [tilespmem:s8+$0xE0]  }
0x307: {  	v9 =	vld [tilespmem:s8+$0x10]  }
0x308: {  	v7 =	vld [tilespmem:s6+$0xFFFFFF00]  }
0x309: {  	[tilespmem:s6+$0xFFFFFFC0] =	vst v1;
	v1 =	vld [tilespmem:s8+$0xFFFFFF90]  }
0x30a: {  	v4 =	vld [tilespmem:s8+$0xFFFFFFD0];
	v8 =	vadd.f32 v8, v10  }
0x30b: {  	v5 =	vadd.f32 v11, v5;
	v11 =	vld [tilespmem:s6+$0xFFFFFF90];
	v0 =	vadd.f32 v12, v0  }
0x30c: {  	v10 =	vld [tilespmem:s6+$0x90];
	[tilespmem:s6+$0xFFFFFF50] =	vst v8  }
0x30d: {  	v8 =	vld [tilespmem:s8+$0xFFFFFF60];
	[tilespmem:s6+$0xE0] =	vst v0;
	v0 =	vadd.f32 v2, v7  }
0x30e: {  	[tilespmem:s6+$0x40] =	vst v5;
	v7 =	vld [tilespmem:s6+$0xF0];
	v2 =	vadd.f32 v6, v3  }
0x30f: {  	v5 =	vld [tilespmem:s8+$0xF0];
	[tilespmem:s6+$0xFFFFFF00] =	vst v0  }
0x310: {  	v1 =	vadd.f32 v1, v11;
	[tilespmem:s6+$0x80] =	vst v2;
	v2 =	vld [tilespmem:s6+$0xFFFFFF10]  }
0x311: {  	v3 =	vld [tilespmem:s8+$0xFFFFFF10]  }
0x312: {  	[tilespmem:s6+$0xFFFFFF90] =	vst v1;
	v1 =	vadd.f32 v9, v13;
	v6 =	vld [tilespmem:s8+$0x90]  }
0x313: {  	v4 =	vadd.f32 v4, v60;
	v0 =	vld [tilespmem:s8+$0x50]  }
0x314: {  	v9 =	vld [tilespmem:s8+$0xFFFFFFA0];
	[tilespmem:s6+$0x10] =	vst v1  }
0x315: {  	[tilespmem:s6+$0xFFFFFFD0] =	vst v4;
	v4 =	vld [tilespmem:s8+$0x20]  }
0x316: {  	v2 =	vadd.f32 v3, v2;
	v3 =	vld [tilespmem:s6+$0x50]  }
0x317: {  	v1 =	vadd.f32 v6, v10;
	v10 =	vld [tilespmem:s6+$0xFFFFFFA0]  }
0x318: {  	[tilespmem:s6+$0xFFFFFF10] =	vst v2;
	v2 =	vld [tilespmem:s6+$0xFFFFFF20]  }
0x319: {  	v11 =	vld [tilespmem:s8+$0xFFFFFF20]  }
0x31a: {  	v5 =	vadd.f32 v5, v7;
	[tilespmem:s6+$0x90] =	vst v1;
	v1 =	vld [tilespmem:s6+$0xFFFFFF60]  }
0x31b: {  	v7 =	vld [tilespmem:s6+$0x30]  }
0x31c: {  	[tilespmem:s6+$0xF0] =	vst v5;
	v5 =	vld [tilespmem:s6+$0x70]  }
0x31d: {  	v6 =	vld [tilespmem:s8+$0xA0]  }
0x31e: {  	v0 =	vadd.f32 v0, v3;
	v3 =	vld [tilespmem:s8+$0xFFFFFFE0];
	v2 =	vadd.f32 v11, v2  }
0x31f: {  	v1 =	vadd.f32 v8, v1;
	v8 =	vadd.f32 v9, v10;
	v9 =	vld [tilespmem:s6+$0xFFFFFFB0]  }
0x320: {  	[tilespmem:s6+$0xFFFFFF20] =	vst v2;
	v2 =	vld [tilespmem:s6+$0xA0]  }
0x321: {  	[tilespmem:s6+$0x50] =	vst v0;
	v11 =	vld [tilespmem:s6+$0x20]  }
0x322: {  	v0 =	vld [tilespmem:s8+$0x60];
	[tilespmem:s6+$0xFFFFFF60] =	vst v1  }
0x323: {  	[tilespmem:s6+$0xFFFFFFA0] =	vst v8;
	v8 =	vld [tilespmem:s6+$0xFFFFFFF0]  }
0x324: {  	v1 =	vadd.f32 v3, v61;
	v14 =	vld [tilespmem:s8+$0xFFFFFF70]  }
0x325: {  	v10 =	vld [tilespmem:s8+$0xFFFFFF30];
	v6 =	vadd.f32 v6, v2  }
0x326: {  	[tilespmem:s6+$0xFFFFFFE0] =	vst v1;
	v3 =	vadd.f32 v4, v11;
	v4 =	vld [tilespmem:s8+$0xFFFFFFB0]  }
0x327: {  	v0 =	vadd.f32 v0, v62;
	[tilespmem:s6+$0xA0] =	vst v6;
	v6 =	vld [tilespmem:s6+$0xFFFFFF70]  }
0x328: {  	v1 =	vld [tilespmem:s8+$0xFFFFFFF0];
	[tilespmem:s6+$0x20] =	vst v3  }
0x329: {  	[tilespmem:s6+$0x60] =	vst v0;
	v2 =	vld [tilespmem:s8+$0x30]  }
0x32a: {  	v3 =	vld [tilespmem:s8+$0x70];
	v10 =	vadd.f32 v10, v63  }
0x32b: {  	v0 =	vld [tilespmem:s8+$0xB0]  }
0x32c: {  	s12 =	simm.s32 $0x4E00;
	s9 =	simm.s32 $0x0;
	[tilespmem:s6+$0xFFFFFF30] =	vst v10;
	v10 =	vadd.f32 v14, v6;
	v6 =	vld [tilespmem:s6+$0xB0]  }
.LBB2_13:
0x32d: {  	v11 =	vld [tilespmem:s12+$0xC0];
	v4 =	vadd.f32 v4, v9;
	s8 =	sadd.s32 $0x200, s8  }
0x32e: {  	s9 =	sadd.s32 $0x8, s9;
	v9 =	vld [tilespmem:s8+$0xC0];
	[tilespmem:s6+$0xFFFFFF70] =	vst v10;
	v1 =	vadd.f32 v1, v8  }
0x32f: {  	p0 =	slt.u32 s9, $0xC0;
	v8 =	vld [tilespmem:s8+$0xFFFFFF00];
	[tilespmem:s6+$0xFFFFFFB0] =	vst v4;
	v2 =	vadd.f32 v2, v7  }
0x330: {  	v4 =	vld [tilespmem:s12+$0xFFFFFF40];
	[tilespmem:s6+$0xFFFFFFF0] =	vst v1;
	v1 =	vadd.f32 v3, v5  }
0x331: {  	v3 =	vld [tilespmem:s8+$0xFFFFFF40];
	[tilespmem:s6+$0x30] =	vst v2;
	v0 =	vadd.f32 v0, v6  }
0x332: {  	v2 =	vld [tilespmem:s12+$0xFFFFFF80];
	[tilespmem:s6+$0x70] =	vst v1  }
0x333: {  	v1 =	vld [tilespmem:s8+$0xFFFFFF80];
	v5 =	vadd.f32 v9, v11;
	[tilespmem:s6+$0xB0] =	vst v0;
	s6 =	smov.u32 s12  }
0x334: {  	v0 =	vld [tilespmem:s12+$0xFFFFFFC0]  }
0x335: {  	[tilespmem:s12+$0xC0] =	vst v5;
	v5 =	vld [tilespmem:s12+$0xD0]  }
0x336: {  	v3 =	vadd.f32 v3, v4;
	v4 =	vld [tilespmem:s8+$0xD0]  }
0x337: {  	v6 =	vld [tilespmem:s8+$0xFFFFFFC0]  }
0x338: {  	[tilespmem:s12+$0xFFFFFF40] =	vst v3;
	v1 =	vadd.f32 v1, v2;
	v2 =	vld [tilespmem:s12+$0x0]  }
0x339: {  	v3 =	vld [tilespmem:s8+$0x0]  }
0x33a: {  	[tilespmem:s12+$0xFFFFFF80] =	vst v1;
	v1 =	vld [tilespmem:s12+$0x40]  }
0x33b: {  	v7 =	vld [tilespmem:s8+$0x40];
	v4 =	vadd.f32 v4, v5  }
0x33c: {  	v0 =	vadd.f32 v6, v0;
	v5 =	vld [tilespmem:s12+$0x80]  }
0x33d: {  	[tilespmem:s12+$0xD0] =	vst v4;
	v4 =	vld [tilespmem:s12+$0xE0]  }
0x33e: {  	[tilespmem:s12+$0xFFFFFFC0] =	vst v0;
	v0 =	vadd.f32 v3, v2;
	v2 =	vld [tilespmem:s8+$0xE0]  }
0x33f: {  	v3 =	vld [tilespmem:s8+$0x80]  }
0x340: {  	v6 =	vld [tilespmem:s12+$0xFFFFFF00];
	[tilespmem:s12+$0x0] =	vst v0;
	v0 =	vadd.f32 v7, v1  }
0x341: {  	v1 =	vld [tilespmem:s8+$0xFFFFFF50]  }
0x342: {  	v7 =	vld [tilespmem:s8+$0xFFFFFF90];
	[tilespmem:s12+$0x40] =	vst v0  }
0x343: {  	v0 =	vld [tilespmem:s8+$0xFFFFFFD0];
	v2 =	vadd.f32 v2, v4  }
0x344: {  	v4 =	vld [tilespmem:s8+$0x10];
	v3 =	vadd.f32 v3, v5  }
0x345: {  	v5 =	vadd.f32 v8, v6;
	[tilespmem:s12+$0xE0] =	vst v2;
	v2 =	vld [tilespmem:s12+$0xF0]  }
0x346: {  	[tilespmem:s12+$0x80] =	vst v3;
	v3 =	vld [tilespmem:s8+$0xF0]  }
0x347: {  	[tilespmem:s12+$0xFFFFFF00] =	vst v5;
	v5 =	vld [tilespmem:s8+$0x50]  }
0x348: {  	v6 =	vld [tilespmem:s8+$0xFFFFFF10]  }
0x349: {  	v8 =	vld [tilespmem:s8+$0x90]  }
0x34a: {  	v9 =	vld [tilespmem:s12+$0xFFFFFF10]  }
0x34b: {  	v10 =	vld [tilespmem:s12+$0xFFFFFF50];
	v2 =	vadd.f32 v3, v2  }
0x34c: {  	v3 =	vld [tilespmem:s12+$0xFFFFFF90]  }
0x34d: {  	v11 =	vld [tilespmem:s12+$0xFFFFFFD0];
	[tilespmem:s12+$0xF0] =	vst v2  }
0x34e: {  	v2 =	vld [tilespmem:s12+$0x10]  }
0x34f: {  	v6 =	vadd.f32 v6, v9;
	v9 =	vld [tilespmem:s12+$0x50]  }
0x350: {  	v1 =	vadd.f32 v1, v10;
	v10 =	vld [tilespmem:s12+$0x90]  }
0x351: {  	[tilespmem:s12+$0xFFFFFF10] =	vst v6;
	v6 =	vld [tilespmem:s12+$0xFFFFFF20];
	v3 =	vadd.f32 v7, v3  }
0x352: {  	v7 =	vld [tilespmem:s8+$0xFFFFFF20];
	[tilespmem:s12+$0xFFFFFF50] =	vst v1;
	v0 =	vadd.f32 v0, v11  }
0x353: {  	v1 =	vld [tilespmem:s8+$0xFFFFFF60];
	[tilespmem:s12+$0xFFFFFF90] =	vst v3;
	v2 =	vadd.f32 v4, v2  }
0x354: {  	v3 =	vld [tilespmem:s8+$0xFFFFFFA0];
	[tilespmem:s12+$0xFFFFFFD0] =	vst v0;
	v0 =	vadd.f32 v5, v9  }
0x355: {  	v4 =	vld [tilespmem:s8+$0xFFFFFFE0];
	[tilespmem:s12+$0x10] =	vst v2;
	v2 =	vadd.f32 v8, v10  }
0x356: {  	v5 =	vld [tilespmem:s8+$0x20];
	[tilespmem:s12+$0x50] =	vst v0  }
0x357: {  	v0 =	vadd.f32 v7, v6;
	v6 =	vld [tilespmem:s8+$0x60];
	[tilespmem:s12+$0x90] =	vst v2  }
0x358: {  	v2 =	vld [tilespmem:s8+$0xA0]  }
0x359: {  	[tilespmem:s12+$0xFFFFFF20] =	vst v0;
	v0 =	vld [tilespmem:s12+$0xFFFFFF60]  }
0x35a: {  	v7 =	vld [tilespmem:s12+$0xFFFFFFA0]  }
0x35b: {  	v8 =	vld [tilespmem:s12+$0xFFFFFFE0]  }
0x35c: {  	v9 =	vld [tilespmem:s12+$0x20]  }
0x35d: {  	v10 =	vld [tilespmem:s12+$0x60]  }
0x35e: {  	v0 =	vadd.f32 v1, v0;
	v11 =	vld [tilespmem:s12+$0xA0]  }
0x35f: {  	v12 =	vld [tilespmem:s8+$0xFFFFFF30];
	v1 =	vadd.f32 v3, v7  }
0x360: {  	v3 =	vld [tilespmem:s12+$0xFFFFFF30];
	[tilespmem:s12+$0xFFFFFF60] =	vst v0;
	v0 =	vadd.f32 v4, v8  }
0x361: {  	v13 =	vld [tilespmem:s8+$0xFFFFFF70];
	[tilespmem:s12+$0xFFFFFFA0] =	vst v1;
	v5 =	vadd.f32 v5, v9  }
0x362: {  	v4 =	vld [tilespmem:s8+$0xFFFFFFB0];
	[tilespmem:s12+$0xFFFFFFE0] =	vst v0;
	v0 =	vadd.f32 v6, v10  }
0x363: {  	v1 =	vld [tilespmem:s8+$0xFFFFFFF0];
	[tilespmem:s12+$0x20] =	vst v5;
	v5 =	vadd.f32 v2, v11  }
0x364: {  	v2 =	vld [tilespmem:s8+$0x30];
	[tilespmem:s12+$0x60] =	vst v0  }
0x365: {  	v6 =	vadd.f32 v12, v3;
	v3 =	vld [tilespmem:s8+$0x70];
	[tilespmem:s12+$0xA0] =	vst v5  }
0x366: {  	v0 =	vld [tilespmem:s8+$0xB0]  }
0x367: {  	[tilespmem:s12+$0xFFFFFF30] =	vst v6;
	v6 =	vld [tilespmem:s12+$0xFFFFFF70]  }
.Ltmp5:
0x368: {  	v9 =	vld [tilespmem:s12+$0xFFFFFFB0];
	(pc) =	sbr.rel @p0 .LBB2_13-.Ltmp5, $4  }
0x369: {  	v8 =	vld [tilespmem:s12+$0xFFFFFFF0]  }
0x36a: {  	v7 =	vld [tilespmem:s12+$0x30]  }
0x36b: {  	v5 =	vld [tilespmem:s12+$0x70]  }
0x36c: {  	s12 =	sadd.s32 $0x200, s12;
	v10 =	vadd.f32 v13, v6;
	v6 =	vld [tilespmem:s6+$0xB0]  }
0x36d: {  	v4 =	vadd.f32 v4, v9  }
0x36e: {  	s16 =	sadd.s32 $0x1, s16;
	[tilespmem:s6+$0xFFFFFF70] =	vst v10;
	v1 =	vadd.f32 v1, v8  }
0x36f: {  	p0 =	sne.s32 s16, $0x7;
	[tilespmem:s6+$0xFFFFFFB0] =	vst v4;
	v2 =	vadd.f32 v2, v7  }
.Ltmp6:
0x370: {  	s8 =	sadd.s32 s4, s23;
	[tilespmem:s6+$0xFFFFFFF0] =	vst v1;
	v63 =	vadd.f32 v3, v5;
	(pc) =	sbr.rel @p0 .LBB2_6-.Ltmp6, $4  }
0x371: {  	s8 =	sshll.u32 s8, $0x3;
	[tilespmem:s6+$0x30] =	vst v2;
	v0 =	vadd.f32 v0, v6  }
0x372: {  	s8 =	sand.u32 $0x1FFFFF40, s8;
	[tilespmem:s6+$0x70] =	vst v63  }
0x373: {  	s23 =	sadd.s32 s2, s8;
	[tilespmem:s6+$0xB0] =	vst v0  }
0x374: {  	[hbm4b:s23+s3] =	stream.linear.scatter [tilespmem:s19], [sflag:$0x6], $0x3200, $0x38;
	[tilespmem:$0x11300] =	vst v63  }
0x375: {  	_ =	swait.ge [sflag:s26], $0x3200  }
0x376: {  	[sflag:s26] =	ssyncset.done $0x0  }
0x377: {  	[sflag:s26] =	ssyncadd.s32 $0xFFFFCE00  }
0x378: {  	_ =	swait.ge [sflag:s28], $0x3200  }
0x379: {  	[sflag:s28] =	ssyncset.done $0x0  }
0x37a: {  	s6 =	simm.s32 $0x7E00;
	[sflag:s28] =	ssyncadd.s32 $0xFFFFCE00  }
0x37b: {  	s8 =	simm.s32 $0xE200;
	v0 =	vld [tilespmem:s6+$0xC0]  }
0x37c: {  	v1 =	vld [tilespmem:s8+$0xC0]  }
0x37d: {  	v2 =	vld [tilespmem:s8+$0xFFFFFF00]  }
0x37e: {  	v3 =	vld [tilespmem:s6+$0xFFFFFF40]  }
0x37f: {  	v4 =	vld [tilespmem:s6+$0xFFFFFF80]  }
0x380: {  	v6 =	vld [tilespmem:s8+$0xFFFFFF80]  }
0x381: {  	v7 =	vld [tilespmem:s6+$0xFFFFFFC0]  }
0x382: {  	v8 =	vld [tilespmem:s8+$0xFFFFFFC0]  }
0x383: {  	v9 =	vld [tilespmem:s6+$0x0]  }
0x384: {  	v10 =	vld [tilespmem:s8+$0x0]  }
0x385: {  	v11 =	vld [tilespmem:s8+$0x40]  }
0x386: {  	v60 =	vld [tilespmem:s6+$0xFFFFFFD0]  }
0x387: {  	v13 =	vld [tilespmem:s6+$0x10]  }
0x388: {  	v61 =	vld [tilespmem:s6+$0xFFFFFFE0]  }
0x389: {  	v62 =	vld [tilespmem:s6+$0x60];
	v0 =	vadd.f32 v1, v0  }
0x38a: {  	v1 =	vld [tilespmem:s8+$0xFFFFFF40]  }
0x38b: {  	[tilespmem:s6+$0xC0] =	vst v0;
	v0 =	vld [tilespmem:s6+$0xD0]  }
0x38c: {  	v5 =	vld [tilespmem:s8+$0xD0]  }
0x38d: {  	v63 =	vld [tilespmem:s6+$0xFFFFFF30];
	v4 =	vadd.f32 v6, v4  }
0x38e: {  	v6 =	vld [tilespmem:s8+$0x80]  }
0x38f: {  	[tilespmem:s6+$0xFFFFFF80] =	vst v4;
	v4 =	vadd.f32 v10, v9;
	v10 =	vld [tilespmem:s6+$0xFFFFFF50];
	v1 =	vadd.f32 v1, v3  }
0x390: {  	v3 =	vld [tilespmem:s6+$0x80]  }
0x391: {  	[tilespmem:s6+$0xFFFFFF40] =	vst v1;
	v0 =	vadd.f32 v5, v0;
	v5 =	vld [tilespmem:s6+$0x40]  }
0x392: {  	v1 =	vadd.f32 v8, v7;
	v8 =	vld [tilespmem:s8+$0xFFFFFF50]  }
0x393: {  	[tilespmem:s6+$0xD0] =	vst v0;
	v0 =	vld [tilespmem:s6+$0xE0]  }
0x394: {  	[tilespmem:s6+$0x0] =	vst v4;
	v12 =	vld [tilespmem:s8+$0xE0]  }
0x395: {  	v9 =	vld [tilespmem:s8+$0x10]  }
0x396: {  	v7 =	vld [tilespmem:s6+$0xFFFFFF00]  }
0x397: {  	[tilespmem:s6+$0xFFFFFFC0] =	vst v1;
	v1 =	vld [tilespmem:s8+$0xFFFFFF90]  }
0x398: {  	v4 =	vld [tilespmem:s8+$0xFFFFFFD0];
	v8 =	vadd.f32 v8, v10  }
0x399: {  	v5 =	vadd.f32 v11, v5;
	v11 =	vld [tilespmem:s6+$0xFFFFFF90];
	v0 =	vadd.f32 v12, v0  }
0x39a: {  	v10 =	vld [tilespmem:s6+$0x90];
	[tilespmem:s6+$0xFFFFFF50] =	vst v8  }
0x39b: {  	v8 =	vld [tilespmem:s8+$0xFFFFFF60];
	[tilespmem:s6+$0xE0] =	vst v0;
	v0 =	vadd.f32 v2, v7  }
0x39c: {  	[tilespmem:s6+$0x40] =	vst v5;
	v7 =	vld [tilespmem:s6+$0xF0];
	v2 =	vadd.f32 v6, v3  }
0x39d: {  	v5 =	vld [tilespmem:s8+$0xF0];
	[tilespmem:s6+$0xFFFFFF00] =	vst v0  }
0x39e: {  	v1 =	vadd.f32 v1, v11;
	[tilespmem:s6+$0x80] =	vst v2;
	v2 =	vld [tilespmem:s6+$0xFFFFFF10]  }
0x39f: {  	v3 =	vld [tilespmem:s8+$0xFFFFFF10]  }
0x3a0: {  	[tilespmem:s6+$0xFFFFFF90] =	vst v1;
	v1 =	vadd.f32 v9, v13;
	v6 =	vld [tilespmem:s8+$0x90]  }
0x3a1: {  	v4 =	vadd.f32 v4, v60;
	v0 =	vld [tilespmem:s8+$0x50]  }
0x3a2: {  	v9 =	vld [tilespmem:s8+$0xFFFFFFA0];
	[tilespmem:s6+$0x10] =	vst v1  }
0x3a3: {  	[tilespmem:s6+$0xFFFFFFD0] =	vst v4;
	v4 =	vld [tilespmem:s8+$0x20]  }
0x3a4: {  	v2 =	vadd.f32 v3, v2;
	v3 =	vld [tilespmem:s6+$0x50]  }
0x3a5: {  	v1 =	vadd.f32 v6, v10;
	v10 =	vld [tilespmem:s6+$0xFFFFFFA0]  }
0x3a6: {  	[tilespmem:s6+$0xFFFFFF10] =	vst v2;
	v2 =	vld [tilespmem:s6+$0xFFFFFF20]  }
0x3a7: {  	v11 =	vld [tilespmem:s8+$0xFFFFFF20]  }
0x3a8: {  	v5 =	vadd.f32 v5, v7;
	[tilespmem:s6+$0x90] =	vst v1;
	v1 =	vld [tilespmem:s6+$0xFFFFFF60]  }
0x3a9: {  	v7 =	vld [tilespmem:s6+$0x30]  }
0x3aa: {  	[tilespmem:s6+$0xF0] =	vst v5;
	v5 =	vld [tilespmem:s6+$0x70]  }
0x3ab: {  	v6 =	vld [tilespmem:s8+$0xA0]  }
0x3ac: {  	v0 =	vadd.f32 v0, v3;
	v3 =	vld [tilespmem:s8+$0xFFFFFFE0];
	v2 =	vadd.f32 v11, v2  }
0x3ad: {  	v1 =	vadd.f32 v8, v1;
	v8 =	vadd.f32 v9, v10;
	v9 =	vld [tilespmem:s6+$0xFFFFFFB0]  }
0x3ae: {  	[tilespmem:s6+$0xFFFFFF20] =	vst v2;
	v2 =	vld [tilespmem:s6+$0xA0]  }
0x3af: {  	[tilespmem:s6+$0x50] =	vst v0;
	v11 =	vld [tilespmem:s6+$0x20]  }
0x3b0: {  	v0 =	vld [tilespmem:s8+$0x60];
	[tilespmem:s6+$0xFFFFFF60] =	vst v1  }
0x3b1: {  	[tilespmem:s6+$0xFFFFFFA0] =	vst v8;
	v8 =	vld [tilespmem:s6+$0xFFFFFFF0]  }
0x3b2: {  	v1 =	vadd.f32 v3, v61;
	v14 =	vld [tilespmem:s8+$0xFFFFFF70]  }
0x3b3: {  	v10 =	vld [tilespmem:s8+$0xFFFFFF30];
	v6 =	vadd.f32 v6, v2  }
0x3b4: {  	[tilespmem:s6+$0xFFFFFFE0] =	vst v1;
	v3 =	vadd.f32 v4, v11;
	v4 =	vld [tilespmem:s8+$0xFFFFFFB0]  }
0x3b5: {  	v0 =	vadd.f32 v0, v62;
	[tilespmem:s6+$0xA0] =	vst v6;
	v6 =	vld [tilespmem:s6+$0xFFFFFF70]  }
0x3b6: {  	v1 =	vld [tilespmem:s8+$0xFFFFFFF0];
	[tilespmem:s6+$0x20] =	vst v3  }
0x3b7: {  	[tilespmem:s6+$0x60] =	vst v0;
	v2 =	vld [tilespmem:s8+$0x30]  }
0x3b8: {  	v3 =	vld [tilespmem:s8+$0x70];
	v10 =	vadd.f32 v10, v63  }
0x3b9: {  	v0 =	vld [tilespmem:s8+$0xB0]  }
0x3ba: {  	s9 =	simm.s32 $0x0;
	s12 =	simm.s32 $0x8000;
	[tilespmem:s6+$0xFFFFFF30] =	vst v10;
	v10 =	vadd.f32 v14, v6;
	v6 =	vld [tilespmem:s6+$0xB0]  }
.LBB2_16:
0x3bb: {  	v11 =	vld [tilespmem:s12+$0xC0];
	v4 =	vadd.f32 v4, v9;
	s8 =	sadd.s32 $0x200, s8  }
0x3bc: {  	s9 =	sadd.s32 $0x8, s9;
	v9 =	vld [tilespmem:s8+$0xC0];
	[tilespmem:s6+$0xFFFFFF70] =	vst v10;
	v1 =	vadd.f32 v1, v8  }
0x3bd: {  	p0 =	slt.u32 s9, $0xC0;
	v8 =	vld [tilespmem:s8+$0xFFFFFF00];
	[tilespmem:s6+$0xFFFFFFB0] =	vst v4;
	v2 =	vadd.f32 v2, v7  }
0x3be: {  	v4 =	vld [tilespmem:s12+$0xFFFFFF40];
	[tilespmem:s6+$0xFFFFFFF0] =	vst v1;
	v1 =	vadd.f32 v3, v5  }
0x3bf: {  	v3 =	vld [tilespmem:s8+$0xFFFFFF40];
	[tilespmem:s6+$0x30] =	vst v2;
	v0 =	vadd.f32 v0, v6  }
0x3c0: {  	v2 =	vld [tilespmem:s12+$0xFFFFFF80];
	[tilespmem:s6+$0x70] =	vst v1  }
0x3c1: {  	v1 =	vld [tilespmem:s8+$0xFFFFFF80];
	v5 =	vadd.f32 v9, v11;
	[tilespmem:s6+$0xB0] =	vst v0;
	s6 =	smov.u32 s12  }
0x3c2: {  	v0 =	vld [tilespmem:s12+$0xFFFFFFC0]  }
0x3c3: {  	[tilespmem:s12+$0xC0] =	vst v5;
	v5 =	vld [tilespmem:s12+$0xD0]  }
0x3c4: {  	v3 =	vadd.f32 v3, v4;
	v4 =	vld [tilespmem:s8+$0xD0]  }
0x3c5: {  	v6 =	vld [tilespmem:s8+$0xFFFFFFC0]  }
0x3c6: {  	[tilespmem:s12+$0xFFFFFF40] =	vst v3;
	v1 =	vadd.f32 v1, v2;
	v2 =	vld [tilespmem:s12+$0x0]  }
0x3c7: {  	v3 =	vld [tilespmem:s8+$0x0]  }
0x3c8: {  	[tilespmem:s12+$0xFFFFFF80] =	vst v1;
	v1 =	vld [tilespmem:s12+$0x40]  }
0x3c9: {  	v7 =	vld [tilespmem:s8+$0x40];
	v4 =	vadd.f32 v4, v5  }
0x3ca: {  	v0 =	vadd.f32 v6, v0;
	v5 =	vld [tilespmem:s12+$0x80]  }
0x3cb: {  	[tilespmem:s12+$0xD0] =	vst v4;
	v4 =	vld [tilespmem:s12+$0xE0]  }
0x3cc: {  	[tilespmem:s12+$0xFFFFFFC0] =	vst v0;
	v0 =	vadd.f32 v3, v2;
	v2 =	vld [tilespmem:s8+$0xE0]  }
0x3cd: {  	v3 =	vld [tilespmem:s8+$0x80]  }
0x3ce: {  	v6 =	vld [tilespmem:s12+$0xFFFFFF00];
	[tilespmem:s12+$0x0] =	vst v0;
	v0 =	vadd.f32 v7, v1  }
0x3cf: {  	v1 =	vld [tilespmem:s8+$0xFFFFFF50]  }
0x3d0: {  	v7 =	vld [tilespmem:s8+$0xFFFFFF90];
	[tilespmem:s12+$0x40] =	vst v0  }
0x3d1: {  	v0 =	vld [tilespmem:s8+$0xFFFFFFD0];
	v2 =	vadd.f32 v2, v4  }
0x3d2: {  	v4 =	vld [tilespmem:s8+$0x10];
	v3 =	vadd.f32 v3, v5  }
0x3d3: {  	v5 =	vadd.f32 v8, v6;
	[tilespmem:s12+$0xE0] =	vst v2;
	v2 =	vld [tilespmem:s12+$0xF0]  }
0x3d4: {  	[tilespmem:s12+$0x80] =	vst v3;
	v3 =	vld [tilespmem:s8+$0xF0]  }
0x3d5: {  	[tilespmem:s12+$0xFFFFFF00] =	vst v5;
	v5 =	vld [tilespmem:s8+$0x50]  }
0x3d6: {  	v6 =	vld [tilespmem:s8+$0xFFFFFF10]  }
0x3d7: {  	v8 =	vld [tilespmem:s8+$0x90]  }
0x3d8: {  	v9 =	vld [tilespmem:s12+$0xFFFFFF10]  }
0x3d9: {  	v10 =	vld [tilespmem:s12+$0xFFFFFF50];
	v2 =	vadd.f32 v3, v2  }
0x3da: {  	v3 =	vld [tilespmem:s12+$0xFFFFFF90]  }
0x3db: {  	v11 =	vld [tilespmem:s12+$0xFFFFFFD0];
	[tilespmem:s12+$0xF0] =	vst v2  }
0x3dc: {  	v2 =	vld [tilespmem:s12+$0x10]  }
0x3dd: {  	v6 =	vadd.f32 v6, v9;
	v9 =	vld [tilespmem:s12+$0x50]  }
0x3de: {  	v1 =	vadd.f32 v1, v10;
	v10 =	vld [tilespmem:s12+$0x90]  }
0x3df: {  	[tilespmem:s12+$0xFFFFFF10] =	vst v6;
	v6 =	vld [tilespmem:s12+$0xFFFFFF20];
	v3 =	vadd.f32 v7, v3  }
0x3e0: {  	v7 =	vld [tilespmem:s8+$0xFFFFFF20];
	[tilespmem:s12+$0xFFFFFF50] =	vst v1;
	v0 =	vadd.f32 v0, v11  }
0x3e1: {  	v1 =	vld [tilespmem:s8+$0xFFFFFF60];
	[tilespmem:s12+$0xFFFFFF90] =	vst v3;
	v2 =	vadd.f32 v4, v2  }
0x3e2: {  	v3 =	vld [tilespmem:s8+$0xFFFFFFA0];
	[tilespmem:s12+$0xFFFFFFD0] =	vst v0;
	v0 =	vadd.f32 v5, v9  }
0x3e3: {  	v4 =	vld [tilespmem:s8+$0xFFFFFFE0];
	[tilespmem:s12+$0x10] =	vst v2;
	v2 =	vadd.f32 v8, v10  }
0x3e4: {  	v5 =	vld [tilespmem:s8+$0x20];
	[tilespmem:s12+$0x50] =	vst v0  }
0x3e5: {  	v0 =	vadd.f32 v7, v6;
	v6 =	vld [tilespmem:s8+$0x60];
	[tilespmem:s12+$0x90] =	vst v2  }
0x3e6: {  	v2 =	vld [tilespmem:s8+$0xA0]  }
0x3e7: {  	[tilespmem:s12+$0xFFFFFF20] =	vst v0;
	v0 =	vld [tilespmem:s12+$0xFFFFFF60]  }
0x3e8: {  	v7 =	vld [tilespmem:s12+$0xFFFFFFA0]  }
0x3e9: {  	v8 =	vld [tilespmem:s12+$0xFFFFFFE0]  }
0x3ea: {  	v9 =	vld [tilespmem:s12+$0x20]  }
0x3eb: {  	v10 =	vld [tilespmem:s12+$0x60]  }
0x3ec: {  	v0 =	vadd.f32 v1, v0;
	v11 =	vld [tilespmem:s12+$0xA0]  }
0x3ed: {  	v12 =	vld [tilespmem:s8+$0xFFFFFF30];
	v1 =	vadd.f32 v3, v7  }
0x3ee: {  	v3 =	vld [tilespmem:s12+$0xFFFFFF30];
	[tilespmem:s12+$0xFFFFFF60] =	vst v0;
	v0 =	vadd.f32 v4, v8  }
0x3ef: {  	v13 =	vld [tilespmem:s8+$0xFFFFFF70];
	[tilespmem:s12+$0xFFFFFFA0] =	vst v1;
	v5 =	vadd.f32 v5, v9  }
0x3f0: {  	v4 =	vld [tilespmem:s8+$0xFFFFFFB0];
	[tilespmem:s12+$0xFFFFFFE0] =	vst v0;
	v0 =	vadd.f32 v6, v10  }
0x3f1: {  	v1 =	vld [tilespmem:s8+$0xFFFFFFF0];
	[tilespmem:s12+$0x20] =	vst v5;
	v5 =	vadd.f32 v2, v11  }
0x3f2: {  	v2 =	vld [tilespmem:s8+$0x30];
	[tilespmem:s12+$0x60] =	vst v0  }
0x3f3: {  	v6 =	vadd.f32 v12, v3;
	v3 =	vld [tilespmem:s8+$0x70];
	[tilespmem:s12+$0xA0] =	vst v5  }
0x3f4: {  	v0 =	vld [tilespmem:s8+$0xB0]  }
0x3f5: {  	[tilespmem:s12+$0xFFFFFF30] =	vst v6;
	v6 =	vld [tilespmem:s12+$0xFFFFFF70]  }
.Ltmp7:
0x3f6: {  	v9 =	vld [tilespmem:s12+$0xFFFFFFB0];
	(pc) =	sbr.rel @p0 .LBB2_16-.Ltmp7, $4  }
0x3f7: {  	v8 =	vld [tilespmem:s12+$0xFFFFFFF0]  }
0x3f8: {  	v7 =	vld [tilespmem:s12+$0x30]  }
0x3f9: {  	v5 =	vld [tilespmem:s12+$0x70]  }
0x3fa: {  	s12 =	sadd.s32 $0x200, s12;
	v10 =	vadd.f32 v13, v6;
	v6 =	vld [tilespmem:s6+$0xB0]  }
0x3fb: {  	v4 =	vadd.f32 v4, v9  }
0x3fc: {  	[tilespmem:s6+$0xFFFFFF70] =	vst v10;
	v1 =	vadd.f32 v1, v8  }
0x3fd: {  	[tilespmem:s6+$0xFFFFFFB0] =	vst v4;
	v2 =	vadd.f32 v2, v7  }
0x3fe: {  	[tilespmem:s6+$0xFFFFFFF0] =	vst v1;
	v1 =	vadd.f32 v3, v5  }
0x3ff: {  	[tilespmem:s6+$0x30] =	vst v2;
	v0 =	vadd.f32 v0, v6  }
0x400: {  	[tilespmem:s6+$0x70] =	vst v1  }
0x401: {  	[tilespmem:s6+$0xB0] =	vst v0  }
0x402: {  	s6 =	rddreg [dreg:$0x6]  }
0x403: {  	[hbm4b:s6+s3] =	stream.linear.scatter [tilespmem:s21], [sflag:$0x7], $0x3200, $0x38;
	[tilespmem:$0x11300] =	vst v63  }
0x404: {  	_ =	swait.ge [sflag:s29], $0x3200  }
0x405: {  	[sflag:s29] =	ssyncset.done $0x0  }
0x406: {  	[sflag:s29] =	ssyncadd.s32 $0xFFFFCE00  }
0x407: {  	_ =	swait.ge [sflag:s30], $0x3200  }
0x408: {  	[sflag:s30] =	ssyncset.done $0x0  }
0x409: {  	s6 =	simm.s32 $0xB000;
	[sflag:s30] =	ssyncadd.s32 $0xFFFFCE00  }
0x40a: {  	s8 =	simm.s32 $0xE200;
	v0 =	vld [tilespmem:s6+$0xC0]  }
0x40b: {  	v1 =	vld [tilespmem:s8+$0xC0]  }
0x40c: {  	v2 =	vld [tilespmem:s8+$0xFFFFFF00]  }
0x40d: {  	v3 =	vld [tilespmem:s6+$0xFFFFFF40]  }
0x40e: {  	v4 =	vld [tilespmem:s6+$0xFFFFFF80]  }
0x40f: {  	v6 =	vld [tilespmem:s8+$0xFFFFFF80]  }
0x410: {  	v7 =	vld [tilespmem:s6+$0xFFFFFFC0]  }
0x411: {  	v8 =	vld [tilespmem:s8+$0xFFFFFFC0]  }
0x412: {  	v9 =	vld [tilespmem:s6+$0x0]  }
0x413: {  	v10 =	vld [tilespmem:s8+$0x0]  }
0x414: {  	v11 =	vld [tilespmem:s8+$0x40]  }
0x415: {  	v60 =	vld [tilespmem:s6+$0xFFFFFFD0]  }
0x416: {  	v13 =	vld [tilespmem:s6+$0x10]  }
0x417: {  	v61 =	vld [tilespmem:s6+$0xFFFFFFE0]  }
0x418: {  	v62 =	vld [tilespmem:s6+$0x60];
	v0 =	vadd.f32 v1, v0  }
0x419: {  	v1 =	vld [tilespmem:s8+$0xFFFFFF40]  }
0x41a: {  	[tilespmem:s6+$0xC0] =	vst v0;
	v0 =	vld [tilespmem:s6+$0xD0]  }
0x41b: {  	v5 =	vld [tilespmem:s8+$0xD0]  }
0x41c: {  	v63 =	vld [tilespmem:s6+$0xFFFFFF30];
	v4 =	vadd.f32 v6, v4  }
0x41d: {  	v6 =	vld [tilespmem:s8+$0x80]  }
0x41e: {  	[tilespmem:s6+$0xFFFFFF80] =	vst v4;
	v4 =	vadd.f32 v10, v9;
	v10 =	vld [tilespmem:s6+$0xFFFFFF50];
	v1 =	vadd.f32 v1, v3  }
0x41f: {  	v3 =	vld [tilespmem:s6+$0x80]  }
0x420: {  	[tilespmem:s6+$0xFFFFFF40] =	vst v1;
	v0 =	vadd.f32 v5, v0;
	v5 =	vld [tilespmem:s6+$0x40]  }
0x421: {  	v1 =	vadd.f32 v8, v7;
	v8 =	vld [tilespmem:s8+$0xFFFFFF50]  }
0x422: {  	[tilespmem:s6+$0xD0] =	vst v0;
	v0 =	vld [tilespmem:s6+$0xE0]  }
0x423: {  	[tilespmem:s6+$0x0] =	vst v4;
	v12 =	vld [tilespmem:s8+$0xE0]  }
0x424: {  	v9 =	vld [tilespmem:s8+$0x10]  }
0x425: {  	v7 =	vld [tilespmem:s6+$0xFFFFFF00]  }
0x426: {  	[tilespmem:s6+$0xFFFFFFC0] =	vst v1;
	v1 =	vld [tilespmem:s8+$0xFFFFFF90]  }
0x427: {  	v4 =	vld [tilespmem:s8+$0xFFFFFFD0];
	v8 =	vadd.f32 v8, v10  }
0x428: {  	v5 =	vadd.f32 v11, v5;
	v11 =	vld [tilespmem:s6+$0xFFFFFF90];
	v0 =	vadd.f32 v12, v0  }
0x429: {  	v10 =	vld [tilespmem:s6+$0x90];
	[tilespmem:s6+$0xFFFFFF50] =	vst v8  }
0x42a: {  	v8 =	vld [tilespmem:s8+$0xFFFFFF60];
	[tilespmem:s6+$0xE0] =	vst v0;
	v0 =	vadd.f32 v2, v7  }
0x42b: {  	[tilespmem:s6+$0x40] =	vst v5;
	v7 =	vld [tilespmem:s6+$0xF0];
	v2 =	vadd.f32 v6, v3  }
0x42c: {  	v5 =	vld [tilespmem:s8+$0xF0];
	[tilespmem:s6+$0xFFFFFF00] =	vst v0  }
0x42d: {  	v1 =	vadd.f32 v1, v11;
	[tilespmem:s6+$0x80] =	vst v2;
	v2 =	vld [tilespmem:s6+$0xFFFFFF10]  }
0x42e: {  	v3 =	vld [tilespmem:s8+$0xFFFFFF10]  }
0x42f: {  	[tilespmem:s6+$0xFFFFFF90] =	vst v1;
	v1 =	vadd.f32 v9, v13;
	v6 =	vld [tilespmem:s8+$0x90]  }
0x430: {  	v4 =	vadd.f32 v4, v60;
	v0 =	vld [tilespmem:s8+$0x50]  }
0x431: {  	v9 =	vld [tilespmem:s8+$0xFFFFFFA0];
	[tilespmem:s6+$0x10] =	vst v1  }
0x432: {  	[tilespmem:s6+$0xFFFFFFD0] =	vst v4;
	v4 =	vld [tilespmem:s8+$0x20]  }
0x433: {  	v2 =	vadd.f32 v3, v2;
	v3 =	vld [tilespmem:s6+$0x50]  }
0x434: {  	v1 =	vadd.f32 v6, v10;
	v10 =	vld [tilespmem:s6+$0xFFFFFFA0]  }
0x435: {  	[tilespmem:s6+$0xFFFFFF10] =	vst v2;
	v2 =	vld [tilespmem:s6+$0xFFFFFF20]  }
0x436: {  	v11 =	vld [tilespmem:s8+$0xFFFFFF20]  }
0x437: {  	v5 =	vadd.f32 v5, v7;
	[tilespmem:s6+$0x90] =	vst v1;
	v1 =	vld [tilespmem:s6+$0xFFFFFF60]  }
0x438: {  	v7 =	vld [tilespmem:s6+$0x30]  }
0x439: {  	[tilespmem:s6+$0xF0] =	vst v5;
	v5 =	vld [tilespmem:s6+$0x70]  }
0x43a: {  	v6 =	vld [tilespmem:s8+$0xA0]  }
0x43b: {  	v0 =	vadd.f32 v0, v3;
	v3 =	vld [tilespmem:s8+$0xFFFFFFE0];
	v2 =	vadd.f32 v11, v2  }
0x43c: {  	v1 =	vadd.f32 v8, v1;
	v8 =	vadd.f32 v9, v10;
	v9 =	vld [tilespmem:s6+$0xFFFFFFB0]  }
0x43d: {  	[tilespmem:s6+$0xFFFFFF20] =	vst v2;
	v2 =	vld [tilespmem:s6+$0xA0]  }
0x43e: {  	[tilespmem:s6+$0x50] =	vst v0;
	v11 =	vld [tilespmem:s6+$0x20]  }
0x43f: {  	v0 =	vld [tilespmem:s8+$0x60];
	[tilespmem:s6+$0xFFFFFF60] =	vst v1  }
0x440: {  	[tilespmem:s6+$0xFFFFFFA0] =	vst v8;
	v8 =	vld [tilespmem:s6+$0xFFFFFFF0]  }
0x441: {  	v1 =	vadd.f32 v3, v61;
	v14 =	vld [tilespmem:s8+$0xFFFFFF70]  }
0x442: {  	v10 =	vld [tilespmem:s8+$0xFFFFFF30];
	v6 =	vadd.f32 v6, v2  }
0x443: {  	[tilespmem:s6+$0xFFFFFFE0] =	vst v1;
	v3 =	vadd.f32 v4, v11;
	v4 =	vld [tilespmem:s8+$0xFFFFFFB0]  }
0x444: {  	v0 =	vadd.f32 v0, v62;
	[tilespmem:s6+$0xA0] =	vst v6;
	v6 =	vld [tilespmem:s6+$0xFFFFFF70]  }
0x445: {  	v1 =	vld [tilespmem:s8+$0xFFFFFFF0];
	[tilespmem:s6+$0x20] =	vst v3  }
0x446: {  	[tilespmem:s6+$0x60] =	vst v0;
	v2 =	vld [tilespmem:s8+$0x30]  }
0x447: {  	v3 =	vld [tilespmem:s8+$0x70];
	v10 =	vadd.f32 v10, v63  }
0x448: {  	v0 =	vld [tilespmem:s8+$0xB0]  }
0x449: {  	s9 =	simm.s32 $0x0;
	s12 =	simm.s32 $0xB200;
	[tilespmem:s6+$0xFFFFFF30] =	vst v10;
	v10 =	vadd.f32 v14, v6;
	v6 =	vld [tilespmem:s6+$0xB0]  }
.LBB2_18:
0x44a: {  	v11 =	vld [tilespmem:s12+$0xC0];
	v4 =	vadd.f32 v4, v9;
	s8 =	sadd.s32 $0x200, s8  }
0x44b: {  	s9 =	sadd.s32 $0x8, s9;
	v9 =	vld [tilespmem:s8+$0xC0];
	[tilespmem:s6+$0xFFFFFF70] =	vst v10;
	v1 =	vadd.f32 v1, v8  }
0x44c: {  	p0 =	slt.u32 s9, $0xC0;
	v8 =	vld [tilespmem:s8+$0xFFFFFF00];
	[tilespmem:s6+$0xFFFFFFB0] =	vst v4;
	v2 =	vadd.f32 v2, v7  }
0x44d: {  	v4 =	vld [tilespmem:s12+$0xFFFFFF40];
	[tilespmem:s6+$0xFFFFFFF0] =	vst v1;
	v1 =	vadd.f32 v3, v5  }
0x44e: {  	v3 =	vld [tilespmem:s8+$0xFFFFFF40];
	[tilespmem:s6+$0x30] =	vst v2;
	v0 =	vadd.f32 v0, v6  }
0x44f: {  	v2 =	vld [tilespmem:s12+$0xFFFFFF80];
	[tilespmem:s6+$0x70] =	vst v1  }
0x450: {  	v1 =	vld [tilespmem:s8+$0xFFFFFF80];
	v5 =	vadd.f32 v9, v11;
	[tilespmem:s6+$0xB0] =	vst v0;
	s6 =	smov.u32 s12  }
0x451: {  	v0 =	vld [tilespmem:s12+$0xFFFFFFC0]  }
0x452: {  	[tilespmem:s12+$0xC0] =	vst v5;
	v5 =	vld [tilespmem:s12+$0xD0]  }
0x453: {  	v3 =	vadd.f32 v3, v4;
	v4 =	vld [tilespmem:s8+$0xD0]  }
0x454: {  	v6 =	vld [tilespmem:s8+$0xFFFFFFC0]  }
0x455: {  	[tilespmem:s12+$0xFFFFFF40] =	vst v3;
	v1 =	vadd.f32 v1, v2;
	v2 =	vld [tilespmem:s12+$0x0]  }
0x456: {  	v3 =	vld [tilespmem:s8+$0x0]  }
0x457: {  	[tilespmem:s12+$0xFFFFFF80] =	vst v1;
	v1 =	vld [tilespmem:s12+$0x40]  }
0x458: {  	v7 =	vld [tilespmem:s8+$0x40];
	v4 =	vadd.f32 v4, v5  }
0x459: {  	v0 =	vadd.f32 v6, v0;
	v5 =	vld [tilespmem:s12+$0x80]  }
0x45a: {  	[tilespmem:s12+$0xD0] =	vst v4;
	v4 =	vld [tilespmem:s12+$0xE0]  }
0x45b: {  	[tilespmem:s12+$0xFFFFFFC0] =	vst v0;
	v0 =	vadd.f32 v3, v2;
	v2 =	vld [tilespmem:s8+$0xE0]  }
0x45c: {  	v3 =	vld [tilespmem:s8+$0x80]  }
0x45d: {  	v6 =	vld [tilespmem:s12+$0xFFFFFF00];
	[tilespmem:s12+$0x0] =	vst v0;
	v0 =	vadd.f32 v7, v1  }
0x45e: {  	v1 =	vld [tilespmem:s8+$0xFFFFFF50]  }
0x45f: {  	v7 =	vld [tilespmem:s8+$0xFFFFFF90];
	[tilespmem:s12+$0x40] =	vst v0  }
0x460: {  	v0 =	vld [tilespmem:s8+$0xFFFFFFD0];
	v2 =	vadd.f32 v2, v4  }
0x461: {  	v4 =	vld [tilespmem:s8+$0x10];
	v3 =	vadd.f32 v3, v5  }
0x462: {  	v5 =	vadd.f32 v8, v6;
	[tilespmem:s12+$0xE0] =	vst v2;
	v2 =	vld [tilespmem:s12+$0xF0]  }
0x463: {  	[tilespmem:s12+$0x80] =	vst v3;
	v3 =	vld [tilespmem:s8+$0xF0]  }
0x464: {  	[tilespmem:s12+$0xFFFFFF00] =	vst v5;
	v5 =	vld [tilespmem:s8+$0x50]  }
0x465: {  	v6 =	vld [tilespmem:s8+$0xFFFFFF10]  }
0x466: {  	v8 =	vld [tilespmem:s8+$0x90]  }
0x467: {  	v9 =	vld [tilespmem:s12+$0xFFFFFF10]  }
0x468: {  	v10 =	vld [tilespmem:s12+$0xFFFFFF50];
	v2 =	vadd.f32 v3, v2  }
0x469: {  	v3 =	vld [tilespmem:s12+$0xFFFFFF90]  }
0x46a: {  	v11 =	vld [tilespmem:s12+$0xFFFFFFD0];
	[tilespmem:s12+$0xF0] =	vst v2  }
0x46b: {  	v2 =	vld [tilespmem:s12+$0x10]  }
0x46c: {  	v6 =	vadd.f32 v6, v9;
	v9 =	vld [tilespmem:s12+$0x50]  }
0x46d: {  	v1 =	vadd.f32 v1, v10;
	v10 =	vld [tilespmem:s12+$0x90]  }
0x46e: {  	[tilespmem:s12+$0xFFFFFF10] =	vst v6;
	v6 =	vld [tilespmem:s12+$0xFFFFFF20];
	v3 =	vadd.f32 v7, v3  }
0x46f: {  	v7 =	vld [tilespmem:s8+$0xFFFFFF20];
	[tilespmem:s12+$0xFFFFFF50] =	vst v1;
	v0 =	vadd.f32 v0, v11  }
0x470: {  	v1 =	vld [tilespmem:s8+$0xFFFFFF60];
	[tilespmem:s12+$0xFFFFFF90] =	vst v3;
	v2 =	vadd.f32 v4, v2  }
0x471: {  	v3 =	vld [tilespmem:s8+$0xFFFFFFA0];
	[tilespmem:s12+$0xFFFFFFD0] =	vst v0;
	v0 =	vadd.f32 v5, v9  }
0x472: {  	v4 =	vld [tilespmem:s8+$0xFFFFFFE0];
	[tilespmem:s12+$0x10] =	vst v2;
	v2 =	vadd.f32 v8, v10  }
0x473: {  	v5 =	vld [tilespmem:s8+$0x20];
	[tilespmem:s12+$0x50] =	vst v0  }
0x474: {  	v0 =	vadd.f32 v7, v6;
	v6 =	vld [tilespmem:s8+$0x60];
	[tilespmem:s12+$0x90] =	vst v2  }
0x475: {  	v2 =	vld [tilespmem:s8+$0xA0]  }
0x476: {  	[tilespmem:s12+$0xFFFFFF20] =	vst v0;
	v0 =	vld [tilespmem:s12+$0xFFFFFF60]  }
0x477: {  	v7 =	vld [tilespmem:s12+$0xFFFFFFA0]  }
0x478: {  	v8 =	vld [tilespmem:s12+$0xFFFFFFE0]  }
0x479: {  	v9 =	vld [tilespmem:s12+$0x20]  }
0x47a: {  	v10 =	vld [tilespmem:s12+$0x60]  }
0x47b: {  	v0 =	vadd.f32 v1, v0;
	v11 =	vld [tilespmem:s12+$0xA0]  }
0x47c: {  	v12 =	vld [tilespmem:s8+$0xFFFFFF30];
	v1 =	vadd.f32 v3, v7  }
0x47d: {  	v3 =	vld [tilespmem:s12+$0xFFFFFF30];
	[tilespmem:s12+$0xFFFFFF60] =	vst v0;
	v0 =	vadd.f32 v4, v8  }
0x47e: {  	v13 =	vld [tilespmem:s8+$0xFFFFFF70];
	[tilespmem:s12+$0xFFFFFFA0] =	vst v1;
	v5 =	vadd.f32 v5, v9  }
0x47f: {  	v4 =	vld [tilespmem:s8+$0xFFFFFFB0];
	[tilespmem:s12+$0xFFFFFFE0] =	vst v0;
	v0 =	vadd.f32 v6, v10  }
0x480: {  	v1 =	vld [tilespmem:s8+$0xFFFFFFF0];
	[tilespmem:s12+$0x20] =	vst v5;
	v5 =	vadd.f32 v2, v11  }
0x481: {  	v2 =	vld [tilespmem:s8+$0x30];
	[tilespmem:s12+$0x60] =	vst v0  }
0x482: {  	v6 =	vadd.f32 v12, v3;
	v3 =	vld [tilespmem:s8+$0x70];
	[tilespmem:s12+$0xA0] =	vst v5  }
0x483: {  	v0 =	vld [tilespmem:s8+$0xB0]  }
0x484: {  	[tilespmem:s12+$0xFFFFFF30] =	vst v6;
	v6 =	vld [tilespmem:s12+$0xFFFFFF70]  }
.Ltmp8:
0x485: {  	v9 =	vld [tilespmem:s12+$0xFFFFFFB0];
	(pc) =	sbr.rel @p0 .LBB2_18-.Ltmp8, $4  }
0x486: {  	v8 =	vld [tilespmem:s12+$0xFFFFFFF0]  }
0x487: {  	v7 =	vld [tilespmem:s12+$0x30]  }
0x488: {  	v5 =	vld [tilespmem:s12+$0x70]  }
0x489: {  	s12 =	sadd.s32 $0x200, s12;
	v10 =	vadd.f32 v13, v6;
	v6 =	vld [tilespmem:s6+$0xB0]  }
0x48a: {  	v4 =	vadd.f32 v4, v9  }
0x48b: {  	[tilespmem:s6+$0xFFFFFF70] =	vst v10;
	v1 =	vadd.f32 v1, v8  }
0x48c: {  	[tilespmem:s6+$0xFFFFFFB0] =	vst v4;
	v2 =	vadd.f32 v2, v7  }
0x48d: {  	[tilespmem:s6+$0xFFFFFFF0] =	vst v1;
	v63 =	vadd.f32 v3, v5  }
0x48e: {  	[tilespmem:s6+$0x30] =	vst v2;
	v0 =	vadd.f32 v0, v6  }
0x48f: {  	[tilespmem:s6+$0x70] =	vst v63  }
0x490: {  	[tilespmem:s6+$0xB0] =	vst v0  }
0x491: {  	s0 =	sadd.s32 $0x1, s0;
	s6 =	rddreg [dreg:$0x7]  }
0x492: {  	[hbm4b:s6+s3] =	stream.linear.scatter [tilespmem:s24], [sflag:$0x8], $0x3200, $0x38;
	[tilespmem:$0x11300] =	vst v63  }
0x493: {  	p0 =	sne.s32 s0, s14;
	_ =	swait.ge [sflag:s31], $0x3200  }
.Ltmp9:
0x494: {  	[sflag:s31] =	ssyncset.done $0x0;
	(pc) =	sbr.rel @p0 .LBB2_1-.Ltmp9, $4  }
0x495: {  	[sflag:s31] =	ssyncadd.s32 $0xFFFFCE00  }
0x496: {  	_ =	swait.ge [sflag:s1], $0x3200  }
0x497: {  	[sflag:s1] =	ssyncset.done $0x0  }
0x498: {  	[sflag:s1] =	ssyncadd.s32 $0xFFFFCE00  }
0x499: {  	_ =	sfence.sel $0x180000  }
0x49a: {  	[bflag:$0x0] =	sbarrier.arrive $0xFFFF  }
0x49b: {  	_ =	strace $0x90000047  }
0x49c: {  	s0 =	stileid.u32;
	[bflag:$0x2] =	sbarrier.arrive $0xFFFF  }
0x49d: {  	p0 =	sne.s32 s0, $0x0;
	s0 =	rddreg [dreg:$0x2]  }
0x49e: {  	s0 =	sadd.s32 @!p0 $0x100000, s0  }
0x49f: {  	[sflag:s0] =	ssyncadd.tile.s32 @!p0 $0x1;
	_ =	shalt  }
.Lfunc_end2:
_tile_overlayer_lowered:
.L_overlay_start_2:
0x4a0: {  	(tag) =	ssettag $0x2  }
0x4a1: {  	s0 =	rddreg [dreg:$0x0];
	s2 =	stileid.u32  }
0x4a2: {  	s1 =	rddreg [dreg:$0x1];
	p0 =	sne.s32 s2, $0x0  }
0x4a3: {  	s3 =	rddreg [dreg:$0x2];
	[bflag:$0x3] =	sbarrier.arrive $0xFFFF;
	s2 =	simm.s32 @!p0 $0x1C09  }
0x4a4: {  	[timem:s3], [sflag:s2] =	dma.local @!p0 [hbm:s0], s1  }
0x4a5: {  	s0 =	simm.s32 @!p0 $0x9  }
0x4a6: {  	_ =	swait.ge @!p0 [sflag:s0], s1  }
0x4a7: {  	s1 =	ssub.s32 @!p0 $0x0, s1;
	[sflag:s0] =	ssyncset.done @!p0 $0x0  }
0x4a8: {  	[sflag:s0] =	ssyncadd.s32 @!p0 s1  }
0x4a9: {  	[bflag:$0x3] =	sbarrier.arrive $0xFFFF  }
0x4aa: {  	_ =	shalt  }

// kernel: sparse-core-data-format-call.cloned.1.call-start
scs
called_computation_lowered:
.L_overlay_start_0:
0x0: {  	s2 =	sld [smem:$0x3FD9]  }
0x1: {  	s3 =	sld [smem:$0x3FFE];
	_ =	sdelay $0x1  }
0x2: {  	s1 =	srdreg.scid  }
0x3: {  	s0 =	sand.u32 $0x1, s1  }
0x4: {  	s18 =	sshll.u32 s0, $0xA;
	s2 =	sadd.s32 s3, s2  }
0x5: {  	s2 =	sadd.s32 s2, s18  }
0x6: {  	[smem:$0x3FC5] =	sst s2  }
0x7: {  	_ = 	snop  }
0x8: {  	s2 =	sld [smem:$0x3FD0];
	(tm) =	ssettm $0x1  }
0x9: {  	s19 =	sld [smem:$0x3FFB];
	_ =	sdelay $0x3  }
0xa: {  	_ =	strace s19  }
0xb: {  	s3 =	sld [smem:$0x3FFC];
	_ =	sdelay $0x3  }
0xc: {  	_ =	strace s3  }
0xd: {  	s3 =	sld [smem:$0x3FFD];
	_ =	sdelay $0x3  }
0xe: {  	_ =	strace s3  }
0xf: {  	_ =	strace $0x8FFFFFFF  }
0x10: {  	s20 =	sld [smem:$0x3FDB];
	_ =	sdelay $0x1  }
0x11: {  	s4 =	simm.s32 $_scs_section_size  }
0x12: {  	s5 =	simm.s32 $_size__tile_overlayer_lowered;
	s6 =	simm.s32 $_tile_overlayer_lowered  }
0x13: {  	s23 =	simm.s32 $0x1BFF;
	s22 =	sshll.u32 s6, $0x1;
	s3 =	sadd.s32 s4, s20  }
0x14: {  	s7 =	simm.s32 $0x0;
	s21 =	sshll.u32 s5, $0x1;
	s5 =	sadd.s32 s22, s3  }
0x15: {  	[timem:s7], [sflag:s23] =	dma.local [hbm:s5], s21  }
0x16: {  	_ =	swait.ge [sflag:s23], s21  }
0x17: {  	s4 =	ssub.s32 $0x0, s21;
	[sflag:s23] =	ssyncset.done $0x0  }
0x18: {  	[sflag:s23] =	ssyncadd.s32 s4;
	_ =	sdelay $0x1  }
0x19: {  	s24 =	simm.s32 $0x1B8B  }
0x1a: {  	_ =	swait.ge [sflag:s24], $0x1  }
0x1b: {  	[sflag:s24] =	ssyncset.done $0x0  }
0x1c: {  	s26 =	simm.s32 $0x1B8E;
	s25 =	sld [smem:$0x3FFE];
	[sflag:s24] =	ssyncadd.s32 $0xFFFFFFFF  }
0x1d: {  	s27 =	simm.s32 $execute0_lowered;
	[smem:$0x3FD2] =	sst s26  }
0x1e: {  	s5 =	sshll.u32 s27, $0x1;
	_ =	strace $0x80000049;
	[dreg:$0x1] =	wrdreg $0xFFFFFFFF  }
0x1f: {  	s28 =	simm.s32 $_size_execute0_lowered;
	s3 =	sadd.s32 s3, s5;
	[dreg:$0x0] =	wrdreg $0x0  }
0x20: {  	s5 =	sshll.u32 s28, $0x1;
	[dreg:$0x2] =	wrdreg s3  }
0x21: {  	[dreg:$0x3] =	wrdreg s5  }
0x22: {  	[dreg:$0x4] =	wrdreg $0xC0  }
0x23: {  	_ =	task [dreg:s7], $0x5FFFF  }
0x24: {  	[dreg:$0x1] =	wrdreg $0xFFFFFFFF  }
0x25: {  	[dreg:$0x0] =	wrdreg $0x60  }
0x26: {  	[dreg:$0x2] =	wrdreg s25  }
0x27: {  	[dreg:$0x3] =	wrdreg s2  }
0x28: {  	[dreg:$0x4] =	wrdreg $0x9  }
0x29: {  	_ =	task.clear_ibuf [dreg:s7], $0x5FFFF;
	_ =	strace $0x90000049  }
0x2a: {  	s29 =	simm.s32 $0x9;
	_ =	strace $0x8000004B  }
0x2b: {  	_ =	swait.ge [sflag:s29], $0x1  }
0x2c: {  	[sflag:s29] =	ssyncadd.s32 $0xFFFFFFFF  }
0x2d: {  	_ =	strace $0x9000004B  }
0x2e: {  	_ =	sfence  }
0x2f: {  	s30 =	sld [smem:$0x0];
	_ =	sdelay $0x2  }
0x30: {  	s31 =	sshll.u32 s1, $0xD;
	s1 =	sshrl.u32 s1, $0x2  }
0x31: {  	s3 =	sand.u32 $0x4000, s31;
	s1 =	sadd.s32 s1, s30  }
0x32: {  	s0 =	sor.u32 s3, s0;
	s1 =	sshll.u32 s1, $0x11  }
0x33: {  	s0 =	sor.u32 s1, s0  }
0x34: {  	s0 =	sadd.s32 $0x8F2B, s0  }
0x35: {  	[sflag:s0] =	ssyncadd.remote.s32 $0x1  }
0x36: {  	_ =	sfence.sel $0xFFFF  }
0x37: {  	[dreg:$0x0] =	wrdreg $0xFFFFFFFF;
	(pc) =	sbr.abs _section_cstart, $3  }
0x38: {  	[dreg:$0x1] =	wrdreg $0xFFFFFFFF  }
0x39: {  	_ =	task.clear_ibuf [dreg:s7], $0x2FFFF;
	_ =	strace $0x9FFFFFFF  }
0x3a: {  	(tm) =	ssettm $0x7FFFFFFF  }
0x3b: {  	_ =	shalt  }
tec
execute0_lowered:
.L_overlay_start_1:
0x0: {  	(tag) =	ssettag $0x1  }
0x1: {  	s0 =	stileid.u32;
	s6 =	rddreg [dreg:$0x0]  }
0x2: {  	s2 =	rddreg [dreg:$0x1];
	s5 =	srdreg.scid  }
0x3: {  	s31 =	simm.s32 $0x2;
	s13 =	simm.s32 $0x0;
	s1 =	sshll.u32 s0, $0x7  }
0x4: {  	s14 =	simm.s32 $0x0;
	s12 =	simm.s32 $0x0;
	s3 =	sand.u32 $0x380, s1  }
0x5: {  	s5 =	sshll.u32 s5, $0x4;
	s6 =	sadd.s32 $0xC00, s6;
	s4 =	ssub.s32 $0x400, s3  }
0x6: {  	s1 =	rddreg [dreg:$0x2];
	_ =	strace $0x8000004A;
	s7 =	sand.u32 $0x380, s4  }
0x7: {  	s5 =	sand.u32 $0x10, s5;
	p0 =	sne.s32 s7, $0x0;
	s7 =	simm.s32 $0x1  }
.Ltmp0:
0x8: {  	s8 =	sshrl.u32 s4, $0xA;
	s7 =	simm.s32 @!p0 $0x0;
	(pc) =	sbr.rel .LBB1_1-.Ltmp0, $4  }
0x9: {  	s9 =	sor.u32 s0, s5;
	s4 =	simm.s32 $0x1;
	s30 =	sadd.s32 s7, s8  }
0xa: {  	s11 =	smov.u32 s3;
	[sflag:s4] =	ssyncpa.u1 $0x0;
	s5 =	smul.u32 $0x32, s30  }
0xb: {  	[sflag:s31] =	ssyncpa.u1 $0x0;
	p0 =	por $0x0, $0x0;
	s7 =	sshrl.u32 s9, $0x3  }
0xc: {  	s9 =	simm.s32 $0x2000;
	s10 =	smov.u32 s7;
	s8 =	sor.u32 $0x1, s5  }
.LBB1_4:
0xd: {  	s17 =	sand.u32 $0x1F80, s14;
	s13 =	sshll.u32 s13, $0xD  }
0xe: {  	[tilespmem:s16+$0x810 ss:$0x81] =	vst.msk $0xffff, v2;
	s18 =	sshrl.u32 s14, $0x3;
	s31 =	sand.u32 $0x7, s14;
	s17 =	sadd.s32 s2, s17  }
0xf: {  	[tilespmem:s16+$0x1020 ss:$0x81] =	vst.msk $0xffff, v0;
	s18 =	sand.u32 $0xF, s18;
	s14 =	sshll.u32 s31, $0x12;
	s13 =	sadd.s32 s13, s17  }
0x10: {  	[tilespmem:s16+$0x0 ss:$0x81] =	vst.msk $0xffff, v1;
	s14 =	sor.u32 $0x400, s14;
	s13 =	sadd.s32 s18, s13  }
0x11: {  	[hbm4b:s13+s14] =	stream.strided.scatter [tilespmem:s15], [sflag:$0x2], $0x2000, s9, s14, $0x20;
	[tilespmem:$0x8080] =	vst v63  }
.LBB1_5:
0x12: {  	s15 =	sadd.s32 $0x4, s10  }
0x13: {  	s13 =	sadd.s32 $0x400, s11;
	s17 =	smov.u32 s11;
	p2 =	sgt.s32 s15, $0xC7  }
0x14: {  	s17 =	smov.u32 @p2 s13  }
0x15: {  	s15 =	smov.u32 @p2 s7;
	p2 =	sgt.s32 s17, $0x3FF  }
0x16: {  	s17 =	smov.u32 @p2 s3;
	p2 =	sne.s32 s12, s8  }
.Ltmp1:
0x17: {  	p1 =	slt.u32 s12, $0x2;
	(pc) =	sbr.rel @!p2 .LBB1_6-.Ltmp1, $4  }
0x18: {  	s16 =	simm.s32 @!p1 $0x2  }
0x19: {  	s14 =	smov.u32 s11;
	p0 =	por !p0, !p0;
	_ =	swait.ge @!p1 [sflag:s16], $0x2000  }
0x1a: {  	s13 =	smov.u32 s10;
	[sflag:s16] =	ssyncset.done @!p1 $0x0;
	s10 =	smov.u32 s15  }
0x1b: {  	s12 =	sadd.s32 $0x1, s12;
	[sflag:s16] =	ssyncadd.s32 @!p1 $0xFFFFE000;
	s11 =	smov.u32 s17  }
.LBB1_1:
0x1c: {  	p1 =	sge.u32 s12, s5  }
0x1d: {  	s15 =	sand.u32 @!p1 $0x1FFFFFF, s10  }
0x1e: {  	s16 =	smulhi.u32 @!p1 $0x147AE15, s15;
	_ =	sdelay $0x1  }
0x1f: {  	s16 =	smul.u32 @!p1 $0xC8, s16  }
0x20: {  	s17 =	sxor.u32 @!p1 $0xFFFFFFFF, s12;
	s18 =	smul.u32 @!p1 $0xC80, s11  }
0x21: {  	s31 =	sadd.s32 $0xFFFFFFFF, s12;
	s17 =	sshll.u32 @!p1 s17, $0xD;
	s15 =	ssub.s32 @!p1 s15, s16  }
0x22: {  	s16 =	sand.u32 @!p1 $0x2000, s17;
	s17 =	sadd.s32 @!p1 s6, s18;
	s15 =	sshll.u32 @!p1 s15, $0x4  }
0x23: {  	s18 =	simm.s32 @!p1 $0x6400;
	s15 =	sadd.s32 @!p1 s15, s17;
	s17 =	simm.s32 @!p1 $0x40  }
0x24: {  	[tilespmem:s16], [sflag:$0x1] =	stream.strided.gather @!p1 [hbm4b:s15+s17], $0x2000, s18, s17, $0x38;
	[tilespmem:$0x8080] =	vst v63  }
0x25: {  	p1 =	sge.u32 s31, s5  }
.Ltmp2:
0x26: {  	_ = 	snop;
	(pc) =	sbr.rel @p1 .LBB1_5-.Ltmp2, $1  }
0x27: {  	_ =	sdelay $0x3  }
0x28: {  	s15 =	simm.s32 $0x1  }
0x29: {  	_ =	swait.ge [sflag:s4], $0x2000;
	s15 =	simm.s32 @!p0 $0x0  }
0x2a: {  	[sflag:s4] =	ssyncset.done $0x0;
	s16 =	sshll.u32 s15, $0xD  }
0x2b: {  	[sflag:s4] =	ssyncadd.s32 $0xFFFFE000;
	s19 =	sor.u32 $0x20, s16  }
0x2c: {  	s15 =	smul.u32 $0x8100, s15;
	v3 =	vld [tilespmem:s19+$0x10]  }
0x2d: {  	s30 =	sand.u32 $0x1, s12;
	v2 =	vld [tilespmem:s19+$0xFFFFFFF0]  }
0x2e: {  	s16 =	smul.u32 $0x8100, s30;
	s15 =	sshrl.u32 s15, $0x2;
	v0 =	vld [tilespmem:s19+$0x0]  }
0x2f: {  	v1 =	vld [tilespmem:s19+$0xFFFFFFE0];
	s17 =	sor.u32 $0x4000, s15  }
0x30: {  	s31 =	sshrl.u32 s16, $0x2;
	s16 =	sadd.s32 $0x0, s17  }
0x31: {  	s18 =	simm.s32 $0x4;
	s19 =	sadd.s32 $0x40, s19;
	s15 =	sor.u32 $0x4000, s31;
	[tilespmem:s16+$0x1830 ss:$0x81] =	vst.msk $0xffff, v3  }
.LBB1_3:
0x32: {  	v3 =	vld [tilespmem:s19+$0x10];
	p1 =	sne.s32 s18, $0x1FC;
	[tilespmem:s16+$0x810 ss:$0x81] =	vst.msk $0xffff, v2;
	s20 =	smov.u32 s18;
	s18 =	sadd.s32 $0x4, s18  }
.Ltmp3:
0x33: {  	v2 =	vld [tilespmem:s19+$0xFFFFFFF0];
	[tilespmem:s16+$0x1020 ss:$0x81] =	vst.msk $0xffff, v0;
	(pc) =	sbr.rel @p1 .LBB1_3-.Ltmp3, $4  }
0x34: {  	v0 =	vld [tilespmem:s19+$0x0];
	[tilespmem:s16+$0x0 ss:$0x81] =	vst.msk $0xffff, v1  }
0x35: {  	s16 =	sshra.s32 s20, $0x2;
	v1 =	vld [tilespmem:s19+$0xFFFFFFE0]  }
0x36: {  	s16 =	sadd.s32 s16, s17  }
0x37: {  	s19 =	sadd.s32 $0x40, s19;
	[tilespmem:s16+$0x1830 ss:$0x81] =	vst.msk $0xffff, v3  }
.Ltmp4:
0x38: {  	_ = 	snop;
	(pc) =	sbr.rel .LBB1_4-.Ltmp4, $1  }
0x39: {  	_ =	sdelay $0x3  }
.LBB1_6:
0x3a: {  	_ =	sfence.sel $0x180000  }
0x3b: {  	s2 =	simm.s32 $0x1;
	[bflag:$0x0] =	sbarrier.arrive $0xFFFF  }
0x3c: {  	s31 =	simm.s32 $0x2;
	[sflag:s2] =	ssyncpa.u1 $0x1  }
0x3d: {  	[sflag:s31] =	ssyncpa.u1 $0x1  }
0x3e: {  	p0 =	sne.s32 s0, $0x0;
	_ =	strace $0x9000004A  }
0x3f: {  	s0 =	sadd.s32 @!p0 $0x100000, s1;
	[bflag:$0x2] =	sbarrier.arrive $0xFFFF  }
0x40: {  	[sflag:s0] =	ssyncadd.tile.s32 @!p0 $0x1;
	_ =	shalt  }
.Lfunc_end1:
_tile_overlayer_lowered:
.L_overlay_start_2:
0x41: {  	(tag) =	ssettag $0x2  }
0x42: {  	s0 =	rddreg [dreg:$0x0];
	s2 =	stileid.u32  }
0x43: {  	s1 =	rddreg [dreg:$0x1];
	p0 =	sne.s32 s2, $0x0  }
0x44: {  	s3 =	rddreg [dreg:$0x2];
	[bflag:$0x3] =	sbarrier.arrive $0xFFFF;
	s2 =	simm.s32 @!p0 $0x1C01  }
0x45: {  	[timem:s3], [sflag:s2] =	dma.local @!p0 [hbm:s0], s1  }
0x46: {  	s0 =	simm.s32 @!p0 $0x1  }
0x47: {  	_ =	swait.ge @!p0 [sflag:s0], s1  }
0x48: {  	s1 =	ssub.s32 @!p0 $0x0, s1;
	[sflag:s0] =	ssyncset.done @!p0 $0x0  }
0x49: {  	[sflag:s0] =	ssyncadd.s32 @!p0 s1  }
0x4a: {  	[bflag:$0x3] =	sbarrier.arrive $0xFFFF  }
0x4b: {  	_ =	shalt  }

</sc_bundles>
